<compile_context>
chip_gen: v7x
topology: tpu7x:2x2x1
jax: 0.10.2.dev20260603
libtpu: 0.0.44.dev20260713+nightly
codegen_flags: <defaults>
</compile_context>

<pallas_src>
import functools

import jax
import jax.numpy as jnp
import numpy as np
from jax import lax
from jax.experimental import pallas as pl
from jax.experimental.pallas import tpu as pltpu
from jax.experimental.pallas import tpu_sc as plsc

N = 10000
E = 320000
D = 128
OUT = 128
MLP_IN = OUT * 8
H1 = OUT * 2
N_PAD = 10240


def _dense_pre_body(x_ref, wl_ref, bl_ref, wr_ref, br_ref, xl_ref, xr_ref):
    x = x_ref[...]
    xl_ref[...] = jnp.dot(x, wl_ref[...], preferred_element_type=jnp.float32) + bl_ref[...]
    xr_ref[...] = jnp.dot(x, wr_ref[...], preferred_element_type=jnp.float32) + br_ref[...]


def _dense_pre(x_eps, Wl, bl, Wr, br):
    return pl.pallas_call(
        _dense_pre_body,
        out_shape=(
            jax.ShapeDtypeStruct((N, OUT), jnp.float32),
            jax.ShapeDtypeStruct((N, OUT), jnp.float32),
        ),
    )(x_eps, Wl, bl.reshape(1, OUT), Wr, br.reshape(1, OUT))


def _dense_post_body(h0_ref, h1_ref, den_ref, gb_ref, wmu_ref, bmu_ref,
                     wlv_ref, blv_ref, mu_ref, lv_ref):
    inv = 1.0 / (den_ref[...] + 1e-16)
    h = jnp.maximum((h0_ref[...] + h1_ref[...]) * inv + gb_ref[...], 0.0)
    mu_ref[...] = jnp.dot(h, wmu_ref[...], preferred_element_type=jnp.float32) + bmu_ref[...]
    lv_ref[...] = jnp.dot(h, wlv_ref[...], preferred_element_type=jnp.float32) + blv_ref[...]


def _dense_post(h0, h1, den_col, gat_bias, W_nmu, b_nmu, W_nlv, b_nlv):
    return pl.pallas_call(
        _dense_post_body,
        out_shape=(
            jax.ShapeDtypeStruct((N, OUT), jnp.float32),
            jax.ShapeDtypeStruct((N, OUT), jnp.float32),
        ),
    )(h0, h1, den_col, gat_bias.reshape(1, OUT), W_nmu, b_nmu.reshape(1, OUT),
      W_nlv, b_nlv.reshape(1, OUT))


@functools.lru_cache(maxsize=1)
def _pool_matrix():
    i = np.arange(MLP_IN)
    starts = (i * N) // MLP_IN
    ends = ((i + 1) * N + MLP_IN - 1) // MLP_IN
    P = np.zeros((N_PAD, MLP_IN), np.float32)
    for j in range(MLP_IN):
        P[starts[j]:ends[j], j] = 1.0 / (ends[j] - starts[j])
    return jnp.asarray(P)


def _pool_body(xT_ref, p_ref, t_ref):
    @pl.when(pl.program_id(0) == 0)
    def _init():
        t_ref[...] = jnp.zeros_like(t_ref)
    t_ref[...] += jnp.dot(xT_ref[...], p_ref[...], preferred_element_type=jnp.float32)


def _pool(xT):
    KC = 8
    KB = N_PAD // KC
    return pl.pallas_call(
        _pool_body,
        grid=(KC,),
        in_specs=[
            pl.BlockSpec((D, KB), lambda k: (0, k)),
            pl.BlockSpec((KB, MLP_IN), lambda k: (k, 0)),
        ],
        out_specs=pl.BlockSpec((D, MLP_IN), lambda k: (0, 0)),
        out_shape=jax.ShapeDtypeStruct((D, MLP_IN), jnp.float32),
    )(xT, _pool_matrix())


def _ln(x, g, b):
    m = jnp.mean(x, axis=-1, keepdims=True)
    v = jnp.mean((x - m) ** 2, axis=-1, keepdims=True)
    return (x - m) * jax.lax.rsqrt(v + 1e-5) * g + b


def _attr_mlp_body(t_ref, ln1g, ln1b, w1, b1, ln2g, ln2b, w2, b2,
                   ln3g, ln3b, w3, b3, wamu, bamu, walv, balv,
                   mu_ref, lv_ref):
    t = t_ref[...]
    t = jnp.tanh(jnp.dot(_ln(t, ln1g[...], ln1b[...]), w1[...],
                         preferred_element_type=jnp.float32) + b1[...])
    t = jnp.tanh(jnp.dot(_ln(t, ln2g[...], ln2b[...]), w2[...],
                         preferred_element_type=jnp.float32) + b2[...])
    h_A = jnp.tanh(jnp.dot(_ln(t, ln3g[...], ln3b[...]), w3[...],
                           preferred_element_type=jnp.float32) + b3[...])
    mu_ref[...] = jnp.dot(h_A, wamu[...], preferred_element_type=jnp.float32) + bamu[...]
    lv_ref[...] = jnp.dot(h_A, walv[...], preferred_element_type=jnp.float32) + balv[...]


def _attr_mlp(t, ln1_g, ln1_b, W1, b1, ln2_g, ln2_b, W2, b2,
              ln3_g, ln3_b, W3, b3, W_amu, b_amu, W_alv, b_alv):
    r = lambda a: a.reshape(1, -1)
    return pl.pallas_call(
        _attr_mlp_body,
        out_shape=(
            jax.ShapeDtypeStruct((D, OUT), jnp.float32),
            jax.ShapeDtypeStruct((D, OUT), jnp.float32),
        ),
    )(t, r(ln1_g), r(ln1_b), W1, r(b1), r(ln2_g), r(ln2_b), W2, r(b2),
      r(ln3_g), r(ln3_b), W3, r(b3), W_amu, r(b_amu), W_alv, r(b_alv))


NW = 32
EW = E // NW
CH = 48
NCHM = 208
TAIL = EW - NCHM * CH
STRIPE = 624


def _edge_body(xl_hbm, xr_hbm, src_hbm, dst_hbm, att_hbm, z2_hbm, z1_hbm,
               h_out, den_out,
               att_v, den_loc,
               src0, dst0, src1, dst1, src2, dst2,
               xlr0, xrr0, xlr1, xrr1, xlr2, xrr2, h_sh,
               si0, si1, si2, sg0, sg1, sg2, ss0, ss1, ss2):
    cid = lax.axis_index("c")
    sid = lax.axis_index("s")
    wid = cid * 16 + sid
    ebase0 = pl.multiple_of(wid * EW, 8)
    hbase = pl.multiple_of(sid * STRIPE, 8)
    SRC = [src0, src1, src2]
    DST = [dst0, dst1, dst2]
    XL = [xlr0, xlr1, xlr2]
    XR = [xrr0, xrr1, xrr2]
    SI = [si0, si1, si2]
    SG = [sg0, sg1, sg2]
    SS = [ss0, ss1, ss2]

    pltpu.sync_copy(att_hbm, att_v)
    pltpu.sync_copy(z1_hbm, den_loc)
    for j in range(4):
        pltpu.sync_copy(z2_hbm, h_sh.at[pl.ds(hbase + j * 128, 128)])
    pltpu.sync_copy(z2_hbm.at[pl.ds(0, STRIPE - 512)],
                    h_sh.at[pl.ds(hbase + 512, STRIPE - 512)])

    @pl.when(sid == 15)
    def _zrem():
        pltpu.sync_copy(z2_hbm.at[pl.ds(0, 16)], h_sh.at[pl.ds(16 * STRIPE, 16)])

    plsc.subcore_barrier()

    lanes = lax.iota(jnp.int32, 16)
    perms = [lanes ^ s for s in (8, 4, 2, 1)]
    attc = [att_v[pl.ds(c * 16, 16)] for c in range(8)]

    def idx_issue(i, b):
        o = pl.multiple_of(ebase0 + i * CH, 8)
        pltpu.async_copy(src_hbm.at[pl.ds(o, CH)], SRC[b], SI[b])
        pltpu.async_copy(dst_hbm.at[pl.ds(o, CH)], DST[b], SI[b])

    def wait_idx(b):
        pltpu.make_async_copy(src_hbm.at[pl.ds(0, CH)], SRC[b], SI[b]).wait()
        pltpu.make_async_copy(dst_hbm.at[pl.ds(0, CH)], DST[b], SI[b]).wait()

    def gather_issue(b):
        pltpu.async_copy(xl_hbm.at[SRC[b]], XL[b], SG[b])
        pltpu.async_copy(xr_hbm.at[DST[b]], XR[b], SG[b])

    def wait_gather(b):
        pltpu.make_async_copy(xl_hbm.at[SRC[b]], XL[b], SG[b]).wait()
        pltpu.make_async_copy(xr_hbm.at[DST[b]], XR[b], SG[b]).wait()

    def wait_scatter(b, rows=CH):
        pltpu.make_async_copy(xl_hbm.at[pl.ds(0, rows)], XL[b].at[pl.ds(0, rows)],
                              SS[b]).wait()

    def group(xlr, xrr, d16, g):
        def edge_body(u, a16):
            row = g * 16 + u
            vl = [xlr[row, pl.ds(c * 16, 16)] for c in range(8)]
            acc = jnp.zeros((16,), jnp.float32)
            for c in range(8):
                z = vl[c] + xrr[row, pl.ds(c * 16, 16)]
                z = jnp.maximum(z, 0.2 * z)
                acc = acc + z * attc[c]
            for p in perms:
                acc = acc + acc.at[p].get(mode="promise_in_bounds")
            av = jnp.exp(acc)
            a16 = jnp.where(lanes == u, av, a16)
            for c in range(8):
                xlr[row, pl.ds(c * 16, 16)] = vl[c] * av
            return a16

        a16 = lax.fori_loop(0, 16, edge_body, jnp.zeros((16,), jnp.float32))
        plsc.addupdate_scatter(den_loc, [d16], a16)

    def compute(b):
        xlr, xrr = XL[b], XR[b]

        def group_body(g, _):
            group(xlr, xrr, DST[b][pl.ds(g * 16, 16)], g)
            return 0

        lax.fori_loop(0, CH // 16, group_body, 0)
        pltpu.async_copy(xlr, h_sh.at[DST[b]], SS[b], add=True)

    idx_issue(0, 0)
    idx_issue(1, 1)
    wait_idx(0)
    gather_issue(0)
    wait_idx(1)
    gather_issue(1)
    idx_issue(2, 2)

    def outer(j, _):
        for b in range(3):
            i = j * 3 + b
            wait_gather(b)
            compute(b)
            bp = (b + 2) % 3
            if b == 0:
                @pl.when(j > 0)
                def _ws():
                    wait_scatter(bp)
            else:
                wait_scatter(bp)

            @pl.when(i + 2 < NCHM)
            def _g():
                wait_idx(bp)
                gather_issue(bp)

            @pl.when(i + 3 < NCHM)
            def _ii():
                idx_issue(i + 3, b)
        return 0

    lax.fori_loop(0, (NCHM - 1) // 3, outer, 0)

    wait_gather(0)
    compute(0)
    wait_scatter(2)

    ot = pl.multiple_of(ebase0 + NCHM * CH, 8)
    pltpu.sync_copy(src_hbm.at[pl.ds(ot, TAIL)], src1.at[pl.ds(0, TAIL)])
    pltpu.sync_copy(dst_hbm.at[pl.ds(ot, TAIL)], dst1.at[pl.ds(0, TAIL)])
    pltpu.async_copy(xl_hbm.at[src1.at[pl.ds(0, TAIL)]], xlr1.at[pl.ds(0, TAIL)], sg1)
    pltpu.async_copy(xr_hbm.at[dst1.at[pl.ds(0, TAIL)]], xrr1.at[pl.ds(0, TAIL)], sg1)
    pltpu.make_async_copy(xl_hbm.at[pl.ds(0, TAIL)], xlr1.at[pl.ds(0, TAIL)], sg1).wait()
    pltpu.make_async_copy(xl_hbm.at[pl.ds(0, TAIL)], xrr1.at[pl.ds(0, TAIL)], sg1).wait()
    group(xlr1, xrr1, dst1[pl.ds(0, 16)], 0)
    pltpu.async_copy(xlr1.at[pl.ds(0, TAIL)], h_sh.at[dst1.at[pl.ds(0, TAIL)]],
                     ss1, add=True)
    wait_scatter(0)
    wait_scatter(1, rows=TAIL)

    plsc.subcore_barrier()
    pltpu.sync_copy(h_sh.at[pl.ds(hbase, STRIPE)],
                    h_out.at[cid, pl.ds(hbase, STRIPE)])

    @pl.when(sid == 15)
    def _orem():
        pltpu.sync_copy(h_sh.at[pl.ds(16 * STRIPE, 16)],
                        h_out.at[cid, pl.ds(16 * STRIPE, 16)])

    pltpu.sync_copy(den_loc, den_out.at[wid])


def _edge_sc(xl, xr, src, dst, att):
    import functools as _ft
    mesh = plsc.VectorSubcoreMesh(core_axis_name="c", subcore_axis_name="s")
    zeros2 = jnp.zeros((128, 128), jnp.float32)
    zeros1 = jnp.zeros((N,), jnp.float32)
    f = _ft.partial(
        pl.kernel,
        mesh=mesh,
        compiler_params=pltpu.CompilerParams(needs_layout_passes=False),
        out_type=[
            jax.ShapeDtypeStruct((2, N, OUT), jnp.float32),
            jax.ShapeDtypeStruct((NW, N), jnp.float32),
        ],
        scratch_types=(
            [
                pltpu.VMEM((128,), jnp.float32),
                pltpu.VMEM((N,), jnp.float32),
            ]
            + [pltpu.VMEM((CH,), jnp.int32)] * 6
            + [pltpu.VMEM((CH, OUT), jnp.float32)] * 6
            + [pltpu.VMEM_SHARED((N, OUT), jnp.float32)]
            + [pltpu.SemaphoreType.DMA] * 9
        ),
    )(_edge_body)
    return f(xl, xr, src, dst, att, zeros2, zeros1)


def kernel(x, edge_index, Wl, bl, Wr, br, att, gat_bias, W_nmu, b_nmu,
           W_nlv, b_nlv, ln1_g, ln1_b, W1, b1, ln2_g, ln2_b, W2, b2,
           ln3_g, ln3_b, W3, b3, W_amu, b_amu, W_alv, b_alv):
    nkey = jax.random.key(42)
    noise1 = jax.random.normal(jax.random.fold_in(nkey, 0), x.shape, x.dtype)
    noise2 = jax.random.normal(jax.random.fold_in(nkey, 1), x.shape, x.dtype)

    x_eps = x + noise1
    xl, xr = _dense_pre(x_eps, Wl, bl, Wr, br)

    src = edge_index[0]
    dst = edge_index[1]

    h_parts, den_parts = _edge_sc(xl, xr, src, dst, att)
    den_col = den_parts.sum(0).reshape(N, 1)

    node_mu, node_logvar = _dense_post(h_parts[0], h_parts[1], den_col,
                                       gat_bias, W_nmu, b_nmu, W_nlv, b_nlv)

    xT = jnp.pad((x + noise2).T, ((0, 0), (0, N_PAD - N)))
    t = _pool(xT)
    attr_mu, attr_logvar = _attr_mlp(t, ln1_g, ln1_b, W1, b1, ln2_g, ln2_b,
                                     W2, b2, ln3_g, ln3_b, W3, b3,
                                     W_amu, b_amu, W_alv, b_alv)
    return (node_mu, node_logvar, attr_mu, attr_logvar)

# --- scband reference (transcript-rebuilt; emitter-appended) ---
"""Pipeline reference for scband-gra-miencoder-33045478376093 (READ-ONLY COPY).

The authoritative reference and input builder live on the scoring server;
editing this copy changes nothing except your own understanding.
"""

import jax, jax.numpy as jnp
import numpy as np

N = 10000
E = 320000
D = 128
OUT = 128

def _leaky(x):
    return jnp.where(x >= 0, x, 0.2 * x)

def _ln(x, g, b):
    m = jnp.mean(x, axis=-1, keepdims=True)
    v = jnp.var(x, axis=-1, keepdims=True)
    return (x - m) / jnp.sqrt(v + 1e-5) * g + b

def _adaptive_avg_pool1d(x, out_size):
    L = x.shape[1]
    i = np.arange(out_size)
    starts = (i * L) // out_size
    ends = ((i + 1) * L + out_size - 1) // out_size
    csum = jnp.concatenate([jnp.zeros((x.shape[0], 1), x.dtype), jnp.cumsum(x, axis=1)], axis=1)
    return (csum[:, ends] - csum[:, starts]) / jnp.asarray(ends - starts, x.dtype)

def setup_inputs(seed: int = 0):
    key = jax.random.key(seed)
    ks = jax.random.split(key, 32)
    s = 0.05
    mlp_in = OUT * 8
    h1 = OUT * 2
    inp = {}
    inp["x"] = jax.random.normal(ks[0], (N, D), dtype=jnp.float32)
    inp["edge_index"] = jax.random.randint(ks[1], (2, E), 0, N, dtype=jnp.int32)
    inp["Wl"] = jax.random.normal(ks[2], (D, OUT), dtype=jnp.float32) * s
    inp["bl"] = jnp.zeros((OUT,), jnp.float32)
    inp["Wr"] = jax.random.normal(ks[3], (D, OUT), dtype=jnp.float32) * s
    inp["br"] = jnp.zeros((OUT,), jnp.float32)
    inp["att"] = jax.random.normal(ks[4], (OUT,), dtype=jnp.float32) * s
    inp["gat_bias"] = jnp.zeros((OUT,), jnp.float32)
    inp["W_nmu"] = jax.random.normal(ks[5], (OUT, OUT), dtype=jnp.float32) * s
    inp["b_nmu"] = jnp.zeros((OUT,), jnp.float32)
    inp["W_nlv"] = jax.random.normal(ks[6], (OUT, OUT), dtype=jnp.float32) * s
    inp["b_nlv"] = jnp.zeros((OUT,), jnp.float32)
    inp["ln1_g"] = jnp.ones((mlp_in,), jnp.float32)
    inp["ln1_b"] = jnp.zeros((mlp_in,), jnp.float32)
    inp["W1"] = jax.random.normal(ks[7], (mlp_in, h1), dtype=jnp.float32) * s
    inp["b1"] = jnp.zeros((h1,), jnp.float32)
    inp["ln2_g"] = jnp.ones((h1,), jnp.float32)
    inp["ln2_b"] = jnp.zeros((h1,), jnp.float32)
    inp["W2"] = jax.random.normal(ks[8], (h1, h1), dtype=jnp.float32) * s
    inp["b2"] = jnp.zeros((h1,), jnp.float32)
    inp["ln3_g"] = jnp.ones((h1,), jnp.float32)
    inp["ln3_b"] = jnp.zeros((h1,), jnp.float32)
    inp["W3"] = jax.random.normal(ks[9], (h1, OUT), dtype=jnp.float32) * s
    inp["b3"] = jnp.zeros((OUT,), jnp.float32)
    inp["W_amu"] = jax.random.normal(ks[10], (OUT, OUT), dtype=jnp.float32) * s
    inp["b_amu"] = jnp.zeros((OUT,), jnp.float32)
    inp["W_alv"] = jax.random.normal(ks[11], (OUT, OUT), dtype=jnp.float32) * s
    inp["b_alv"] = jnp.zeros((OUT,), jnp.float32)
    return inp

def reference(x, edge_index, Wl, bl, Wr, br, att, gat_bias, W_nmu, b_nmu, W_nlv, b_nlv, ln1_g, ln1_b, W1, b1, ln2_g, ln2_b, W2, b2, ln3_g, ln3_b, W3, b3, W_amu, b_amu, W_alv, b_alv):
    nkey = jax.random.key(42)
    noise1 = jax.random.normal(jax.random.fold_in(nkey, 0), x.shape, x.dtype)
    noise2 = jax.random.normal(jax.random.fold_in(nkey, 1), x.shape, x.dtype)
    x_eps = x + noise1
    src = edge_index[0]
    dst = edge_index[1]
    n = x.shape[0]
    xl = x_eps @ Wl + bl
    xr = x_eps @ Wr + br
    e = _leaky(xl[src] + xr[dst])
    logits = e @ att
    mx = jax.lax.stop_gradient(jax.ops.segment_max(logits, dst, num_segments=n))
    a = jnp.exp(logits - mx[dst])
    den = jax.ops.segment_sum(a, dst, num_segments=n)
    alpha = a / (den[dst] + 1e-16)
    h = jax.ops.segment_sum(xl[src] * alpha[:, None], dst, num_segments=n) + gat_bias
    h = jax.nn.relu(h)
    node_mu = h @ W_nmu + b_nmu
    node_logvar = h @ W_nlv + b_nlv
    x_hat_eps = x + noise2
    t = _adaptive_avg_pool1d(x_hat_eps.T, W1.shape[0])
    t = jnp.tanh(_ln(t, ln1_g, ln1_b) @ W1 + b1)
    t = jnp.tanh(_ln(t, ln2_g, ln2_b) @ W2 + b2)
    h_A = jnp.tanh(_ln(t, ln3_g, ln3_b) @ W3 + b3)
    attr_mu = h_A @ W_amu + b_amu
    attr_logvar = h_A @ W_alv + b_alv
    return (node_mu, node_logvar, attr_mu, attr_logvar)

if __name__ == "__main__":
    import jax
    _d = setup_inputs()
    print(jax.jit(kernel)(*tuple(_d.values())))

</pallas_src>

<mosaic_0001>
#map = affine_map<(d0, d1) -> (0, 0)>
#map1 = affine_map<(d0, d1) -> (0)>
#map2 = affine_map<(d0, d1) -> (0, 0, 0)>
module attributes {stable_mosaic.version = 14 : i64} {
  func.func @_edge_body(%arg0: i32, %arg1: i32, %arg2: memref<10000x128xf32, #tpu.memory_space<hbm>>, %arg3: memref<10000x128xf32, #tpu.memory_space<hbm>>, %arg4: memref<320000xi32, #tpu.memory_space<hbm>>, %arg5: memref<320000xi32, #tpu.memory_space<hbm>>, %arg6: memref<128xf32, #tpu.memory_space<hbm>>, %arg7: memref<128x128xf32, #tpu.memory_space<hbm>>, %arg8: memref<10000xf32, #tpu.memory_space<hbm>>, %arg9: memref<2x10000x128xf32, #tpu.memory_space<hbm>>, %arg10: memref<32x10000xf32, #tpu.memory_space<hbm>>, %arg11: memref<128xf32, #tpu.memory_space<vmem>>, %arg12: memref<10000xf32, #tpu.memory_space<vmem>>, %arg13: memref<48xi32, #tpu.memory_space<vmem>>, %arg14: memref<48xi32, #tpu.memory_space<vmem>>, %arg15: memref<48xi32, #tpu.memory_space<vmem>>, %arg16: memref<48xi32, #tpu.memory_space<vmem>>, %arg17: memref<48xi32, #tpu.memory_space<vmem>>, %arg18: memref<48xi32, #tpu.memory_space<vmem>>, %arg19: memref<48x128xf32, #tpu.memory_space<vmem>>, %arg20: memref<48x128xf32, #tpu.memory_space<vmem>>, %arg21: memref<48x128xf32, #tpu.memory_space<vmem>>, %arg22: memref<48x128xf32, #tpu.memory_space<vmem>>, %arg23: memref<48x128xf32, #tpu.memory_space<vmem>>, %arg24: memref<48x128xf32, #tpu.memory_space<vmem>>, %arg25: memref<10000x128xf32, #tpu.memory_space<vmem_shared>>, %arg26: memref<!tpu.dma_semaphore, #tpu.memory_space<semaphore_mem>>, %arg27: memref<!tpu.dma_semaphore, #tpu.memory_space<semaphore_mem>>, %arg28: memref<!tpu.dma_semaphore, #tpu.memory_space<semaphore_mem>>, %arg29: memref<!tpu.dma_semaphore, #tpu.memory_space<semaphore_mem>>, %arg30: memref<!tpu.dma_semaphore, #tpu.memory_space<semaphore_mem>>, %arg31: memref<!tpu.dma_semaphore, #tpu.memory_space<semaphore_mem>>, %arg32: memref<!tpu.dma_semaphore, #tpu.memory_space<semaphore_mem>>, %arg33: memref<!tpu.dma_semaphore, #tpu.memory_space<semaphore_mem>>, %arg34: memref<!tpu.dma_semaphore, #tpu.memory_space<semaphore_mem>>) attributes {dimension_semantics = [#tpu.dimension_semantics<core_parallel>, #tpu.dimension_semantics<subcore_parallel>], iteration_bounds = array<i64: 2, 16>, scalar_prefetch = 0 : i64, scratch_operands = 24 : i64, tpu.core_type = #tpu.core_type<sc_vector_subcore>, window_params = [{transform_indices = #map}, {transform_indices = #map}, {transform_indices = #map1}, {transform_indices = #map1}, {transform_indices = #map1}, {transform_indices = #map}, {transform_indices = #map1}, {transform_indices = #map2}, {transform_indices = #map}]} {
    %mul3A = arith.constant 16 : i32
    %mul3A_0 = arith.muli %arg0, %mul3A : i32
    %add3A = arith.addi %mul3A_0, %arg1 : i32
    %mul3A_1 = arith.constant 10000 : i32
    %mul3A_2 = arith.muli %add3A, %mul3A_1 : i32
    %multiple_of3A = tpu.assume_multiple %mul3A_2, 8 : i32
    %mul3A_3 = arith.constant 624 : i32
    %mul3A_4 = arith.muli %arg1, %mul3A_3 : i32
    %multiple_of3A_5 = tpu.assume_multiple %mul3A_4, 8 : i32
    "tpu.region"() ({
      %run_scoped3A = tpu.sem_alloc : memref<!tpu.dma_semaphore, #tpu.memory_space<semaphore_mem>>
      tpu.enqueue_dma source(%arg6 : memref<128xf32, #tpu.memory_space<hbm>>) target(%arg11 : memref<128xf32, #tpu.memory_space<vmem>>) target_semaphore(%run_scoped3A : memref<!tpu.dma_semaphore, #tpu.memory_space<semaphore_mem>>)
      tpu.wait_dma2 semaphore(%run_scoped3A : memref<!tpu.dma_semaphore, #tpu.memory_space<semaphore_mem>>) src(%arg6 : memref<128xf32, #tpu.memory_space<hbm>>) dst(%arg11 : memref<128xf32, #tpu.memory_space<vmem>>)
      tpu.yield
    }) : () -> ()
    "tpu.region"() ({
      %run_scoped3A = tpu.sem_alloc : memref<!tpu.dma_semaphore, #tpu.memory_space<semaphore_mem>>
      tpu.enqueue_dma source(%arg8 : memref<10000xf32, #tpu.memory_space<hbm>>) target(%arg12 : memref<10000xf32, #tpu.memory_space<vmem>>) target_semaphore(%run_scoped3A : memref<!tpu.dma_semaphore, #tpu.memory_space<semaphore_mem>>)
      tpu.wait_dma2 semaphore(%run_scoped3A : memref<!tpu.dma_semaphore, #tpu.memory_space<semaphore_mem>>) src(%arg8 : memref<10000xf32, #tpu.memory_space<hbm>>) dst(%arg12 : memref<10000xf32, #tpu.memory_space<vmem>>)
      tpu.yield
    }) : () -> ()
    %add3A_6 = arith.constant 0 : i32
    %add3A_7 = arith.addi %multiple_of3A_5, %add3A_6 : i32
    "tpu.region"() ({
      %run_scoped3A = tpu.sem_alloc : memref<!tpu.dma_semaphore, #tpu.memory_space<semaphore_mem>>
      %dma_start3A_215 = arith.constant 0 : i32
      %dma_start3A_216 = tpu.memref_slice %arg25[%add3A_7, %dma_start3A_215] : memref<10000x128xf32, #tpu.memory_space<vmem_shared>> -> memref<128x128xf32, #tpu.memory_space<vmem_shared>>
      tpu.enqueue_dma source(%arg7 : memref<128x128xf32, #tpu.memory_space<hbm>>) target(%dma_start3A_216 : memref<128x128xf32, #tpu.memory_space<vmem_shared>>) target_semaphore(%run_scoped3A : memref<!tpu.dma_semaphore, #tpu.memory_space<semaphore_mem>>)
      %dma_wait3A_217 = arith.constant 0 : i32
      %dma_wait3A_218 = tpu.memref_slice %arg25[%add3A_7, %dma_wait3A_217] : memref<10000x128xf32, #tpu.memory_space<vmem_shared>> -> memref<128x128xf32, #tpu.memory_space<vmem_shared>>
      tpu.wait_dma2 semaphore(%run_scoped3A : memref<!tpu.dma_semaphore, #tpu.memory_space<semaphore_mem>>) src(%arg7 : memref<128x128xf32, #tpu.memory_space<hbm>>) dst(%dma_wait3A_218 : memref<128x128xf32, #tpu.memory_space<vmem_shared>>)
      tpu.yield
    }) : () -> ()
    %add3A_8 = arith.constant 128 : i32
    %add3A_9 = arith.addi %multiple_of3A_5, %add3A_8 : i32
    "tpu.region"() ({
      %run_scoped3A = tpu.sem_alloc : memref<!tpu.dma_semaphore, #tpu.memory_space<semaphore_mem>>
      %dma_start3A_215 = arith.constant 0 : i32
      %dma_start3A_216 = tpu.memref_slice %arg25[%add3A_9, %dma_start3A_215] : memref<10000x128xf32, #tpu.memory_space<vmem_shared>> -> memref<128x128xf32, #tpu.memory_space<vmem_shared>>
      tpu.enqueue_dma source(%arg7 : memref<128x128xf32, #tpu.memory_space<hbm>>) target(%dma_start3A_216 : memref<128x128xf32, #tpu.memory_space<vmem_shared>>) target_semaphore(%run_scoped3A : memref<!tpu.dma_semaphore, #tpu.memory_space<semaphore_mem>>)
      %dma_wait3A_217 = arith.constant 0 : i32
      %dma_wait3A_218 = tpu.memref_slice %arg25[%add3A_9, %dma_wait3A_217] : memref<10000x128xf32, #tpu.memory_space<vmem_shared>> -> memref<128x128xf32, #tpu.memory_space<vmem_shared>>
      tpu.wait_dma2 semaphore(%run_scoped3A : memref<!tpu.dma_semaphore, #tpu.memory_space<semaphore_mem>>) src(%arg7 : memref<128x128xf32, #tpu.memory_space<hbm>>) dst(%dma_wait3A_218 : memref<128x128xf32, #tpu.memory_space<vmem_shared>>)
      tpu.yield
    }) : () -> ()
    %add3A_10 = arith.constant 256 : i32
    %add3A_11 = arith.addi %multiple_of3A_5, %add3A_10 : i32
    "tpu.region"() ({
      %run_scoped3A = tpu.sem_alloc : memref<!tpu.dma_semaphore, #tpu.memory_space<semaphore_mem>>
      %dma_start3A_215 = arith.constant 0 : i32
      %dma_start3A_216 = tpu.memref_slice %arg25[%add3A_11, %dma_start3A_215] : memref<10000x128xf32, #tpu.memory_space<vmem_shared>> -> memref<128x128xf32, #tpu.memory_space<vmem_shared>>
      tpu.enqueue_dma source(%arg7 : memref<128x128xf32, #tpu.memory_space<hbm>>) target(%dma_start3A_216 : memref<128x128xf32, #tpu.memory_space<vmem_shared>>) target_semaphore(%run_scoped3A : memref<!tpu.dma_semaphore, #tpu.memory_space<semaphore_mem>>)
      %dma_wait3A_217 = arith.constant 0 : i32
      %dma_wait3A_218 = tpu.memref_slice %arg25[%add3A_11, %dma_wait3A_217] : memref<10000x128xf32, #tpu.memory_space<vmem_shared>> -> memref<128x128xf32, #tpu.memory_space<vmem_shared>>
      tpu.wait_dma2 semaphore(%run_scoped3A : memref<!tpu.dma_semaphore, #tpu.memory_space<semaphore_mem>>) src(%arg7 : memref<128x128xf32, #tpu.memory_space<hbm>>) dst(%dma_wait3A_218 : memref<128x128xf32, #tpu.memory_space<vmem_shared>>)
      tpu.yield
    }) : () -> ()
    %add3A_12 = arith.constant 384 : i32
    %add3A_13 = arith.addi %multiple_of3A_5, %add3A_12 : i32
    "tpu.region"() ({
      %run_scoped3A = tpu.sem_alloc : memref<!tpu.dma_semaphore, #tpu.memory_space<semaphore_mem>>
      %dma_start3A_215 = arith.constant 0 : i32
      %dma_start3A_216 = tpu.memref_slice %arg25[%add3A_13, %dma_start3A_215] : memref<10000x128xf32, #tpu.memory_space<vmem_shared>> -> memref<128x128xf32, #tpu.memory_space<vmem_shared>>
      tpu.enqueue_dma source(%arg7 : memref<128x128xf32, #tpu.memory_space<hbm>>) target(%dma_start3A_216 : memref<128x128xf32, #tpu.memory_space<vmem_shared>>) target_semaphore(%run_scoped3A : memref<!tpu.dma_semaphore, #tpu.memory_space<semaphore_mem>>)
      %dma_wait3A_217 = arith.constant 0 : i32
      %dma_wait3A_218 = tpu.memref_slice %arg25[%add3A_13, %dma_wait3A_217] : memref<10000x128xf32, #tpu.memory_space<vmem_shared>> -> memref<128x128xf32, #tpu.memory_space<vmem_shared>>
      tpu.wait_dma2 semaphore(%run_scoped3A : memref<!tpu.dma_semaphore, #tpu.memory_space<semaphore_mem>>) src(%arg7 : memref<128x128xf32, #tpu.memory_space<hbm>>) dst(%dma_wait3A_218 : memref<128x128xf32, #tpu.memory_space<vmem_shared>>)
      tpu.yield
    }) : () -> ()
    %add3A_14 = arith.constant 512 : i32
    %add3A_15 = arith.addi %multiple_of3A_5, %add3A_14 : i32
    "tpu.region"() ({
      %run_scoped3A = tpu.sem_alloc : memref<!tpu.dma_semaphore, #tpu.memory_space<semaphore_mem>>
      %dma_start3A_215 = arith.constant 0 : i32
      %dma_start3A_216 = tpu.memref_slice %arg25[%add3A_15, %dma_start3A_215] : memref<10000x128xf32, #tpu.memory_space<vmem_shared>> -> memref<112x128xf32, #tpu.memory_space<vmem_shared>>
      %dma_start3A_217 = arith.constant 0 : i32
      %dma_start3A_218 = arith.constant 0 : i32
      %dma_start3A_219 = tpu.memref_slice %arg7[%dma_start3A_217, %dma_start3A_218] : memref<128x128xf32, #tpu.memory_space<hbm>> -> memref<112x128xf32, #tpu.memory_space<hbm>>
      tpu.enqueue_dma source(%dma_start3A_219 : memref<112x128xf32, #tpu.memory_space<hbm>>) target(%dma_start3A_216 : memref<112x128xf32, #tpu.memory_space<vmem_shared>>) target_semaphore(%run_scoped3A : memref<!tpu.dma_semaphore, #tpu.memory_space<semaphore_mem>>)
      %dma_wait3A_220 = arith.constant 0 : i32
      %dma_wait3A_221 = tpu.memref_slice %arg25[%add3A_15, %dma_wait3A_220] : memref<10000x128xf32, #tpu.memory_space<vmem_shared>> -> memref<112x128xf32, #tpu.memory_space<vmem_shared>>
      %dma_wait3A_222 = arith.constant 0 : i32
      %dma_wait3A_223 = arith.constant 0 : i32
      %dma_wait3A_224 = tpu.memref_slice %arg7[%dma_wait3A_222, %dma_wait3A_223] : memref<128x128xf32, #tpu.memory_space<hbm>> -> memref<112x128xf32, #tpu.memory_space<hbm>>
      tpu.wait_dma2 semaphore(%run_scoped3A : memref<!tpu.dma_semaphore, #tpu.memory_space<semaphore_mem>>) src(%dma_wait3A_224 : memref<112x128xf32, #tpu.memory_space<hbm>>) dst(%dma_wait3A_221 : memref<112x128xf32, #tpu.memory_space<vmem_shared>>)
      tpu.yield
    }) : () -> ()
    %eq3A = arith.constant 15 : i32
    %eq3A_16 = arith.cmpi eq, %arg1, %eq3A : i32
    %convert_element_type3A = arith.extui %eq3A_16 : i1 to i32
    %cond3A = arith.constant 0 : i32
    %cond3A_17 = arith.cmpi ne, %convert_element_type3A, %cond3A : i32
    scf.if %cond3A_17 {
      "tpu.region"() ({
        %run_scoped3A = tpu.sem_alloc : memref<!tpu.dma_semaphore, #tpu.memory_space<semaphore_mem>>
        %dma_start3A_215 = arith.constant 9984 : i32
        %dma_start3A_216 = arith.constant 0 : i32
        %dma_start3A_217 = tpu.memref_slice %arg25[%dma_start3A_215, %dma_start3A_216] : memref<10000x128xf32, #tpu.memory_space<vmem_shared>> -> memref<16x128xf32, #tpu.memory_space<vmem_shared>>
        %dma_start3A_218 = arith.constant 0 : i32
        %dma_start3A_219 = arith.constant 0 : i32
        %dma_start3A_220 = tpu.memref_slice %arg7[%dma_start3A_218, %dma_start3A_219] : memref<128x128xf32, #tpu.memory_space<hbm>> -> memref<16x128xf32, #tpu.memory_space<hbm>>
        tpu.enqueue_dma source(%dma_start3A_220 : memref<16x128xf32, #tpu.memory_space<hbm>>) target(%dma_start3A_217 : memref<16x128xf32, #tpu.memory_space<vmem_shared>>) target_semaphore(%run_scoped3A : memref<!tpu.dma_semaphore, #tpu.memory_space<semaphore_mem>>)
        %dma_wait3A_221 = arith.constant 9984 : i32
        %dma_wait3A_222 = arith.constant 0 : i32
        %dma_wait3A_223 = tpu.memref_slice %arg25[%dma_wait3A_221, %dma_wait3A_222] : memref<10000x128xf32, #tpu.memory_space<vmem_shared>> -> memref<16x128xf32, #tpu.memory_space<vmem_shared>>
        %dma_wait3A_224 = arith.constant 0 : i32
        %dma_wait3A_225 = arith.constant 0 : i32
        %dma_wait3A_226 = tpu.memref_slice %arg7[%dma_wait3A_224, %dma_wait3A_225] : memref<128x128xf32, #tpu.memory_space<hbm>> -> memref<16x128xf32, #tpu.memory_space<hbm>>
        tpu.wait_dma2 semaphore(%run_scoped3A : memref<!tpu.dma_semaphore, #tpu.memory_space<semaphore_mem>>) src(%dma_wait3A_226 : memref<16x128xf32, #tpu.memory_space<hbm>>) dst(%dma_wait3A_223 : memref<16x128xf32, #tpu.memory_space<vmem_shared>>)
        tpu.yield
      }) : () -> ()
    } else {
    }
    %barrier3A = arith.constant 0 : index
    tpu.barrier barrier_id(%barrier3A)
    %iota3A = tpu.iota {dimensions = array<i32: 0>} : vector<16xi32>
    %xor3A = arith.constant 8 : i32
    %xor3A_18 = vector.broadcast %xor3A : i32 to vector<16xi32>
    %xor3A_19 = arith.xori %iota3A, %xor3A_18 : vector<16xi32>
    %xor3A_20 = arith.constant 4 : i32
    %xor3A_21 = vector.broadcast %xor3A_20 : i32 to vector<16xi32>
    %xor3A_22 = arith.xori %iota3A, %xor3A_21 : vector<16xi32>
    %xor3A_23 = arith.constant 2 : i32
    %xor3A_24 = vector.broadcast %xor3A_23 : i32 to vector<16xi32>
    %xor3A_25 = arith.xori %iota3A, %xor3A_24 : vector<16xi32>
    %xor3A_26 = arith.constant 1 : i32
    %xor3A_27 = vector.broadcast %xor3A_26 : i32 to vector<16xi32>
    %xor3A_28 = arith.xori %iota3A, %xor3A_27 : vector<16xi32>
    %get3A = arith.constant 0 : index
    %get3A_29 = tpu.vector_load %arg11[%get3A] {strides = array<i32>} : memref<128xf32, #tpu.memory_space<vmem>>, vector<16xf32>,
    %get3A_30 = arith.constant 16 : index
    %get3A_31 = tpu.vector_load %arg11[%get3A_30] {strides = array<i32>} : memref<128xf32, #tpu.memory_space<vmem>>, vector<16xf32>,
    %get3A_32 = arith.constant 32 : index
    %get3A_33 = tpu.vector_load %arg11[%get3A_32] {strides = array<i32>} : memref<128xf32, #tpu.memory_space<vmem>>, vector<16xf32>,
    %get3A_34 = arith.constant 48 : index
    %get3A_35 = tpu.vector_load %arg11[%get3A_34] {strides = array<i32>} : memref<128xf32, #tpu.memory_space<vmem>>, vector<16xf32>,
    %get3A_36 = arith.constant 64 : index
    %get3A_37 = tpu.vector_load %arg11[%get3A_36] {strides = array<i32>} : memref<128xf32, #tpu.memory_space<vmem>>, vector<16xf32>,
    %get3A_38 = arith.constant 80 : index
    %get3A_39 = tpu.vector_load %arg11[%get3A_38] {strides = array<i32>} : memref<128xf32, #tpu.memory_space<vmem>>, vector<16xf32>,
    %get3A_40 = arith.constant 96 : index
    %get3A_41 = tpu.vector_load %arg11[%get3A_40] {strides = array<i32>} : memref<128xf32, #tpu.memory_space<vmem>>, vector<16xf32>,
    %get3A_42 = arith.constant 112 : index
    %get3A_43 = tpu.vector_load %arg11[%get3A_42] {strides = array<i32>} : memref<128xf32, #tpu.memory_space<vmem>>, vector<16xf32>,
    %add3A_44 = arith.constant 0 : i32
    %add3A_45 = arith.addi %multiple_of3A, %add3A_44 : i32
    %multiple_of3A_46 = tpu.assume_multiple %add3A_45, 8 : i32
    %dma_start3A = tpu.memref_slice %arg4[%multiple_of3A_46] : memref<320000xi32, #tpu.memory_space<hbm>> -> memref<48xi32, #tpu.memory_space<hbm>>
    %dma_start3A_47 = tpu.memref_slice %arg4[%multiple_of3A_46] : memref<320000xi32, #tpu.memory_space<hbm>> -> memref<48xi32, #tpu.memory_space<hbm>>
    tpu.enqueue_dma source(%dma_start3A_47 : memref<48xi32, #tpu.memory_space<hbm>>) target(%arg13 : memref<48xi32, #tpu.memory_space<vmem>>) target_semaphore(%arg26 : memref<!tpu.dma_semaphore, #tpu.memory_space<semaphore_mem>>)
    %dma_start3A_48 = tpu.memref_slice %arg5[%multiple_of3A_46] : memref<320000xi32, #tpu.memory_space<hbm>> -> memref<48xi32, #tpu.memory_space<hbm>>
    %dma_start3A_49 = tpu.memref_slice %arg5[%multiple_of3A_46] : memref<320000xi32, #tpu.memory_space<hbm>> -> memref<48xi32, #tpu.memory_space<hbm>>
    tpu.enqueue_dma source(%dma_start3A_49 : memref<48xi32, #tpu.memory_space<hbm>>) target(%arg14 : memref<48xi32, #tpu.memory_space<vmem>>) target_semaphore(%arg26 : memref<!tpu.dma_semaphore, #tpu.memory_space<semaphore_mem>>)
    %add3A_50 = arith.constant 48 : i32
    %add3A_51 = arith.addi %multiple_of3A, %add3A_50 : i32
    %multiple_of3A_52 = tpu.assume_multiple %add3A_51, 8 : i32
    %dma_start3A_53 = tpu.memref_slice %arg4[%multiple_of3A_52] : memref<320000xi32, #tpu.memory_space<hbm>> -> memref<48xi32, #tpu.memory_space<hbm>>
    %dma_start3A_54 = tpu.memref_slice %arg4[%multiple_of3A_52] : memref<320000xi32, #tpu.memory_space<hbm>> -> memref<48xi32, #tpu.memory_space<hbm>>
    tpu.enqueue_dma source(%dma_start3A_54 : memref<48xi32, #tpu.memory_space<hbm>>) target(%arg15 : memref<48xi32, #tpu.memory_space<vmem>>) target_semaphore(%arg27 : memref<!tpu.dma_semaphore, #tpu.memory_space<semaphore_mem>>)
    %dma_start3A_55 = tpu.memref_slice %arg5[%multiple_of3A_52] : memref<320000xi32, #tpu.memory_space<hbm>> -> memref<48xi32, #tpu.memory_space<hbm>>
    %dma_start3A_56 = tpu.memref_slice %arg5[%multiple_of3A_52] : memref<320000xi32, #tpu.memory_space<hbm>> -> memref<48xi32, #tpu.memory_space<hbm>>
    tpu.enqueue_dma source(%dma_start3A_56 : memref<48xi32, #tpu.memory_space<hbm>>) target(%arg16 : memref<48xi32, #tpu.memory_space<vmem>>) target_semaphore(%arg27 : memref<!tpu.dma_semaphore, #tpu.memory_space<semaphore_mem>>)
    %dma_wait3A = arith.constant 0 : i32
    %dma_wait3A_57 = tpu.memref_slice %arg4[%dma_wait3A] : memref<320000xi32, #tpu.memory_space<hbm>> -> memref<48xi32, #tpu.memory_space<hbm>>
    %dma_wait3A_58 = arith.constant 0 : i32
    %dma_wait3A_59 = tpu.memref_slice %arg4[%dma_wait3A_58] : memref<320000xi32, #tpu.memory_space<hbm>> -> memref<48xi32, #tpu.memory_space<hbm>>
    tpu.wait_dma2 semaphore(%arg26 : memref<!tpu.dma_semaphore, #tpu.memory_space<semaphore_mem>>) src(%dma_wait3A_59 : memref<48xi32, #tpu.memory_space<hbm>>) dst(%arg13 : memref<48xi32, #tpu.memory_space<vmem>>)
    %dma_wait3A_60 = arith.constant 0 : i32
    %dma_wait3A_61 = tpu.memref_slice %arg5[%dma_wait3A_60] : memref<320000xi32, #tpu.memory_space<hbm>> -> memref<48xi32, #tpu.memory_space<hbm>>
    %dma_wait3A_62 = arith.constant 0 : i32
    %dma_wait3A_63 = tpu.memref_slice %arg5[%dma_wait3A_62] : memref<320000xi32, #tpu.memory_space<hbm>> -> memref<48xi32, #tpu.memory_space<hbm>>
    tpu.wait_dma2 semaphore(%arg26 : memref<!tpu.dma_semaphore, #tpu.memory_space<semaphore_mem>>) src(%dma_wait3A_63 : memref<48xi32, #tpu.memory_space<hbm>>) dst(%arg14 : memref<48xi32, #tpu.memory_space<vmem>>)
    %dma_start3A_64 = arith.constant 0 : i32
    %dma_start3A_65 = arith.constant 0 : i32
    %dma_start3A_66 = tpu.memref_slice %arg2[%dma_start3A_64, %dma_start3A_65] : memref<10000x128xf32, #tpu.memory_space<hbm>> -> memref<10000x128xf32, #tpu.memory_space<hbm>>
    tpu.enqueue_indirect_dma source(%dma_start3A_66 : memref<10000x128xf32, #tpu.memory_space<hbm>>) target(%arg19 : memref<48x128xf32, #tpu.memory_space<vmem>>) offsets(%arg13 : memref<48xi32, #tpu.memory_space<vmem>>) semaphore(%arg29 : memref<!tpu.dma_semaphore, #tpu.memory_space<semaphore_mem>>)
    %dma_start3A_67 = arith.constant 0 : i32
    %dma_start3A_68 = arith.constant 0 : i32
    %dma_start3A_69 = tpu.memref_slice %arg3[%dma_start3A_67, %dma_start3A_68] : memref<10000x128xf32, #tpu.memory_space<hbm>> -> memref<10000x128xf32, #tpu.memory_space<hbm>>
    tpu.enqueue_indirect_dma source(%dma_start3A_69 : memref<10000x128xf32, #tpu.memory_space<hbm>>) target(%arg20 : memref<48x128xf32, #tpu.memory_space<vmem>>) offsets(%arg14 : memref<48xi32, #tpu.memory_space<vmem>>) semaphore(%arg29 : memref<!tpu.dma_semaphore, #tpu.memory_space<semaphore_mem>>)
    %dma_wait3A_70 = arith.constant 0 : i32
    %dma_wait3A_71 = tpu.memref_slice %arg4[%dma_wait3A_70] : memref<320000xi32, #tpu.memory_space<hbm>> -> memref<48xi32, #tpu.memory_space<hbm>>
    %dma_wait3A_72 = arith.constant 0 : i32
    %dma_wait3A_73 = tpu.memref_slice %arg4[%dma_wait3A_72] : memref<320000xi32, #tpu.memory_space<hbm>> -> memref<48xi32, #tpu.memory_space<hbm>>
    tpu.wait_dma2 semaphore(%arg27 : memref<!tpu.dma_semaphore, #tpu.memory_space<semaphore_mem>>) src(%dma_wait3A_73 : memref<48xi32, #tpu.memory_space<hbm>>) dst(%arg15 : memref<48xi32, #tpu.memory_space<vmem>>)
    %dma_wait3A_74 = arith.constant 0 : i32
    %dma_wait3A_75 = tpu.memref_slice %arg5[%dma_wait3A_74] : memref<320000xi32, #tpu.memory_space<hbm>> -> memref<48xi32, #tpu.memory_space<hbm>>
    %dma_wait3A_76 = arith.constant 0 : i32
    %dma_wait3A_77 = tpu.memref_slice %arg5[%dma_wait3A_76] : memref<320000xi32, #tpu.memory_space<hbm>> -> memref<48xi32, #tpu.memory_space<hbm>>
    tpu.wait_dma2 semaphore(%arg27 : memref<!tpu.dma_semaphore, #tpu.memory_space<semaphore_mem>>) src(%dma_wait3A_77 : memref<48xi32, #tpu.memory_space<hbm>>) dst(%arg16 : memref<48xi32, #tpu.memory_space<vmem>>)
    %dma_start3A_78 = arith.constant 0 : i32
    %dma_start3A_79 = arith.constant 0 : i32
    %dma_start3A_80 = tpu.memref_slice %arg2[%dma_start3A_78, %dma_start3A_79] : memref<10000x128xf32, #tpu.memory_space<hbm>> -> memref<10000x128xf32, #tpu.memory_space<hbm>>
    tpu.enqueue_indirect_dma source(%dma_start3A_80 : memref<10000x128xf32, #tpu.memory_space<hbm>>) target(%arg21 : memref<48x128xf32, #tpu.memory_space<vmem>>) offsets(%arg15 : memref<48xi32, #tpu.memory_space<vmem>>) semaphore(%arg30 : memref<!tpu.dma_semaphore, #tpu.memory_space<semaphore_mem>>)
    %dma_start3A_81 = arith.constant 0 : i32
    %dma_start3A_82 = arith.constant 0 : i32
    %dma_start3A_83 = tpu.memref_slice %arg3[%dma_start3A_81, %dma_start3A_82] : memref<10000x128xf32, #tpu.memory_space<hbm>> -> memref<10000x128xf32, #tpu.memory_space<hbm>>
    tpu.enqueue_indirect_dma source(%dma_start3A_83 : memref<10000x128xf32, #tpu.memory_space<hbm>>) target(%arg22 : memref<48x128xf32, #tpu.memory_space<vmem>>) offsets(%arg16 : memref<48xi32, #tpu.memory_space<vmem>>) semaphore(%arg30 : memref<!tpu.dma_semaphore, #tpu.memory_space<semaphore_mem>>)
    %add3A_84 = arith.constant 96 : i32
    %add3A_85 = arith.addi %multiple_of3A, %add3A_84 : i32
    %multiple_of3A_86 = tpu.assume_multiple %add3A_85, 8 : i32
    %dma_start3A_87 = tpu.memref_slice %arg4[%multiple_of3A_86] : memref<320000xi32, #tpu.memory_space<hbm>> -> memref<48xi32, #tpu.memory_space<hbm>>
    %dma_start3A_88 = tpu.memref_slice %arg4[%multiple_of3A_86] : memref<320000xi32, #tpu.memory_space<hbm>> -> memref<48xi32, #tpu.memory_space<hbm>>
    tpu.enqueue_dma source(%dma_start3A_88 : memref<48xi32, #tpu.memory_space<hbm>>) target(%arg17 : memref<48xi32, #tpu.memory_space<vmem>>) target_semaphore(%arg28 : memref<!tpu.dma_semaphore, #tpu.memory_space<semaphore_mem>>)
    %dma_start3A_89 = tpu.memref_slice %arg5[%multiple_of3A_86] : memref<320000xi32, #tpu.memory_space<hbm>> -> memref<48xi32, #tpu.memory_space<hbm>>
    %dma_start3A_90 = tpu.memref_slice %arg5[%multiple_of3A_86] : memref<320000xi32, #tpu.memory_space<hbm>> -> memref<48xi32, #tpu.memory_space<hbm>>
    tpu.enqueue_dma source(%dma_start3A_90 : memref<48xi32, #tpu.memory_space<hbm>>) target(%arg18 : memref<48xi32, #tpu.memory_space<vmem>>) target_semaphore(%arg28 : memref<!tpu.dma_semaphore, #tpu.memory_space<semaphore_mem>>)
    %scan3A = arith.constant 0 : i32
    %scan3A_91 = arith.constant 0 : i32
    %scan3A_92 = arith.constant 69 : i32
    %scan3A_93 = arith.addi %scan3A_91, %scan3A_92 : i32
    %scan3A_94 = arith.constant 1 : i32
    %scan3A_95 = scf.for %scan3A_215 = %scan3A_91 to %scan3A_93 step %scan3A_94 iter_args(%scan3A_216 = %scan3A) -> (i32)  : i32 {
      %mul3A_217 = arith.constant 3 : i32
      %mul3A_218 = arith.muli %scan3A_215, %mul3A_217 : i32
      %add3A_219 = arith.constant 0 : i32
      %add3A_220 = arith.addi %mul3A_218, %add3A_219 : i32
      %dma_wait3A_221 = arith.constant 0 : i32
      %dma_wait3A_222 = arith.constant 0 : i32
      %dma_wait3A_223 = tpu.memref_slice %arg2[%dma_wait3A_221, %dma_wait3A_222] : memref<10000x128xf32, #tpu.memory_space<hbm>> -> memref<10000x128xf32, #tpu.memory_space<hbm>>
      tpu.wait_indirect_dma semaphore(%arg29 : memref<!tpu.dma_semaphore, #tpu.memory_space<semaphore_mem>>) src(%dma_wait3A_223 : memref<10000x128xf32, #tpu.memory_space<hbm>>) dst(%arg19 : memref<48x128xf32, #tpu.memory_space<vmem>>)
      %dma_wait3A_224 = arith.constant 0 : i32
      %dma_wait3A_225 = arith.constant 0 : i32
      %dma_wait3A_226 = tpu.memref_slice %arg3[%dma_wait3A_224, %dma_wait3A_225] : memref<10000x128xf32, #tpu.memory_space<hbm>> -> memref<10000x128xf32, #tpu.memory_space<hbm>>
      tpu.wait_indirect_dma semaphore(%arg29 : memref<!tpu.dma_semaphore, #tpu.memory_space<semaphore_mem>>) src(%dma_wait3A_226 : memref<10000x128xf32, #tpu.memory_space<hbm>>) dst(%arg20 : memref<48x128xf32, #tpu.memory_space<vmem>>)
      %scan3A_227 = arith.constant 0 : i32
      %scan3A_228 = arith.constant 0 : i32
      %scan3A_229 = arith.constant 3 : i32
      %scan3A_230 = arith.addi %scan3A_228, %scan3A_229 : i32
      %scan3A_231 = arith.constant 1 : i32
      %scan3A_232 = scf.for %scan3A_347 = %scan3A_228 to %scan3A_230 step %scan3A_231 iter_args(%scan3A_348 = %scan3A_227) -> (i32)  : i32 {
        %mul3A_349 = arith.constant 16 : i32
        %mul3A_350 = arith.muli %scan3A_347, %mul3A_349 : i32
        %get3A_351 = arith.index_cast %mul3A_350 : i32 to index
        %get3A_352 = tpu.vector_load %arg14[%get3A_351] {strides = array<i32>} : memref<48xi32, #tpu.memory_space<vmem>>, vector<16xi32>,
        %broadcast_in_dim3A_353 = arith.constant 0.000000e+00 : f32
        %broadcast_in_dim3A_354 = vector.broadcast %broadcast_in_dim3A_353 : f32 to vector<16xf32>
        %scan3A_355 = arith.constant 0 : i32
        %scan3A_356 = arith.constant 16 : i32
        %scan3A_357 = arith.addi %scan3A_355, %scan3A_356 : i32
        %scan3A_358 = arith.constant 1 : i32
        %scan3A_359 = scf.for %scan3A_362 = %scan3A_355 to %scan3A_357 step %scan3A_358 iter_args(%scan3A_363 = %broadcast_in_dim3A_354) -> (vector<16xf32>)  : i32 {
          %mul3A_364 = arith.constant 16 : i32
          %mul3A_365 = arith.muli %scan3A_347, %mul3A_364 : i32
          %add3A_366 = arith.addi %mul3A_365, %scan3A_362 : i32
          %get3A_367 = arith.index_cast %add3A_366 : i32 to index
          %get3A_368 = arith.constant 0 : index
          %get3A_369 = tpu.vector_load %arg19[%get3A_367, %get3A_368] {strides = array<i32>} : memref<48x128xf32, #tpu.memory_space<vmem>>, vector<16xf32>,
          %get3A_370 = arith.index_cast %add3A_366 : i32 to index
          %get3A_371 = arith.constant 16 : index
          %get3A_372 = tpu.vector_load %arg19[%get3A_370, %get3A_371] {strides = array<i32>} : memref<48x128xf32, #tpu.memory_space<vmem>>, vector<16xf32>,
          %get3A_373 = arith.index_cast %add3A_366 : i32 to index
          %get3A_374 = arith.constant 32 : index
          %get3A_375 = tpu.vector_load %arg19[%get3A_373, %get3A_374] {strides = array<i32>} : memref<48x128xf32, #tpu.memory_space<vmem>>, vector<16xf32>,
          %get3A_376 = arith.index_cast %add3A_366 : i32 to index
          %get3A_377 = arith.constant 48 : index
          %get3A_378 = tpu.vector_load %arg19[%get3A_376, %get3A_377] {strides = array<i32>} : memref<48x128xf32, #tpu.memory_space<vmem>>, vector<16xf32>,
          %get3A_379 = arith.index_cast %add3A_366 : i32 to index
          %get3A_380 = arith.constant 64 : index
          %get3A_381 = tpu.vector_load %arg19[%get3A_379, %get3A_380] {strides = array<i32>} : memref<48x128xf32, #tpu.memory_space<vmem>>, vector<16xf32>,
          %get3A_382 = arith.index_cast %add3A_366 : i32 to index
          %get3A_383 = arith.constant 80 : index
          %get3A_384 = tpu.vector_load %arg19[%get3A_382, %get3A_383] {strides = array<i32>} : memref<48x128xf32, #tpu.memory_space<vmem>>, vector<16xf32>,
          %get3A_385 = arith.index_cast %add3A_366 : i32 to index
          %get3A_386 = arith.constant 96 : index
          %get3A_387 = tpu.vector_load %arg19[%get3A_385, %get3A_386] {strides = array<i32>} : memref<48x128xf32, #tpu.memory_space<vmem>>, vector<16xf32>,
          %get3A_388 = arith.index_cast %add3A_366 : i32 to index
          %get3A_389 = arith.constant 112 : index
          %get3A_390 = tpu.vector_load %arg19[%get3A_388, %get3A_389] {strides = array<i32>} : memref<48x128xf32, #tpu.memory_space<vmem>>, vector<16xf32>,
          %broadcast_in_dim3A_391 = arith.constant 0.000000e+00 : f32
          %broadcast_in_dim3A_392 = vector.broadcast %broadcast_in_dim3A_391 : f32 to vector<16xf32>
          %get3A_393 = arith.index_cast %add3A_366 : i32 to index
          %get3A_394 = arith.constant 0 : index
          %get3A_395 = tpu.vector_load %arg20[%get3A_393, %get3A_394] {strides = array<i32>} : memref<48x128xf32, #tpu.memory_space<vmem>>, vector<16xf32>,
          %add3A_396 = arith.addf %get3A_369, %get3A_395 : vector<16xf32>
          %mul3A_397 = arith.constant 2.000000e-01 : f32
          %mul3A_398 = vector.broadcast %mul3A_397 : f32 to vector<16xf32>
          %mul3A_399 = arith.mulf %mul3A_398, %add3A_396 : vector<16xf32>
          %max3A = arith.maximumf %add3A_396, %mul3A_399 : vector<16xf32>
          %mul3A_400 = arith.mulf %max3A, %get3A_29 : vector<16xf32>
          %add3A_401 = arith.addf %broadcast_in_dim3A_392, %mul3A_400 : vector<16xf32>
          %get3A_402 = arith.index_cast %add3A_366 : i32 to index
          %get3A_403 = arith.constant 16 : index
          %get3A_404 = tpu.vector_load %arg20[%get3A_402, %get3A_403] {strides = array<i32>} : memref<48x128xf32, #tpu.memory_space<vmem>>, vector<16xf32>,
          %add3A_405 = arith.addf %get3A_372, %get3A_404 : vector<16xf32>
          %mul3A_406 = arith.constant 2.000000e-01 : f32
          %mul3A_407 = vector.broadcast %mul3A_406 : f32 to vector<16xf32>
          %mul3A_408 = arith.mulf %mul3A_407, %add3A_405 : vector<16xf32>
          %max3A_409 = arith.maximumf %add3A_405, %mul3A_408 : vector<16xf32>
          %mul3A_410 = arith.mulf %max3A_409, %get3A_31 : vector<16xf32>
          %add3A_411 = arith.addf %add3A_401, %mul3A_410 : vector<16xf32>
          %get3A_412 = arith.index_cast %add3A_366 : i32 to index
          %get3A_413 = arith.constant 32 : index
          %get3A_414 = tpu.vector_load %arg20[%get3A_412, %get3A_413] {strides = array<i32>} : memref<48x128xf32, #tpu.memory_space<vmem>>, vector<16xf32>,
          %add3A_415 = arith.addf %get3A_375, %get3A_414 : vector<16xf32>
          %mul3A_416 = arith.constant 2.000000e-01 : f32
          %mul3A_417 = vector.broadcast %mul3A_416 : f32 to vector<16xf32>
          %mul3A_418 = arith.mulf %mul3A_417, %add3A_415 : vector<16xf32>
          %max3A_419 = arith.maximumf %add3A_415, %mul3A_418 : vector<16xf32>
          %mul3A_420 = arith.mulf %max3A_419, %get3A_33 : vector<16xf32>
          %add3A_421 = arith.addf %add3A_411, %mul3A_420 : vector<16xf32>
          %get3A_422 = arith.index_cast %add3A_366 : i32 to index
          %get3A_423 = arith.constant 48 : index
          %get3A_424 = tpu.vector_load %arg20[%get3A_422, %get3A_423] {strides = array<i32>} : memref<48x128xf32, #tpu.memory_space<vmem>>, vector<16xf32>,
          %add3A_425 = arith.addf %get3A_378, %get3A_424 : vector<16xf32>
          %mul3A_426 = arith.constant 2.000000e-01 : f32
          %mul3A_427 = vector.broadcast %mul3A_426 : f32 to vector<16xf32>
          %mul3A_428 = arith.mulf %mul3A_427, %add3A_425 : vector<16xf32>
          %max3A_429 = arith.maximumf %add3A_425, %mul3A_428 : vector<16xf32>
          %mul3A_430 = arith.mulf %max3A_429, %get3A_35 : vector<16xf32>
          %add3A_431 = arith.addf %add3A_421, %mul3A_430 : vector<16xf32>
          %get3A_432 = arith.index_cast %add3A_366 : i32 to index
          %get3A_433 = arith.constant 64 : index
          %get3A_434 = tpu.vector_load %arg20[%get3A_432, %get3A_433] {strides = array<i32>} : memref<48x128xf32, #tpu.memory_space<vmem>>, vector<16xf32>,
          %add3A_435 = arith.addf %get3A_381, %get3A_434 : vector<16xf32>
          %mul3A_436 = arith.constant 2.000000e-01 : f32
          %mul3A_437 = vector.broadcast %mul3A_436 : f32 to vector<16xf32>
          %mul3A_438 = arith.mulf %mul3A_437, %add3A_435 : vector<16xf32>
          %max3A_439 = arith.maximumf %add3A_435, %mul3A_438 : vector<16xf32>
          %mul3A_440 = arith.mulf %max3A_439, %get3A_37 : vector<16xf32>
          %add3A_441 = arith.addf %add3A_431, %mul3A_440 : vector<16xf32>
          %get3A_442 = arith.index_cast %add3A_366 : i32 to index
          %get3A_443 = arith.constant 80 : index
          %get3A_444 = tpu.vector_load %arg20[%get3A_442, %get3A_443] {strides = array<i32>} : memref<48x128xf32, #tpu.memory_space<vmem>>, vector<16xf32>,
          %add3A_445 = arith.addf %get3A_384, %get3A_444 : vector<16xf32>
          %mul3A_446 = arith.constant 2.000000e-01 : f32
          %mul3A_447 = vector.broadcast %mul3A_446 : f32 to vector<16xf32>
          %mul3A_448 = arith.mulf %mul3A_447, %add3A_445 : vector<16xf32>
          %max3A_449 = arith.maximumf %add3A_445, %mul3A_448 : vector<16xf32>
          %mul3A_450 = arith.mulf %max3A_449, %get3A_39 : vector<16xf32>
          %add3A_451 = arith.addf %add3A_441, %mul3A_450 : vector<16xf32>
          %get3A_452 = arith.index_cast %add3A_366 : i32 to index
          %get3A_453 = arith.constant 96 : index
          %get3A_454 = tpu.vector_load %arg20[%get3A_452, %get3A_453] {strides = array<i32>} : memref<48x128xf32, #tpu.memory_space<vmem>>, vector<16xf32>,
          %add3A_455 = arith.addf %get3A_387, %get3A_454 : vector<16xf32>
          %mul3A_456 = arith.constant 2.000000e-01 : f32
          %mul3A_457 = vector.broadcast %mul3A_456 : f32 to vector<16xf32>
          %mul3A_458 = arith.mulf %mul3A_457, %add3A_455 : vector<16xf32>
          %max3A_459 = arith.maximumf %add3A_455, %mul3A_458 : vector<16xf32>
          %mul3A_460 = arith.mulf %max3A_459, %get3A_41 : vector<16xf32>
          %add3A_461 = arith.addf %add3A_451, %mul3A_460 : vector<16xf32>
          %get3A_462 = arith.index_cast %add3A_366 : i32 to index
          %get3A_463 = arith.constant 112 : index
          %get3A_464 = tpu.vector_load %arg20[%get3A_462, %get3A_463] {strides = array<i32>} : memref<48x128xf32, #tpu.memory_space<vmem>>, vector<16xf32>,
          %add3A_465 = arith.addf %get3A_390, %get3A_464 : vector<16xf32>
          %mul3A_466 = arith.constant 2.000000e-01 : f32
          %mul3A_467 = vector.broadcast %mul3A_466 : f32 to vector<16xf32>
          %mul3A_468 = arith.mulf %mul3A_467, %add3A_465 : vector<16xf32>
          %max3A_469 = arith.maximumf %add3A_465, %mul3A_468 : vector<16xf32>
          %mul3A_470 = arith.mulf %max3A_469, %get3A_43 : vector<16xf32>
          %add3A_471 = arith.addf %add3A_461, %mul3A_470 : vector<16xf32>
          %lt3A_472 = arith.constant 0 : i32
          %lt3A_473 = vector.broadcast %lt3A_472 : i32 to vector<16xi32>
          %lt3A_474 = arith.cmpi slt, %xor3A_19, %lt3A_473 : vector<16xi32>
          %add3A_475 = arith.constant 16 : i32
          %add3A_476 = vector.broadcast %add3A_475 : i32 to vector<16xi32>
          %add3A_477 = arith.addi %xor3A_19, %add3A_476 : vector<16xi32>
          %select_n3A = arith.select %lt3A_474, %add3A_477, %xor3A_19 : vector<16xi1>, vector<16xi32>
          %broadcast_in_dim3A_478 = vector.shape_cast %select_n3A : vector<16xi32> to vector<16x1xi32>
          %gather3A = vector.shape_cast %broadcast_in_dim3A_478 : vector<16x1xi32> to vector<16xi32>
          %gather3A_479 = tpu.dynamic_gather %add3A_471[%gather3A] in [0] : vector<16xf32>, vector<16xi32> -> vector<16xf32>
          %add3A_480 = arith.addf %add3A_471, %gather3A_479 : vector<16xf32>
          %lt3A_481 = arith.constant 0 : i32
          %lt3A_482 = vector.broadcast %lt3A_481 : i32 to vector<16xi32>
          %lt3A_483 = arith.cmpi slt, %xor3A_22, %lt3A_482 : vector<16xi32>
          %add3A_484 = arith.constant 16 : i32
          %add3A_485 = vector.broadcast %add3A_484 : i32 to vector<16xi32>
          %add3A_486 = arith.addi %xor3A_22, %add3A_485 : vector<16xi32>
          %select_n3A_487 = arith.select %lt3A_483, %add3A_486, %xor3A_22 : vector<16xi1>, vector<16xi32>
          %broadcast_in_dim3A_488 = vector.shape_cast %select_n3A_487 : vector<16xi32> to vector<16x1xi32>
          %gather3A_489 = vector.shape_cast %broadcast_in_dim3A_488 : vector<16x1xi32> to vector<16xi32>
          %gather3A_490 = tpu.dynamic_gather %add3A_480[%gather3A_489] in [0] : vector<16xf32>, vector<16xi32> -> vector<16xf32>
          %add3A_491 = arith.addf %add3A_480, %gather3A_490 : vector<16xf32>
          %lt3A_492 = arith.constant 0 : i32
          %lt3A_493 = vector.broadcast %lt3A_492 : i32 to vector<16xi32>
          %lt3A_494 = arith.cmpi slt, %xor3A_25, %lt3A_493 : vector<16xi32>
          %add3A_495 = arith.constant 16 : i32
          %add3A_496 = vector.broadcast %add3A_495 : i32 to vector<16xi32>
          %add3A_497 = arith.addi %xor3A_25, %add3A_496 : vector<16xi32>
          %select_n3A_498 = arith.select %lt3A_494, %add3A_497, %xor3A_25 : vector<16xi1>, vector<16xi32>
          %broadcast_in_dim3A_499 = vector.shape_cast %select_n3A_498 : vector<16xi32> to vector<16x1xi32>
          %gather3A_500 = vector.shape_cast %broadcast_in_dim3A_499 : vector<16x1xi32> to vector<16xi32>
          %gather3A_501 = tpu.dynamic_gather %add3A_491[%gather3A_500] in [0] : vector<16xf32>, vector<16xi32> -> vector<16xf32>
          %add3A_502 = arith.addf %add3A_491, %gather3A_501 : vector<16xf32>
          %lt3A_503 = arith.constant 0 : i32
          %lt3A_504 = vector.broadcast %lt3A_503 : i32 to vector<16xi32>
          %lt3A_505 = arith.cmpi slt, %xor3A_28, %lt3A_504 : vector<16xi32>
          %add3A_506 = arith.constant 16 : i32
          %add3A_507 = vector.broadcast %add3A_506 : i32 to vector<16xi32>
          %add3A_508 = arith.addi %xor3A_28, %add3A_507 : vector<16xi32>
          %select_n3A_509 = arith.select %lt3A_505, %add3A_508, %xor3A_28 : vector<16xi1>, vector<16xi32>
          %broadcast_in_dim3A_510 = vector.shape_cast %select_n3A_509 : vector<16xi32> to vector<16x1xi32>
          %gather3A_511 = vector.shape_cast %broadcast_in_dim3A_510 : vector<16x1xi32> to vector<16xi32>
          %gather3A_512 = tpu.dynamic_gather %add3A_502[%gather3A_511] in [0] : vector<16xf32>, vector<16xi32> -> vector<16xf32>
          %add3A_513 = arith.addf %add3A_502, %gather3A_512 : vector<16xf32>
          %exp3A = math.exp %add3A_513 : vector<16xf32>
          %eq3A_514 = vector.broadcast %scan3A_362 : i32 to vector<16xi32>
          %eq3A_515 = arith.cmpi eq, %iota3A, %eq3A_514 : vector<16xi32>
          %select_n3A_516 = arith.select %eq3A_515, %exp3A, %scan3A_363 : vector<16xi1>, vector<16xf32>
          %mul3A_517 = arith.mulf %get3A_369, %exp3A : vector<16xf32>
          %swap3A = arith.index_cast %add3A_366 : i32 to index
          %swap3A_518 = arith.constant 0 : index
          %swap3A_519 = tpu.vector_load %arg19[%swap3A, %swap3A_518] {strides = array<i32>} : memref<48x128xf32, #tpu.memory_space<vmem>>, vector<16xf32>,
          tpu.vector_store %arg19[%swap3A, %swap3A_518], %mul3A_517 {strides = array<i32>} : memref<48x128xf32, #tpu.memory_space<vmem>>, vector<16xf32>,
          %mul3A_520 = arith.mulf %get3A_372, %exp3A : vector<16xf32>
          %swap3A_521 = arith.index_cast %add3A_366 : i32 to index
          %swap3A_522 = arith.constant 16 : index
          %swap3A_523 = tpu.vector_load %arg19[%swap3A_521, %swap3A_522] {strides = array<i32>} : memref<48x128xf32, #tpu.memory_space<vmem>>, vector<16xf32>,
          tpu.vector_store %arg19[%swap3A_521, %swap3A_522], %mul3A_520 {strides = array<i32>} : memref<48x128xf32, #tpu.memory_space<vmem>>, vector<16xf32>,
          %mul3A_524 = arith.mulf %get3A_375, %exp3A : vector<16xf32>
          %swap3A_525 = arith.index_cast %add3A_366 : i32 to index
          %swap3A_526 = arith.constant 32 : index
          %swap3A_527 = tpu.vector_load %arg19[%swap3A_525, %swap3A_526] {strides = array<i32>} : memref<48x128xf32, #tpu.memory_space<vmem>>, vector<16xf32>,
          tpu.vector_store %arg19[%swap3A_525, %swap3A_526], %mul3A_524 {strides = array<i32>} : memref<48x128xf32, #tpu.memory_space<vmem>>, vector<16xf32>,
          %mul3A_528 = arith.mulf %get3A_378, %exp3A : vector<16xf32>
          %swap3A_529 = arith.index_cast %add3A_366 : i32 to index
          %swap3A_530 = arith.constant 48 : index
          %swap3A_531 = tpu.vector_load %arg19[%swap3A_529, %swap3A_530] {strides = array<i32>} : memref<48x128xf32, #tpu.memory_space<vmem>>, vector<16xf32>,
          tpu.vector_store %arg19[%swap3A_529, %swap3A_530], %mul3A_528 {strides = array<i32>} : memref<48x128xf32, #tpu.memory_space<vmem>>, vector<16xf32>,
          %mul3A_532 = arith.mulf %get3A_381, %exp3A : vector<16xf32>
          %swap3A_533 = arith.index_cast %add3A_366 : i32 to index
          %swap3A_534 = arith.constant 64 : index
          %swap3A_535 = tpu.vector_load %arg19[%swap3A_533, %swap3A_534] {strides = array<i32>} : memref<48x128xf32, #tpu.memory_space<vmem>>, vector<16xf32>,
          tpu.vector_store %arg19[%swap3A_533, %swap3A_534], %mul3A_532 {strides = array<i32>} : memref<48x128xf32, #tpu.memory_space<vmem>>, vector<16xf32>,
          %mul3A_536 = arith.mulf %get3A_384, %exp3A : vector<16xf32>
          %swap3A_537 = arith.index_cast %add3A_366 : i32 to index
          %swap3A_538 = arith.constant 80 : index
          %swap3A_539 = tpu.vector_load %arg19[%swap3A_537, %swap3A_538] {strides = array<i32>} : memref<48x128xf32, #tpu.memory_space<vmem>>, vector<16xf32>,
          tpu.vector_store %arg19[%swap3A_537, %swap3A_538], %mul3A_536 {strides = array<i32>} : memref<48x128xf32, #tpu.memory_space<vmem>>, vector<16xf32>,
          %mul3A_540 = arith.mulf %get3A_387, %exp3A : vector<16xf32>
          %swap3A_541 = arith.index_cast %add3A_366 : i32 to index
          %swap3A_542 = arith.constant 96 : index
          %swap3A_543 = tpu.vector_load %arg19[%swap3A_541, %swap3A_542] {strides = array<i32>} : memref<48x128xf32, #tpu.memory_space<vmem>>, vector<16xf32>,
          tpu.vector_store %arg19[%swap3A_541, %swap3A_542], %mul3A_540 {strides = array<i32>} : memref<48x128xf32, #tpu.memory_space<vmem>>, vector<16xf32>,
          %mul3A_544 = arith.mulf %get3A_390, %exp3A : vector<16xf32>
          %swap3A_545 = arith.index_cast %add3A_366 : i32 to index
          %swap3A_546 = arith.constant 112 : index
          %swap3A_547 = tpu.vector_load %arg19[%swap3A_545, %swap3A_546] {strides = array<i32>} : memref<48x128xf32, #tpu.memory_space<vmem>>, vector<16xf32>,
          tpu.vector_store %arg19[%swap3A_545, %swap3A_546], %mul3A_544 {strides = array<i32>} : memref<48x128xf32, #tpu.memory_space<vmem>>, vector<16xf32>,
          scf.yield %select_n3A_516 : vector<16xf32>
        }
        %scan3A_360 = arith.constant 16 : i32
        tpu.vector_store_idx %arg12[%get3A_352], %scan3A_359 {add = true} : memref<10000xf32, #tpu.memory_space<vmem>>[vector<16xi32>], vector<16xf32>,
        %scan3A_361 = arith.constant 0 : i32
        scf.yield %scan3A_361 : i32
      }
      %scan3A_233 = arith.constant 3 : i32
      %dma_start3A_234 = arith.constant 0 : i32
      %dma_start3A_235 = arith.constant 0 : i32
      %dma_start3A_236 = tpu.memref_slice %arg25[%dma_start3A_234, %dma_start3A_235] : memref<10000x128xf32, #tpu.memory_space<vmem_shared>> -> memref<10000x128xf32, #tpu.memory_space<vmem_shared>>
      tpu.enqueue_indirect_dma source(%arg19 : memref<48x128xf32, #tpu.memory_space<vmem>>) target(%dma_start3A_236 : memref<10000x128xf32, #tpu.memory_space<vmem_shared>>) offsets(%arg14 : memref<48xi32, #tpu.memory_space<vmem>>) semaphore(%arg32 : memref<!tpu.dma_semaphore, #tpu.memory_space<semaphore_mem>>) {add = true}
      %gt3A = arith.constant 0 : i32
      %gt3A_237 = arith.cmpi sgt, %scan3A_215, %gt3A : i32
      %convert_element_type3A_238 = arith.extui %gt3A_237 : i1 to i32
      %cond3A_239 = arith.constant 0 : i32
      %cond3A_240 = arith.cmpi ne, %convert_element_type3A_238, %cond3A_239 : i32
      scf.if %cond3A_240 {
        %dma_wait3A_347 = arith.constant 0 : i32
        %dma_wait3A_348 = arith.constant 0 : i32
        %dma_wait3A_349 = tpu.memref_slice %arg23[%dma_wait3A_347, %dma_wait3A_348] : memref<48x128xf32, #tpu.memory_space<vmem>> -> memref<48x128xf32, #tpu.memory_space<vmem>>
        %dma_wait3A_350 = arith.constant 0 : i32
        %dma_wait3A_351 = arith.constant 0 : i32
        %dma_wait3A_352 = tpu.memref_slice %arg2[%dma_wait3A_350, %dma_wait3A_351] : memref<10000x128xf32, #tpu.memory_space<hbm>> -> memref<48x128xf32, #tpu.memory_space<hbm>>
        %dma_wait3A_353 = arith.constant 0 : i32
        %dma_wait3A_354 = arith.constant 0 : i32
        %dma_wait3A_355 = tpu.memref_slice %arg23[%dma_wait3A_353, %dma_wait3A_354] : memref<48x128xf32, #tpu.memory_space<vmem>> -> memref<48x128xf32, #tpu.memory_space<vmem>>
        %dma_wait3A_356 = arith.constant 0 : i32
        %dma_wait3A_357 = arith.constant 0 : i32
        %dma_wait3A_358 = tpu.memref_slice %arg2[%dma_wait3A_356, %dma_wait3A_357] : memref<10000x128xf32, #tpu.memory_space<hbm>> -> memref<48x128xf32, #tpu.memory_space<hbm>>
        tpu.wait_dma2 semaphore(%arg34 : memref<!tpu.dma_semaphore, #tpu.memory_space<semaphore_mem>>) src(%dma_wait3A_358 : memref<48x128xf32, #tpu.memory_space<hbm>>) dst(%dma_wait3A_355 : memref<48x128xf32, #tpu.memory_space<vmem>>)
      } else {
      }
      %add3A_241 = arith.constant 2 : i32
      %add3A_242 = arith.addi %add3A_220, %add3A_241 : i32
      %lt3A = arith.constant 208 : i32
      %lt3A_243 = arith.cmpi slt, %add3A_242, %lt3A : i32
      %convert_element_type3A_244 = arith.extui %lt3A_243 : i1 to i32
      %cond3A_245 = arith.constant 0 : i32
      %cond3A_246 = arith.cmpi ne, %convert_element_type3A_244, %cond3A_245 : i32
      scf.if %cond3A_246 {
        %dma_wait3A_347 = arith.constant 0 : i32
        %dma_wait3A_348 = tpu.memref_slice %arg4[%dma_wait3A_347] : memref<320000xi32, #tpu.memory_space<hbm>> -> memref<48xi32, #tpu.memory_space<hbm>>
        %dma_wait3A_349 = arith.constant 0 : i32
        %dma_wait3A_350 = tpu.memref_slice %arg4[%dma_wait3A_349] : memref<320000xi32, #tpu.memory_space<hbm>> -> memref<48xi32, #tpu.memory_space<hbm>>
        tpu.wait_dma2 semaphore(%arg28 : memref<!tpu.dma_semaphore, #tpu.memory_space<semaphore_mem>>) src(%dma_wait3A_350 : memref<48xi32, #tpu.memory_space<hbm>>) dst(%arg17 : memref<48xi32, #tpu.memory_space<vmem>>)
        %dma_wait3A_351 = arith.constant 0 : i32
        %dma_wait3A_352 = tpu.memref_slice %arg5[%dma_wait3A_351] : memref<320000xi32, #tpu.memory_space<hbm>> -> memref<48xi32, #tpu.memory_space<hbm>>
        %dma_wait3A_353 = arith.constant 0 : i32
        %dma_wait3A_354 = tpu.memref_slice %arg5[%dma_wait3A_353] : memref<320000xi32, #tpu.memory_space<hbm>> -> memref<48xi32, #tpu.memory_space<hbm>>
        tpu.wait_dma2 semaphore(%arg28 : memref<!tpu.dma_semaphore, #tpu.memory_space<semaphore_mem>>) src(%dma_wait3A_354 : memref<48xi32, #tpu.memory_space<hbm>>) dst(%arg18 : memref<48xi32, #tpu.memory_space<vmem>>)
        %dma_start3A_355 = arith.constant 0 : i32
        %dma_start3A_356 = arith.constant 0 : i32
        %dma_start3A_357 = tpu.memref_slice %arg2[%dma_start3A_355, %dma_start3A_356] : memref<10000x128xf32, #tpu.memory_space<hbm>> -> memref<10000x128xf32, #tpu.memory_space<hbm>>
        tpu.enqueue_indirect_dma source(%dma_start3A_357 : memref<10000x128xf32, #tpu.memory_space<hbm>>) target(%arg23 : memref<48x128xf32, #tpu.memory_space<vmem>>) offsets(%arg17 : memref<48xi32, #tpu.memory_space<vmem>>) semaphore(%arg31 : memref<!tpu.dma_semaphore, #tpu.memory_space<semaphore_mem>>)
        %dma_start3A_358 = arith.constant 0 : i32
        %dma_start3A_359 = arith.constant 0 : i32
        %dma_start3A_360 = tpu.memref_slice %arg3[%dma_start3A_358, %dma_start3A_359] : memref<10000x128xf32, #tpu.memory_space<hbm>> -> memref<10000x128xf32, #tpu.memory_space<hbm>>
        tpu.enqueue_indirect_dma source(%dma_start3A_360 : memref<10000x128xf32, #tpu.memory_space<hbm>>) target(%arg24 : memref<48x128xf32, #tpu.memory_space<vmem>>) offsets(%arg18 : memref<48xi32, #tpu.memory_space<vmem>>) semaphore(%arg31 : memref<!tpu.dma_semaphore, #tpu.memory_space<semaphore_mem>>)
      } else {
      }
      %add3A_247 = arith.constant 3 : i32
      %add3A_248 = arith.addi %add3A_220, %add3A_247 : i32
      %lt3A_249 = arith.constant 208 : i32
      %lt3A_250 = arith.cmpi slt, %add3A_248, %lt3A_249 : i32
      %convert_element_type3A_251 = arith.extui %lt3A_250 : i1 to i32
      %cond3A_252 = arith.constant 0 : i32
      %cond3A_253 = arith.cmpi ne, %convert_element_type3A_251, %cond3A_252 : i32
      scf.if %cond3A_253 {
        %add3A_347 = arith.constant 3 : i32
        %add3A_348 = arith.addi %add3A_220, %add3A_347 : i32
        %mul3A_349 = arith.constant 48 : i32
        %mul3A_350 = arith.muli %add3A_348, %mul3A_349 : i32
        %add3A_351 = arith.addi %multiple_of3A, %mul3A_350 : i32
        %multiple_of3A_352 = tpu.assume_multiple %add3A_351, 8 : i32
        %dma_start3A_353 = tpu.memref_slice %arg4[%multiple_of3A_352] : memref<320000xi32, #tpu.memory_space<hbm>> -> memref<48xi32, #tpu.memory_space<hbm>>
        %dma_start3A_354 = tpu.memref_slice %arg4[%multiple_of3A_352] : memref<320000xi32, #tpu.memory_space<hbm>> -> memref<48xi32, #tpu.memory_space<hbm>>
        tpu.enqueue_dma source(%dma_start3A_354 : memref<48xi32, #tpu.memory_space<hbm>>) target(%arg13 : memref<48xi32, #tpu.memory_space<vmem>>) target_semaphore(%arg26 : memref<!tpu.dma_semaphore, #tpu.memory_space<semaphore_mem>>)
        %dma_start3A_355 = tpu.memref_slice %arg5[%multiple_of3A_352] : memref<320000xi32, #tpu.memory_space<hbm>> -> memref<48xi32, #tpu.memory_space<hbm>>
        %dma_start3A_356 = tpu.memref_slice %arg5[%multiple_of3A_352] : memref<320000xi32, #tpu.memory_space<hbm>> -> memref<48xi32, #tpu.memory_space<hbm>>
        tpu.enqueue_dma source(%dma_start3A_356 : memref<48xi32, #tpu.memory_space<hbm>>) target(%arg14 : memref<48xi32, #tpu.memory_space<vmem>>) target_semaphore(%arg26 : memref<!tpu.dma_semaphore, #tpu.memory_space<semaphore_mem>>)
      } else {
      }
      %mul3A_254 = arith.constant 3 : i32
      %mul3A_255 = arith.muli %scan3A_215, %mul3A_254 : i32
      %add3A_256 = arith.constant 1 : i32
      %add3A_257 = arith.addi %mul3A_255, %add3A_256 : i32
      %dma_wait3A_258 = arith.constant 0 : i32
      %dma_wait3A_259 = arith.constant 0 : i32
      %dma_wait3A_260 = tpu.memref_slice %arg2[%dma_wait3A_258, %dma_wait3A_259] : memref<10000x128xf32, #tpu.memory_space<hbm>> -> memref<10000x128xf32, #tpu.memory_space<hbm>>
      tpu.wait_indirect_dma semaphore(%arg30 : memref<!tpu.dma_semaphore, #tpu.memory_space<semaphore_mem>>) src(%dma_wait3A_260 : memref<10000x128xf32, #tpu.memory_space<hbm>>) dst(%arg21 : memref<48x128xf32, #tpu.memory_space<vmem>>)
      %dma_wait3A_261 = arith.constant 0 : i32
      %dma_wait3A_262 = arith.constant 0 : i32
      %dma_wait3A_263 = tpu.memref_slice %arg3[%dma_wait3A_261, %dma_wait3A_262] : memref<10000x128xf32, #tpu.memory_space<hbm>> -> memref<10000x128xf32, #tpu.memory_space<hbm>>
      tpu.wait_indirect_dma semaphore(%arg30 : memref<!tpu.dma_semaphore, #tpu.memory_space<semaphore_mem>>) src(%dma_wait3A_263 : memref<10000x128xf32, #tpu.memory_space<hbm>>) dst(%arg22 : memref<48x128xf32, #tpu.memory_space<vmem>>)
      %scan3A_264 = arith.constant 0 : i32
      %scan3A_265 = arith.constant 0 : i32
      %scan3A_266 = arith.constant 3 : i32
      %scan3A_267 = arith.addi %scan3A_265, %scan3A_266 : i32
      %scan3A_268 = arith.constant 1 : i32
      %scan3A_269 = scf.for %scan3A_347 = %scan3A_265 to %scan3A_267 step %scan3A_268 iter_args(%scan3A_348 = %scan3A_264) -> (i32)  : i32 {
        %mul3A_349 = arith.constant 16 : i32
        %mul3A_350 = arith.muli %scan3A_347, %mul3A_349 : i32
        %get3A_351 = arith.index_cast %mul3A_350 : i32 to index
        %get3A_352 = tpu.vector_load %arg16[%get3A_351] {strides = array<i32>} : memref<48xi32, #tpu.memory_space<vmem>>, vector<16xi32>,
        %broadcast_in_dim3A_353 = arith.constant 0.000000e+00 : f32
        %broadcast_in_dim3A_354 = vector.broadcast %broadcast_in_dim3A_353 : f32 to vector<16xf32>
        %scan3A_355 = arith.constant 0 : i32
        %scan3A_356 = arith.constant 16 : i32
        %scan3A_357 = arith.addi %scan3A_355, %scan3A_356 : i32
        %scan3A_358 = arith.constant 1 : i32
        %scan3A_359 = scf.for %scan3A_362 = %scan3A_355 to %scan3A_357 step %scan3A_358 iter_args(%scan3A_363 = %broadcast_in_dim3A_354) -> (vector<16xf32>)  : i32 {
          %mul3A_364 = arith.constant 16 : i32
          %mul3A_365 = arith.muli %scan3A_347, %mul3A_364 : i32
          %add3A_366 = arith.addi %mul3A_365, %scan3A_362 : i32
          %get3A_367 = arith.index_cast %add3A_366 : i32 to index
          %get3A_368 = arith.constant 0 : index
          %get3A_369 = tpu.vector_load %arg21[%get3A_367, %get3A_368] {strides = array<i32>} : memref<48x128xf32, #tpu.memory_space<vmem>>, vector<16xf32>,
          %get3A_370 = arith.index_cast %add3A_366 : i32 to index
          %get3A_371 = arith.constant 16 : index
          %get3A_372 = tpu.vector_load %arg21[%get3A_370, %get3A_371] {strides = array<i32>} : memref<48x128xf32, #tpu.memory_space<vmem>>, vector<16xf32>,
          %get3A_373 = arith.index_cast %add3A_366 : i32 to index
          %get3A_374 = arith.constant 32 : index
          %get3A_375 = tpu.vector_load %arg21[%get3A_373, %get3A_374] {strides = array<i32>} : memref<48x128xf32, #tpu.memory_space<vmem>>, vector<16xf32>,
          %get3A_376 = arith.index_cast %add3A_366 : i32 to index
          %get3A_377 = arith.constant 48 : index
          %get3A_378 = tpu.vector_load %arg21[%get3A_376, %get3A_377] {strides = array<i32>} : memref<48x128xf32, #tpu.memory_space<vmem>>, vector<16xf32>,
          %get3A_379 = arith.index_cast %add3A_366 : i32 to index
          %get3A_380 = arith.constant 64 : index
          %get3A_381 = tpu.vector_load %arg21[%get3A_379, %get3A_380] {strides = array<i32>} : memref<48x128xf32, #tpu.memory_space<vmem>>, vector<16xf32>,
          %get3A_382 = arith.index_cast %add3A_366 : i32 to index
          %get3A_383 = arith.constant 80 : index
          %get3A_384 = tpu.vector_load %arg21[%get3A_382, %get3A_383] {strides = array<i32>} : memref<48x128xf32, #tpu.memory_space<vmem>>, vector<16xf32>,
          %get3A_385 = arith.index_cast %add3A_366 : i32 to index
          %get3A_386 = arith.constant 96 : index
          %get3A_387 = tpu.vector_load %arg21[%get3A_385, %get3A_386] {strides = array<i32>} : memref<48x128xf32, #tpu.memory_space<vmem>>, vector<16xf32>,
          %get3A_388 = arith.index_cast %add3A_366 : i32 to index
          %get3A_389 = arith.constant 112 : index
          %get3A_390 = tpu.vector_load %arg21[%get3A_388, %get3A_389] {strides = array<i32>} : memref<48x128xf32, #tpu.memory_space<vmem>>, vector<16xf32>,
          %broadcast_in_dim3A_391 = arith.constant 0.000000e+00 : f32
          %broadcast_in_dim3A_392 = vector.broadcast %broadcast_in_dim3A_391 : f32 to vector<16xf32>
          %get3A_393 = arith.index_cast %add3A_366 : i32 to index
          %get3A_394 = arith.constant 0 : index
          %get3A_395 = tpu.vector_load %arg22[%get3A_393, %get3A_394] {strides = array<i32>} : memref<48x128xf32, #tpu.memory_space<vmem>>, vector<16xf32>,
          %add3A_396 = arith.addf %get3A_369, %get3A_395 : vector<16xf32>
          %mul3A_397 = arith.constant 2.000000e-01 : f32
          %mul3A_398 = vector.broadcast %mul3A_397 : f32 to vector<16xf32>
          %mul3A_399 = arith.mulf %mul3A_398, %add3A_396 : vector<16xf32>
          %max3A = arith.maximumf %add3A_396, %mul3A_399 : vector<16xf32>
          %mul3A_400 = arith.mulf %max3A, %get3A_29 : vector<16xf32>
          %add3A_401 = arith.addf %broadcast_in_dim3A_392, %mul3A_400 : vector<16xf32>
          %get3A_402 = arith.index_cast %add3A_366 : i32 to index
          %get3A_403 = arith.constant 16 : index
          %get3A_404 = tpu.vector_load %arg22[%get3A_402, %get3A_403] {strides = array<i32>} : memref<48x128xf32, #tpu.memory_space<vmem>>, vector<16xf32>,
          %add3A_405 = arith.addf %get3A_372, %get3A_404 : vector<16xf32>
          %mul3A_406 = arith.constant 2.000000e-01 : f32
          %mul3A_407 = vector.broadcast %mul3A_406 : f32 to vector<16xf32>
          %mul3A_408 = arith.mulf %mul3A_407, %add3A_405 : vector<16xf32>
          %max3A_409 = arith.maximumf %add3A_405, %mul3A_408 : vector<16xf32>
          %mul3A_410 = arith.mulf %max3A_409, %get3A_31 : vector<16xf32>
          %add3A_411 = arith.addf %add3A_401, %mul3A_410 : vector<16xf32>
          %get3A_412 = arith.index_cast %add3A_366 : i32 to index
          %get3A_413 = arith.constant 32 : index
          %get3A_414 = tpu.vector_load %arg22[%get3A_412, %get3A_413] {strides = array<i32>} : memref<48x128xf32, #tpu.memory_space<vmem>>, vector<16xf32>,
          %add3A_415 = arith.addf %get3A_375, %get3A_414 : vector<16xf32>
          %mul3A_416 = arith.constant 2.000000e-01 : f32
          %mul3A_417 = vector.broadcast %mul3A_416 : f32 to vector<16xf32>
          %mul3A_418 = arith.mulf %mul3A_417, %add3A_415 : vector<16xf32>
          %max3A_419 = arith.maximumf %add3A_415, %mul3A_418 : vector<16xf32>
          %mul3A_420 = arith.mulf %max3A_419, %get3A_33 : vector<16xf32>
          %add3A_421 = arith.addf %add3A_411, %mul3A_420 : vector<16xf32>
          %get3A_422 = arith.index_cast %add3A_366 : i32 to index
          %get3A_423 = arith.constant 48 : index
          %get3A_424 = tpu.vector_load %arg22[%get3A_422, %get3A_423] {strides = array<i32>} : memref<48x128xf32, #tpu.memory_space<vmem>>, vector<16xf32>,
          %add3A_425 = arith.addf %get3A_378, %get3A_424 : vector<16xf32>
          %mul3A_426 = arith.constant 2.000000e-01 : f32
          %mul3A_427 = vector.broadcast %mul3A_426 : f32 to vector<16xf32>
          %mul3A_428 = arith.mulf %mul3A_427, %add3A_425 : vector<16xf32>
          %max3A_429 = arith.maximumf %add3A_425, %mul3A_428 : vector<16xf32>
          %mul3A_430 = arith.mulf %max3A_429, %get3A_35 : vector<16xf32>
          %add3A_431 = arith.addf %add3A_421, %mul3A_430 : vector<16xf32>
          %get3A_432 = arith.index_cast %add3A_366 : i32 to index
          %get3A_433 = arith.constant 64 : index
          %get3A_434 = tpu.vector_load %arg22[%get3A_432, %get3A_433] {strides = array<i32>} : memref<48x128xf32, #tpu.memory_space<vmem>>, vector<16xf32>,
          %add3A_435 = arith.addf %get3A_381, %get3A_434 : vector<16xf32>
          %mul3A_436 = arith.constant 2.000000e-01 : f32
          %mul3A_437 = vector.broadcast %mul3A_436 : f32 to vector<16xf32>
          %mul3A_438 = arith.mulf %mul3A_437, %add3A_435 : vector<16xf32>
          %max3A_439 = arith.maximumf %add3A_435, %mul3A_438 : vector<16xf32>
          %mul3A_440 = arith.mulf %max3A_439, %get3A_37 : vector<16xf32>
          %add3A_441 = arith.addf %add3A_431, %mul3A_440 : vector<16xf32>
          %get3A_442 = arith.index_cast %add3A_366 : i32 to index
          %get3A_443 = arith.constant 80 : index
          %get3A_444 = tpu.vector_load %arg22[%get3A_442, %get3A_443] {strides = array<i32>} : memref<48x128xf32, #tpu.memory_space<vmem>>, vector<16xf32>,
          %add3A_445 = arith.addf %get3A_384, %get3A_444 : vector<16xf32>
          %mul3A_446 = arith.constant 2.000000e-01 : f32
          %mul3A_447 = vector.broadcast %mul3A_446 : f32 to vector<16xf32>
          %mul3A_448 = arith.mulf %mul3A_447, %add3A_445 : vector<16xf32>
          %max3A_449 = arith.maximumf %add3A_445, %mul3A_448 : vector<16xf32>
          %mul3A_450 = arith.mulf %max3A_449, %get3A_39 : vector<16xf32>
          %add3A_451 = arith.addf %add3A_441, %mul3A_450 : vector<16xf32>
          %get3A_452 = arith.index_cast %add3A_366 : i32 to index
          %get3A_453 = arith.constant 96 : index
          %get3A_454 = tpu.vector_load %arg22[%get3A_452, %get3A_453] {strides = array<i32>} : memref<48x128xf32, #tpu.memory_space<vmem>>, vector<16xf32>,
          %add3A_455 = arith.addf %get3A_387, %get3A_454 : vector<16xf32>
          %mul3A_456 = arith.constant 2.000000e-01 : f32
          %mul3A_457 = vector.broadcast %mul3A_456 : f32 to vector<16xf32>
          %mul3A_458 = arith.mulf %mul3A_457, %add3A_455 : vector<16xf32>
          %max3A_459 = arith.maximumf %add3A_455, %mul3A_458 : vector<16xf32>
          %mul3A_460 = arith.mulf %max3A_459, %get3A_41 : vector<16xf32>
          %add3A_461 = arith.addf %add3A_451, %mul3A_460 : vector<16xf32>
          %get3A_462 = arith.index_cast %add3A_366 : i32 to index
          %get3A_463 = arith.constant 112 : index
          %get3A_464 = tpu.vector_load %arg22[%get3A_462, %get3A_463] {strides = array<i32>} : memref<48x128xf32, #tpu.memory_space<vmem>>, vector<16xf32>,
          %add3A_465 = arith.addf %get3A_390, %get3A_464 : vector<16xf32>
          %mul3A_466 = arith.constant 2.000000e-01 : f32
          %mul3A_467 = vector.broadcast %mul3A_466 : f32 to vector<16xf32>
          %mul3A_468 = arith.mulf %mul3A_467, %add3A_465 : vector<16xf32>
          %max3A_469 = arith.maximumf %add3A_465, %mul3A_468 : vector<16xf32>
          %mul3A_470 = arith.mulf %max3A_469, %get3A_43 : vector<16xf32>
          %add3A_471 = arith.addf %add3A_461, %mul3A_470 : vector<16xf32>
          %lt3A_472 = arith.constant 0 : i32
          %lt3A_473 = vector.broadcast %lt3A_472 : i32 to vector<16xi32>
          %lt3A_474 = arith.cmpi slt, %xor3A_19, %lt3A_473 : vector<16xi32>
          %add3A_475 = arith.constant 16 : i32
          %add3A_476 = vector.broadcast %add3A_475 : i32 to vector<16xi32>
          %add3A_477 = arith.addi %xor3A_19, %add3A_476 : vector<16xi32>
          %select_n3A = arith.select %lt3A_474, %add3A_477, %xor3A_19 : vector<16xi1>, vector<16xi32>
          %broadcast_in_dim3A_478 = vector.shape_cast %select_n3A : vector<16xi32> to vector<16x1xi32>
          %gather3A = vector.shape_cast %broadcast_in_dim3A_478 : vector<16x1xi32> to vector<16xi32>
          %gather3A_479 = tpu.dynamic_gather %add3A_471[%gather3A] in [0] : vector<16xf32>, vector<16xi32> -> vector<16xf32>
          %add3A_480 = arith.addf %add3A_471, %gather3A_479 : vector<16xf32>
          %lt3A_481 = arith.constant 0 : i32
          %lt3A_482 = vector.broadcast %lt3A_481 : i32 to vector<16xi32>
          %lt3A_483 = arith.cmpi slt, %xor3A_22, %lt3A_482 : vector<16xi32>
          %add3A_484 = arith.constant 16 : i32
          %add3A_485 = vector.broadcast %add3A_484 : i32 to vector<16xi32>
          %add3A_486 = arith.addi %xor3A_22, %add3A_485 : vector<16xi32>
          %select_n3A_487 = arith.select %lt3A_483, %add3A_486, %xor3A_22 : vector<16xi1>, vector<16xi32>
          %broadcast_in_dim3A_488 = vector.shape_cast %select_n3A_487 : vector<16xi32> to vector<16x1xi32>
          %gather3A_489 = vector.shape_cast %broadcast_in_dim3A_488 : vector<16x1xi32> to vector<16xi32>
          %gather3A_490 = tpu.dynamic_gather %add3A_480[%gather3A_489] in [0] : vector<16xf32>, vector<16xi32> -> vector<16xf32>
          %add3A_491 = arith.addf %add3A_480, %gather3A_490 : vector<16xf32>
          %lt3A_492 = arith.constant 0 : i32
          %lt3A_493 = vector.broadcast %lt3A_492 : i32 to vector<16xi32>
          %lt3A_494 = arith.cmpi slt, %xor3A_25, %lt3A_493 : vector<16xi32>
          %add3A_495 = arith.constant 16 : i32
          %add3A_496 = vector.broadcast %add3A_495 : i32 to vector<16xi32>
          %add3A_497 = arith.addi %xor3A_25, %add3A_496 : vector<16xi32>
          %select_n3A_498 = arith.select %lt3A_494, %add3A_497, %xor3A_25 : vector<16xi1>, vector<16xi32>
          %broadcast_in_dim3A_499 = vector.shape_cast %select_n3A_498 : vector<16xi32> to vector<16x1xi32>
          %gather3A_500 = vector.shape_cast %broadcast_in_dim3A_499 : vector<16x1xi32> to vector<16xi32>
          %gather3A_501 = tpu.dynamic_gather %add3A_491[%gather3A_500] in [0] : vector<16xf32>, vector<16xi32> -> vector<16xf32>
          %add3A_502 = arith.addf %add3A_491, %gather3A_501 : vector<16xf32>
          %lt3A_503 = arith.constant 0 : i32
          %lt3A_504 = vector.broadcast %lt3A_503 : i32 to vector<16xi32>
          %lt3A_505 = arith.cmpi slt, %xor3A_28, %lt3A_504 : vector<16xi32>
          %add3A_506 = arith.constant 16 : i32
          %add3A_507 = vector.broadcast %add3A_506 : i32 to vector<16xi32>
          %add3A_508 = arith.addi %xor3A_28, %add3A_507 : vector<16xi32>
          %select_n3A_509 = arith.select %lt3A_505, %add3A_508, %xor3A_28 : vector<16xi1>, vector<16xi32>
          %broadcast_in_dim3A_510 = vector.shape_cast %select_n3A_509 : vector<16xi32> to vector<16x1xi32>
          %gather3A_511 = vector.shape_cast %broadcast_in_dim3A_510 : vector<16x1xi32> to vector<16xi32>
          %gather3A_512 = tpu.dynamic_gather %add3A_502[%gather3A_511] in [0] : vector<16xf32>, vector<16xi32> -> vector<16xf32>
          %add3A_513 = arith.addf %add3A_502, %gather3A_512 : vector<16xf32>
          %exp3A = math.exp %add3A_513 : vector<16xf32>
          %eq3A_514 = vector.broadcast %scan3A_362 : i32 to vector<16xi32>
          %eq3A_515 = arith.cmpi eq, %iota3A, %eq3A_514 : vector<16xi32>
          %select_n3A_516 = arith.select %eq3A_515, %exp3A, %scan3A_363 : vector<16xi1>, vector<16xf32>
          %mul3A_517 = arith.mulf %get3A_369, %exp3A : vector<16xf32>
          %swap3A = arith.index_cast %add3A_366 : i32 to index
          %swap3A_518 = arith.constant 0 : index
          %swap3A_519 = tpu.vector_load %arg21[%swap3A, %swap3A_518] {strides = array<i32>} : memref<48x128xf32, #tpu.memory_space<vmem>>, vector<16xf32>,
          tpu.vector_store %arg21[%swap3A, %swap3A_518], %mul3A_517 {strides = array<i32>} : memref<48x128xf32, #tpu.memory_space<vmem>>, vector<16xf32>,
          %mul3A_520 = arith.mulf %get3A_372, %exp3A : vector<16xf32>
          %swap3A_521 = arith.index_cast %add3A_366 : i32 to index
          %swap3A_522 = arith.constant 16 : index
          %swap3A_523 = tpu.vector_load %arg21[%swap3A_521, %swap3A_522] {strides = array<i32>} : memref<48x128xf32, #tpu.memory_space<vmem>>, vector<16xf32>,
          tpu.vector_store %arg21[%swap3A_521, %swap3A_522], %mul3A_520 {strides = array<i32>} : memref<48x128xf32, #tpu.memory_space<vmem>>, vector<16xf32>,
          %mul3A_524 = arith.mulf %get3A_375, %exp3A : vector<16xf32>
          %swap3A_525 = arith.index_cast %add3A_366 : i32 to index
          %swap3A_526 = arith.constant 32 : index
          %swap3A_527 = tpu.vector_load %arg21[%swap3A_525, %swap3A_526] {strides = array<i32>} : memref<48x128xf32, #tpu.memory_space<vmem>>, vector<16xf32>,
          tpu.vector_store %arg21[%swap3A_525, %swap3A_526], %mul3A_524 {strides = array<i32>} : memref<48x128xf32, #tpu.memory_space<vmem>>, vector<16xf32>,
          %mul3A_528 = arith.mulf %get3A_378, %exp3A : vector<16xf32>
          %swap3A_529 = arith.index_cast %add3A_366 : i32 to index
          %swap3A_530 = arith.constant 48 : index
          %swap3A_531 = tpu.vector_load %arg21[%swap3A_529, %swap3A_530] {strides = array<i32>} : memref<48x128xf32, #tpu.memory_space<vmem>>, vector<16xf32>,
          tpu.vector_store %arg21[%swap3A_529, %swap3A_530], %mul3A_528 {strides = array<i32>} : memref<48x128xf32, #tpu.memory_space<vmem>>, vector<16xf32>,
          %mul3A_532 = arith.mulf %get3A_381, %exp3A : vector<16xf32>
          %swap3A_533 = arith.index_cast %add3A_366 : i32 to index
          %swap3A_534 = arith.constant 64 : index
          %swap3A_535 = tpu.vector_load %arg21[%swap3A_533, %swap3A_534] {strides = array<i32>} : memref<48x128xf32, #tpu.memory_space<vmem>>, vector<16xf32>,
          tpu.vector_store %arg21[%swap3A_533, %swap3A_534], %mul3A_532 {strides = array<i32>} : memref<48x128xf32, #tpu.memory_space<vmem>>, vector<16xf32>,
          %mul3A_536 = arith.mulf %get3A_384, %exp3A : vector<16xf32>
          %swap3A_537 = arith.index_cast %add3A_366 : i32 to index
          %swap3A_538 = arith.constant 80 : index
          %swap3A_539 = tpu.vector_load %arg21[%swap3A_537, %swap3A_538] {strides = array<i32>} : memref<48x128xf32, #tpu.memory_space<vmem>>, vector<16xf32>,
          tpu.vector_store %arg21[%swap3A_537, %swap3A_538], %mul3A_536 {strides = array<i32>} : memref<48x128xf32, #tpu.memory_space<vmem>>, vector<16xf32>,
          %mul3A_540 = arith.mulf %get3A_387, %exp3A : vector<16xf32>
          %swap3A_541 = arith.index_cast %add3A_366 : i32 to index
          %swap3A_542 = arith.constant 96 : index
          %swap3A_543 = tpu.vector_load %arg21[%swap3A_541, %swap3A_542] {strides = array<i32>} : memref<48x128xf32, #tpu.memory_space<vmem>>, vector<16xf32>,
          tpu.vector_store %arg21[%swap3A_541, %swap3A_542], %mul3A_540 {strides = array<i32>} : memref<48x128xf32, #tpu.memory_space<vmem>>, vector<16xf32>,
          %mul3A_544 = arith.mulf %get3A_390, %exp3A : vector<16xf32>
          %swap3A_545 = arith.index_cast %add3A_366 : i32 to index
          %swap3A_546 = arith.constant 112 : index
          %swap3A_547 = tpu.vector_load %arg21[%swap3A_545, %swap3A_546] {strides = array<i32>} : memref<48x128xf32, #tpu.memory_space<vmem>>, vector<16xf32>,
          tpu.vector_store %arg21[%swap3A_545, %swap3A_546], %mul3A_544 {strides = array<i32>} : memref<48x128xf32, #tpu.memory_space<vmem>>, vector<16xf32>,
          scf.yield %select_n3A_516 : vector<16xf32>
        }
        %scan3A_360 = arith.constant 16 : i32
        tpu.vector_store_idx %arg12[%get3A_352], %scan3A_359 {add = true} : memref<10000xf32, #tpu.memory_space<vmem>>[vector<16xi32>], vector<16xf32>,
        %scan3A_361 = arith.constant 0 : i32
        scf.yield %scan3A_361 : i32
      }
      %scan3A_270 = arith.constant 3 : i32
      %dma_start3A_271 = arith.constant 0 : i32
      %dma_start3A_272 = arith.constant 0 : i32
      %dma_start3A_273 = tpu.memref_slice %arg25[%dma_start3A_271, %dma_start3A_272] : memref<10000x128xf32, #tpu.memory_space<vmem_shared>> -> memref<10000x128xf32, #tpu.memory_space<vmem_shared>>
      tpu.enqueue_indirect_dma source(%arg21 : memref<48x128xf32, #tpu.memory_space<vmem>>) target(%dma_start3A_273 : memref<10000x128xf32, #tpu.memory_space<vmem_shared>>) offsets(%arg16 : memref<48xi32, #tpu.memory_space<vmem>>) semaphore(%arg33 : memref<!tpu.dma_semaphore, #tpu.memory_space<semaphore_mem>>) {add = true}
      %dma_wait3A_274 = arith.constant 0 : i32
      %dma_wait3A_275 = arith.constant 0 : i32
      %dma_wait3A_276 = tpu.memref_slice %arg19[%dma_wait3A_274, %dma_wait3A_275] : memref<48x128xf32, #tpu.memory_space<vmem>> -> memref<48x128xf32, #tpu.memory_space<vmem>>
      %dma_wait3A_277 = arith.constant 0 : i32
      %dma_wait3A_278 = arith.constant 0 : i32
      %dma_wait3A_279 = tpu.memref_slice %arg2[%dma_wait3A_277, %dma_wait3A_278] : memref<10000x128xf32, #tpu.memory_space<hbm>> -> memref<48x128xf32, #tpu.memory_space<hbm>>
      %dma_wait3A_280 = arith.constant 0 : i32
      %dma_wait3A_281 = arith.constant 0 : i32
      %dma_wait3A_282 = tpu.memref_slice %arg19[%dma_wait3A_280, %dma_wait3A_281] : memref<48x128xf32, #tpu.memory_space<vmem>> -> memref<48x128xf32, #tpu.memory_space<vmem>>
      %dma_wait3A_283 = arith.constant 0 : i32
      %dma_wait3A_284 = arith.constant 0 : i32
      %dma_wait3A_285 = tpu.memref_slice %arg2[%dma_wait3A_283, %dma_wait3A_284] : memref<10000x128xf32, #tpu.memory_space<hbm>> -> memref<48x128xf32, #tpu.memory_space<hbm>>
      tpu.wait_dma2 semaphore(%arg32 : memref<!tpu.dma_semaphore, #tpu.memory_space<semaphore_mem>>) src(%dma_wait3A_285 : memref<48x128xf32, #tpu.memory_space<hbm>>) dst(%dma_wait3A_282 : memref<48x128xf32, #tpu.memory_space<vmem>>)
      %add3A_286 = arith.constant 2 : i32
      %add3A_287 = arith.addi %add3A_257, %add3A_286 : i32
      %lt3A_288 = arith.constant 208 : i32
      %lt3A_289 = arith.cmpi slt, %add3A_287, %lt3A_288 : i32
      %convert_element_type3A_290 = arith.extui %lt3A_289 : i1 to i32
      %cond3A_291 = arith.constant 0 : i32
      %cond3A_292 = arith.cmpi ne, %convert_element_type3A_290, %cond3A_291 : i32
      scf.if %cond3A_292 {
        %dma_wait3A_347 = arith.constant 0 : i32
        %dma_wait3A_348 = tpu.memref_slice %arg4[%dma_wait3A_347] : memref<320000xi32, #tpu.memory_space<hbm>> -> memref<48xi32, #tpu.memory_space<hbm>>
        %dma_wait3A_349 = arith.constant 0 : i32
        %dma_wait3A_350 = tpu.memref_slice %arg4[%dma_wait3A_349] : memref<320000xi32, #tpu.memory_space<hbm>> -> memref<48xi32, #tpu.memory_space<hbm>>
        tpu.wait_dma2 semaphore(%arg26 : memref<!tpu.dma_semaphore, #tpu.memory_space<semaphore_mem>>) src(%dma_wait3A_350 : memref<48xi32, #tpu.memory_space<hbm>>) dst(%arg13 : memref<48xi32, #tpu.memory_space<vmem>>)
        %dma_wait3A_351 = arith.constant 0 : i32
        %dma_wait3A_352 = tpu.memref_slice %arg5[%dma_wait3A_351] : memref<320000xi32, #tpu.memory_space<hbm>> -> memref<48xi32, #tpu.memory_space<hbm>>
        %dma_wait3A_353 = arith.constant 0 : i32
        %dma_wait3A_354 = tpu.memref_slice %arg5[%dma_wait3A_353] : memref<320000xi32, #tpu.memory_space<hbm>> -> memref<48xi32, #tpu.memory_space<hbm>>
        tpu.wait_dma2 semaphore(%arg26 : memref<!tpu.dma_semaphore, #tpu.memory_space<semaphore_mem>>) src(%dma_wait3A_354 : memref<48xi32, #tpu.memory_space<hbm>>) dst(%arg14 : memref<48xi32, #tpu.memory_space<vmem>>)
        %dma_start3A_355 = arith.constant 0 : i32
        %dma_start3A_356 = arith.constant 0 : i32
        %dma_start3A_357 = tpu.memref_slice %arg2[%dma_start3A_355, %dma_start3A_356] : memref<10000x128xf32, #tpu.memory_space<hbm>> -> memref<10000x128xf32, #tpu.memory_space<hbm>>
        tpu.enqueue_indirect_dma source(%dma_start3A_357 : memref<10000x128xf32, #tpu.memory_space<hbm>>) target(%arg19 : memref<48x128xf32, #tpu.memory_space<vmem>>) offsets(%arg13 : memref<48xi32, #tpu.memory_space<vmem>>) semaphore(%arg29 : memref<!tpu.dma_semaphore, #tpu.memory_space<semaphore_mem>>)
        %dma_start3A_358 = arith.constant 0 : i32
        %dma_start3A_359 = arith.constant 0 : i32
        %dma_start3A_360 = tpu.memref_slice %arg3[%dma_start3A_358, %dma_start3A_359] : memref<10000x128xf32, #tpu.memory_space<hbm>> -> memref<10000x128xf32, #tpu.memory_space<hbm>>
        tpu.enqueue_indirect_dma source(%dma_start3A_360 : memref<10000x128xf32, #tpu.memory_space<hbm>>) target(%arg20 : memref<48x128xf32, #tpu.memory_space<vmem>>) offsets(%arg14 : memref<48xi32, #tpu.memory_space<vmem>>) semaphore(%arg29 : memref<!tpu.dma_semaphore, #tpu.memory_space<semaphore_mem>>)
      } else {
      }
      %add3A_293 = arith.constant 3 : i32
      %add3A_294 = arith.addi %add3A_257, %add3A_293 : i32
      %lt3A_295 = arith.constant 208 : i32
      %lt3A_296 = arith.cmpi slt, %add3A_294, %lt3A_295 : i32
      %convert_element_type3A_297 = arith.extui %lt3A_296 : i1 to i32
      %cond3A_298 = arith.constant 0 : i32
      %cond3A_299 = arith.cmpi ne, %convert_element_type3A_297, %cond3A_298 : i32
      scf.if %cond3A_299 {
        %add3A_347 = arith.constant 3 : i32
        %add3A_348 = arith.addi %add3A_257, %add3A_347 : i32
        %mul3A_349 = arith.constant 48 : i32
        %mul3A_350 = arith.muli %add3A_348, %mul3A_349 : i32
        %add3A_351 = arith.addi %multiple_of3A, %mul3A_350 : i32
        %multiple_of3A_352 = tpu.assume_multiple %add3A_351, 8 : i32
        %dma_start3A_353 = tpu.memref_slice %arg4[%multiple_of3A_352] : memref<320000xi32, #tpu.memory_space<hbm>> -> memref<48xi32, #tpu.memory_space<hbm>>
        %dma_start3A_354 = tpu.memref_slice %arg4[%multiple_of3A_352] : memref<320000xi32, #tpu.memory_space<hbm>> -> memref<48xi32, #tpu.memory_space<hbm>>
        tpu.enqueue_dma source(%dma_start3A_354 : memref<48xi32, #tpu.memory_space<hbm>>) target(%arg15 : memref<48xi32, #tpu.memory_space<vmem>>) target_semaphore(%arg27 : memref<!tpu.dma_semaphore, #tpu.memory_space<semaphore_mem>>)
        %dma_start3A_355 = tpu.memref_slice %arg5[%multiple_of3A_352] : memref<320000xi32, #tpu.memory_space<hbm>> -> memref<48xi32, #tpu.memory_space<hbm>>
        %dma_start3A_356 = tpu.memref_slice %arg5[%multiple_of3A_352] : memref<320000xi32, #tpu.memory_space<hbm>> -> memref<48xi32, #tpu.memory_space<hbm>>
        tpu.enqueue_dma source(%dma_start3A_356 : memref<48xi32, #tpu.memory_space<hbm>>) target(%arg16 : memref<48xi32, #tpu.memory_space<vmem>>) target_semaphore(%arg27 : memref<!tpu.dma_semaphore, #tpu.memory_space<semaphore_mem>>)
      } else {
      }
      %mul3A_300 = arith.constant 3 : i32
      %mul3A_301 = arith.muli %scan3A_215, %mul3A_300 : i32
      %add3A_302 = arith.constant 2 : i32
      %add3A_303 = arith.addi %mul3A_301, %add3A_302 : i32
      %dma_wait3A_304 = arith.constant 0 : i32
      %dma_wait3A_305 = arith.constant 0 : i32
      %dma_wait3A_306 = tpu.memref_slice %arg2[%dma_wait3A_304, %dma_wait3A_305] : memref<10000x128xf32, #tpu.memory_space<hbm>> -> memref<10000x128xf32, #tpu.memory_space<hbm>>
      tpu.wait_indirect_dma semaphore(%arg31 : memref<!tpu.dma_semaphore, #tpu.memory_space<semaphore_mem>>) src(%dma_wait3A_306 : memref<10000x128xf32, #tpu.memory_space<hbm>>) dst(%arg23 : memref<48x128xf32, #tpu.memory_space<vmem>>)
      %dma_wait3A_307 = arith.constant 0 : i32
      %dma_wait3A_308 = arith.constant 0 : i32
      %dma_wait3A_309 = tpu.memref_slice %arg3[%dma_wait3A_307, %dma_wait3A_308] : memref<10000x128xf32, #tpu.memory_space<hbm>> -> memref<10000x128xf32, #tpu.memory_space<hbm>>
      tpu.wait_indirect_dma semaphore(%arg31 : memref<!tpu.dma_semaphore, #tpu.memory_space<semaphore_mem>>) src(%dma_wait3A_309 : memref<10000x128xf32, #tpu.memory_space<hbm>>) dst(%arg24 : memref<48x128xf32, #tpu.memory_space<vmem>>)
      %scan3A_310 = arith.constant 0 : i32
      %scan3A_311 = arith.constant 0 : i32
      %scan3A_312 = arith.constant 3 : i32
      %scan3A_313 = arith.addi %scan3A_311, %scan3A_312 : i32
      %scan3A_314 = arith.constant 1 : i32
      %scan3A_315 = scf.for %scan3A_347 = %scan3A_311 to %scan3A_313 step %scan3A_314 iter_args(%scan3A_348 = %scan3A_310) -> (i32)  : i32 {
        %mul3A_349 = arith.constant 16 : i32
        %mul3A_350 = arith.muli %scan3A_347, %mul3A_349 : i32
        %get3A_351 = arith.index_cast %mul3A_350 : i32 to index
        %get3A_352 = tpu.vector_load %arg18[%get3A_351] {strides = array<i32>} : memref<48xi32, #tpu.memory_space<vmem>>, vector<16xi32>,
        %broadcast_in_dim3A_353 = arith.constant 0.000000e+00 : f32
        %broadcast_in_dim3A_354 = vector.broadcast %broadcast_in_dim3A_353 : f32 to vector<16xf32>
        %scan3A_355 = arith.constant 0 : i32
        %scan3A_356 = arith.constant 16 : i32
        %scan3A_357 = arith.addi %scan3A_355, %scan3A_356 : i32
        %scan3A_358 = arith.constant 1 : i32
        %scan3A_359 = scf.for %scan3A_362 = %scan3A_355 to %scan3A_357 step %scan3A_358 iter_args(%scan3A_363 = %broadcast_in_dim3A_354) -> (vector<16xf32>)  : i32 {
          %mul3A_364 = arith.constant 16 : i32
          %mul3A_365 = arith.muli %scan3A_347, %mul3A_364 : i32
          %add3A_366 = arith.addi %mul3A_365, %scan3A_362 : i32
          %get3A_367 = arith.index_cast %add3A_366 : i32 to index
          %get3A_368 = arith.constant 0 : index
          %get3A_369 = tpu.vector_load %arg23[%get3A_367, %get3A_368] {strides = array<i32>} : memref<48x128xf32, #tpu.memory_space<vmem>>, vector<16xf32>,
          %get3A_370 = arith.index_cast %add3A_366 : i32 to index
          %get3A_371 = arith.constant 16 : index
          %get3A_372 = tpu.vector_load %arg23[%get3A_370, %get3A_371] {strides = array<i32>} : memref<48x128xf32, #tpu.memory_space<vmem>>, vector<16xf32>,
          %get3A_373 = arith.index_cast %add3A_366 : i32 to index
          %get3A_374 = arith.constant 32 : index
          %get3A_375 = tpu.vector_load %arg23[%get3A_373, %get3A_374] {strides = array<i32>} : memref<48x128xf32, #tpu.memory_space<vmem>>, vector<16xf32>,
          %get3A_376 = arith.index_cast %add3A_366 : i32 to index
          %get3A_377 = arith.constant 48 : index
          %get3A_378 = tpu.vector_load %arg23[%get3A_376, %get3A_377] {strides = array<i32>} : memref<48x128xf32, #tpu.memory_space<vmem>>, vector<16xf32>,
          %get3A_379 = arith.index_cast %add3A_366 : i32 to index
          %get3A_380 = arith.constant 64 : index
          %get3A_381 = tpu.vector_load %arg23[%get3A_379, %get3A_380] {strides = array<i32>} : memref<48x128xf32, #tpu.memory_space<vmem>>, vector<16xf32>,
          %get3A_382 = arith.index_cast %add3A_366 : i32 to index
          %get3A_383 = arith.constant 80 : index
          %get3A_384 = tpu.vector_load %arg23[%get3A_382, %get3A_383] {strides = array<i32>} : memref<48x128xf32, #tpu.memory_space<vmem>>, vector<16xf32>,
          %get3A_385 = arith.index_cast %add3A_366 : i32 to index
          %get3A_386 = arith.constant 96 : index
          %get3A_387 = tpu.vector_load %arg23[%get3A_385, %get3A_386] {strides = array<i32>} : memref<48x128xf32, #tpu.memory_space<vmem>>, vector<16xf32>,
          %get3A_388 = arith.index_cast %add3A_366 : i32 to index
          %get3A_389 = arith.constant 112 : index
          %get3A_390 = tpu.vector_load %arg23[%get3A_388, %get3A_389] {strides = array<i32>} : memref<48x128xf32, #tpu.memory_space<vmem>>, vector<16xf32>,
          %broadcast_in_dim3A_391 = arith.constant 0.000000e+00 : f32
          %broadcast_in_dim3A_392 = vector.broadcast %broadcast_in_dim3A_391 : f32 to vector<16xf32>
          %get3A_393 = arith.index_cast %add3A_366 : i32 to index
          %get3A_394 = arith.constant 0 : index
          %get3A_395 = tpu.vector_load %arg24[%get3A_393, %get3A_394] {strides = array<i32>} : memref<48x128xf32, #tpu.memory_space<vmem>>, vector<16xf32>,
          %add3A_396 = arith.addf %get3A_369, %get3A_395 : vector<16xf32>
          %mul3A_397 = arith.constant 2.000000e-01 : f32
          %mul3A_398 = vector.broadcast %mul3A_397 : f32 to vector<16xf32>
          %mul3A_399 = arith.mulf %mul3A_398, %add3A_396 : vector<16xf32>
          %max3A = arith.maximumf %add3A_396, %mul3A_399 : vector<16xf32>
          %mul3A_400 = arith.mulf %max3A, %get3A_29 : vector<16xf32>
          %add3A_401 = arith.addf %broadcast_in_dim3A_392, %mul3A_400 : vector<16xf32>
          %get3A_402 = arith.index_cast %add3A_366 : i32 to index
          %get3A_403 = arith.constant 16 : index
          %get3A_404 = tpu.vector_load %arg24[%get3A_402, %get3A_403] {strides = array<i32>} : memref<48x128xf32, #tpu.memory_space<vmem>>, vector<16xf32>,
          %add3A_405 = arith.addf %get3A_372, %get3A_404 : vector<16xf32>
          %mul3A_406 = arith.constant 2.000000e-01 : f32
          %mul3A_407 = vector.broadcast %mul3A_406 : f32 to vector<16xf32>
          %mul3A_408 = arith.mulf %mul3A_407, %add3A_405 : vector<16xf32>
          %max3A_409 = arith.maximumf %add3A_405, %mul3A_408 : vector<16xf32>
          %mul3A_410 = arith.mulf %max3A_409, %get3A_31 : vector<16xf32>
          %add3A_411 = arith.addf %add3A_401, %mul3A_410 : vector<16xf32>
          %get3A_412 = arith.index_cast %add3A_366 : i32 to index
          %get3A_413 = arith.constant 32 : index
          %get3A_414 = tpu.vector_load %arg24[%get3A_412, %get3A_413] {strides = array<i32>} : memref<48x128xf32, #tpu.memory_space<vmem>>, vector<16xf32>,
          %add3A_415 = arith.addf %get3A_375, %get3A_414 : vector<16xf32>
          %mul3A_416 = arith.constant 2.000000e-01 : f32
          %mul3A_417 = vector.broadcast %mul3A_416 : f32 to vector<16xf32>
          %mul3A_418 = arith.mulf %mul3A_417, %add3A_415 : vector<16xf32>
          %max3A_419 = arith.maximumf %add3A_415, %mul3A_418 : vector<16xf32>
          %mul3A_420 = arith.mulf %max3A_419, %get3A_33 : vector<16xf32>
          %add3A_421 = arith.addf %add3A_411, %mul3A_420 : vector<16xf32>
          %get3A_422 = arith.index_cast %add3A_366 : i32 to index
          %get3A_423 = arith.constant 48 : index
          %get3A_424 = tpu.vector_load %arg24[%get3A_422, %get3A_423] {strides = array<i32>} : memref<48x128xf32, #tpu.memory_space<vmem>>, vector<16xf32>,
          %add3A_425 = arith.addf %get3A_378, %get3A_424 : vector<16xf32>
          %mul3A_426 = arith.constant 2.000000e-01 : f32
          %mul3A_427 = vector.broadcast %mul3A_426 : f32 to vector<16xf32>
          %mul3A_428 = arith.mulf %mul3A_427, %add3A_425 : vector<16xf32>
          %max3A_429 = arith.maximumf %add3A_425, %mul3A_428 : vector<16xf32>
          %mul3A_430 = arith.mulf %max3A_429, %get3A_35 : vector<16xf32>
          %add3A_431 = arith.addf %add3A_421, %mul3A_430 : vector<16xf32>
          %get3A_432 = arith.index_cast %add3A_366 : i32 to index
          %get3A_433 = arith.constant 64 : index
          %get3A_434 = tpu.vector_load %arg24[%get3A_432, %get3A_433] {strides = array<i32>} : memref<48x128xf32, #tpu.memory_space<vmem>>, vector<16xf32>,
          %add3A_435 = arith.addf %get3A_381, %get3A_434 : vector<16xf32>
          %mul3A_436 = arith.constant 2.000000e-01 : f32
          %mul3A_437 = vector.broadcast %mul3A_436 : f32 to vector<16xf32>
          %mul3A_438 = arith.mulf %mul3A_437, %add3A_435 : vector<16xf32>
          %max3A_439 = arith.maximumf %add3A_435, %mul3A_438 : vector<16xf32>
          %mul3A_440 = arith.mulf %max3A_439, %get3A_37 : vector<16xf32>
          %add3A_441 = arith.addf %add3A_431, %mul3A_440 : vector<16xf32>
          %get3A_442 = arith.index_cast %add3A_366 : i32 to index
          %get3A_443 = arith.constant 80 : index
          %get3A_444 = tpu.vector_load %arg24[%get3A_442, %get3A_443] {strides = array<i32>} : memref<48x128xf32, #tpu.memory_space<vmem>>, vector<16xf32>,
          %add3A_445 = arith.addf %get3A_384, %get3A_444 : vector<16xf32>
          %mul3A_446 = arith.constant 2.000000e-01 : f32
          %mul3A_447 = vector.broadcast %mul3A_446 : f32 to vector<16xf32>
          %mul3A_448 = arith.mulf %mul3A_447, %add3A_445 : vector<16xf32>
          %max3A_449 = arith.maximumf %add3A_445, %mul3A_448 : vector<16xf32>
          %mul3A_450 = arith.mulf %max3A_449, %get3A_39 : vector<16xf32>
          %add3A_451 = arith.addf %add3A_441, %mul3A_450 : vector<16xf32>
          %get3A_452 = arith.index_cast %add3A_366 : i32 to index
          %get3A_453 = arith.constant 96 : index
          %get3A_454 = tpu.vector_load %arg24[%get3A_452, %get3A_453] {strides = array<i32>} : memref<48x128xf32, #tpu.memory_space<vmem>>, vector<16xf32>,
          %add3A_455 = arith.addf %get3A_387, %get3A_454 : vector<16xf32>
          %mul3A_456 = arith.constant 2.000000e-01 : f32
          %mul3A_457 = vector.broadcast %mul3A_456 : f32 to vector<16xf32>
          %mul3A_458 = arith.mulf %mul3A_457, %add3A_455 : vector<16xf32>
          %max3A_459 = arith.maximumf %add3A_455, %mul3A_458 : vector<16xf32>
          %mul3A_460 = arith.mulf %max3A_459, %get3A_41 : vector<16xf32>
          %add3A_461 = arith.addf %add3A_451, %mul3A_460 : vector<16xf32>
          %get3A_462 = arith.index_cast %add3A_366 : i32 to index
          %get3A_463 = arith.constant 112 : index
          %get3A_464 = tpu.vector_load %arg24[%get3A_462, %get3A_463] {strides = array<i32>} : memref<48x128xf32, #tpu.memory_space<vmem>>, vector<16xf32>,
          %add3A_465 = arith.addf %get3A_390, %get3A_464 : vector<16xf32>
          %mul3A_466 = arith.constant 2.000000e-01 : f32
          %mul3A_467 = vector.broadcast %mul3A_466 : f32 to vector<16xf32>
          %mul3A_468 = arith.mulf %mul3A_467, %add3A_465 : vector<16xf32>
          %max3A_469 = arith.maximumf %add3A_465, %mul3A_468 : vector<16xf32>
          %mul3A_470 = arith.mulf %max3A_469, %get3A_43 : vector<16xf32>
          %add3A_471 = arith.addf %add3A_461, %mul3A_470 : vector<16xf32>
          %lt3A_472 = arith.constant 0 : i32
          %lt3A_473 = vector.broadcast %lt3A_472 : i32 to vector<16xi32>
          %lt3A_474 = arith.cmpi slt, %xor3A_19, %lt3A_473 : vector<16xi32>
          %add3A_475 = arith.constant 16 : i32
          %add3A_476 = vector.broadcast %add3A_475 : i32 to vector<16xi32>
          %add3A_477 = arith.addi %xor3A_19, %add3A_476 : vector<16xi32>
          %select_n3A = arith.select %lt3A_474, %add3A_477, %xor3A_19 : vector<16xi1>, vector<16xi32>
          %broadcast_in_dim3A_478 = vector.shape_cast %select_n3A : vector<16xi32> to vector<16x1xi32>
          %gather3A = vector.shape_cast %broadcast_in_dim3A_478 : vector<16x1xi32> to vector<16xi32>
          %gather3A_479 = tpu.dynamic_gather %add3A_471[%gather3A] in [0] : vector<16xf32>, vector<16xi32> -> vector<16xf32>
          %add3A_480 = arith.addf %add3A_471, %gather3A_479 : vector<16xf32>
          %lt3A_481 = arith.constant 0 : i32
          %lt3A_482 = vector.broadcast %lt3A_481 : i32 to vector<16xi32>
          %lt3A_483 = arith.cmpi slt, %xor3A_22, %lt3A_482 : vector<16xi32>
          %add3A_484 = arith.constant 16 : i32
          %add3A_485 = vector.broadcast %add3A_484 : i32 to vector<16xi32>
          %add3A_486 = arith.addi %xor3A_22, %add3A_485 : vector<16xi32>
          %select_n3A_487 = arith.select %lt3A_483, %add3A_486, %xor3A_22 : vector<16xi1>, vector<16xi32>
          %broadcast_in_dim3A_488 = vector.shape_cast %select_n3A_487 : vector<16xi32> to vector<16x1xi32>
          %gather3A_489 = vector.shape_cast %broadcast_in_dim3A_488 : vector<16x1xi32> to vector<16xi32>
          %gather3A_490 = tpu.dynamic_gather %add3A_480[%gather3A_489] in [0] : vector<16xf32>, vector<16xi32> -> vector<16xf32>
          %add3A_491 = arith.addf %add3A_480, %gather3A_490 : vector<16xf32>
          %lt3A_492 = arith.constant 0 : i32
          %lt3A_493 = vector.broadcast %lt3A_492 : i32 to vector<16xi32>
          %lt3A_494 = arith.cmpi slt, %xor3A_25, %lt3A_493 : vector<16xi32>
          %add3A_495 = arith.constant 16 : i32
          %add3A_496 = vector.broadcast %add3A_495 : i32 to vector<16xi32>
          %add3A_497 = arith.addi %xor3A_25, %add3A_496 : vector<16xi32>
          %select_n3A_498 = arith.select %lt3A_494, %add3A_497, %xor3A_25 : vector<16xi1>, vector<16xi32>
          %broadcast_in_dim3A_499 = vector.shape_cast %select_n3A_498 : vector<16xi32> to vector<16x1xi32>
          %gather3A_500 = vector.shape_cast %broadcast_in_dim3A_499 : vector<16x1xi32> to vector<16xi32>
          %gather3A_501 = tpu.dynamic_gather %add3A_491[%gather3A_500] in [0] : vector<16xf32>, vector<16xi32> -> vector<16xf32>
          %add3A_502 = arith.addf %add3A_491, %gather3A_501 : vector<16xf32>
          %lt3A_503 = arith.constant 0 : i32
          %lt3A_504 = vector.broadcast %lt3A_503 : i32 to vector<16xi32>
          %lt3A_505 = arith.cmpi slt, %xor3A_28, %lt3A_504 : vector<16xi32>
          %add3A_506 = arith.constant 16 : i32
          %add3A_507 = vector.broadcast %add3A_506 : i32 to vector<16xi32>
          %add3A_508 = arith.addi %xor3A_28, %add3A_507 : vector<16xi32>
          %select_n3A_509 = arith.select %lt3A_505, %add3A_508, %xor3A_28 : vector<16xi1>, vector<16xi32>
          %broadcast_in_dim3A_510 = vector.shape_cast %select_n3A_509 : vector<16xi32> to vector<16x1xi32>
          %gather3A_511 = vector.shape_cast %broadcast_in_dim3A_510 : vector<16x1xi32> to vector<16xi32>
          %gather3A_512 = tpu.dynamic_gather %add3A_502[%gather3A_511] in [0] : vector<16xf32>, vector<16xi32> -> vector<16xf32>
          %add3A_513 = arith.addf %add3A_502, %gather3A_512 : vector<16xf32>
          %exp3A = math.exp %add3A_513 : vector<16xf32>
          %eq3A_514 = vector.broadcast %scan3A_362 : i32 to vector<16xi32>
          %eq3A_515 = arith.cmpi eq, %iota3A, %eq3A_514 : vector<16xi32>
          %select_n3A_516 = arith.select %eq3A_515, %exp3A, %scan3A_363 : vector<16xi1>, vector<16xf32>
          %mul3A_517 = arith.mulf %get3A_369, %exp3A : vector<16xf32>
          %swap3A = arith.index_cast %add3A_366 : i32 to index
          %swap3A_518 = arith.constant 0 : index
          %swap3A_519 = tpu.vector_load %arg23[%swap3A, %swap3A_518] {strides = array<i32>} : memref<48x128xf32, #tpu.memory_space<vmem>>, vector<16xf32>,
          tpu.vector_store %arg23[%swap3A, %swap3A_518], %mul3A_517 {strides = array<i32>} : memref<48x128xf32, #tpu.memory_space<vmem>>, vector<16xf32>,
          %mul3A_520 = arith.mulf %get3A_372, %exp3A : vector<16xf32>
          %swap3A_521 = arith.index_cast %add3A_366 : i32 to index
          %swap3A_522 = arith.constant 16 : index
          %swap3A_523 = tpu.vector_load %arg23[%swap3A_521, %swap3A_522] {strides = array<i32>} : memref<48x128xf32, #tpu.memory_space<vmem>>, vector<16xf32>,
          tpu.vector_store %arg23[%swap3A_521, %swap3A_522], %mul3A_520 {strides = array<i32>} : memref<48x128xf32, #tpu.memory_space<vmem>>, vector<16xf32>,
          %mul3A_524 = arith.mulf %get3A_375, %exp3A : vector<16xf32>
          %swap3A_525 = arith.index_cast %add3A_366 : i32 to index
          %swap3A_526 = arith.constant 32 : index
          %swap3A_527 = tpu.vector_load %arg23[%swap3A_525, %swap3A_526] {strides = array<i32>} : memref<48x128xf32, #tpu.memory_space<vmem>>, vector<16xf32>,
          tpu.vector_store %arg23[%swap3A_525, %swap3A_526], %mul3A_524 {strides = array<i32>} : memref<48x128xf32, #tpu.memory_space<vmem>>, vector<16xf32>,
          %mul3A_528 = arith.mulf %get3A_378, %exp3A : vector<16xf32>
          %swap3A_529 = arith.index_cast %add3A_366 : i32 to index
          %swap3A_530 = arith.constant 48 : index
          %swap3A_531 = tpu.vector_load %arg23[%swap3A_529, %swap3A_530] {strides = array<i32>} : memref<48x128xf32, #tpu.memory_space<vmem>>, vector<16xf32>,
          tpu.vector_store %arg23[%swap3A_529, %swap3A_530], %mul3A_528 {strides = array<i32>} : memref<48x128xf32, #tpu.memory_space<vmem>>, vector<16xf32>,
          %mul3A_532 = arith.mulf %get3A_381, %exp3A : vector<16xf32>
          %swap3A_533 = arith.index_cast %add3A_366 : i32 to index
          %swap3A_534 = arith.constant 64 : index
          %swap3A_535 = tpu.vector_load %arg23[%swap3A_533, %swap3A_534] {strides = array<i32>} : memref<48x128xf32, #tpu.memory_space<vmem>>, vector<16xf32>,
          tpu.vector_store %arg23[%swap3A_533, %swap3A_534], %mul3A_532 {strides = array<i32>} : memref<48x128xf32, #tpu.memory_space<vmem>>, vector<16xf32>,
          %mul3A_536 = arith.mulf %get3A_384, %exp3A : vector<16xf32>
          %swap3A_537 = arith.index_cast %add3A_366 : i32 to index
          %swap3A_538 = arith.constant 80 : index
          %swap3A_539 = tpu.vector_load %arg23[%swap3A_537, %swap3A_538] {strides = array<i32>} : memref<48x128xf32, #tpu.memory_space<vmem>>, vector<16xf32>,
          tpu.vector_store %arg23[%swap3A_537, %swap3A_538], %mul3A_536 {strides = array<i32>} : memref<48x128xf32, #tpu.memory_space<vmem>>, vector<16xf32>,
          %mul3A_540 = arith.mulf %get3A_387, %exp3A : vector<16xf32>
          %swap3A_541 = arith.index_cast %add3A_366 : i32 to index
          %swap3A_542 = arith.constant 96 : index
          %swap3A_543 = tpu.vector_load %arg23[%swap3A_541, %swap3A_542] {strides = array<i32>} : memref<48x128xf32, #tpu.memory_space<vmem>>, vector<16xf32>,
          tpu.vector_store %arg23[%swap3A_541, %swap3A_542], %mul3A_540 {strides = array<i32>} : memref<48x128xf32, #tpu.memory_space<vmem>>, vector<16xf32>,
          %mul3A_544 = arith.mulf %get3A_390, %exp3A : vector<16xf32>
          %swap3A_545 = arith.index_cast %add3A_366 : i32 to index
          %swap3A_546 = arith.constant 112 : index
          %swap3A_547 = tpu.vector_load %arg23[%swap3A_545, %swap3A_546] {strides = array<i32>} : memref<48x128xf32, #tpu.memory_space<vmem>>, vector<16xf32>,
          tpu.vector_store %arg23[%swap3A_545, %swap3A_546], %mul3A_544 {strides = array<i32>} : memref<48x128xf32, #tpu.memory_space<vmem>>, vector<16xf32>,
          scf.yield %select_n3A_516 : vector<16xf32>
        }
        %scan3A_360 = arith.constant 16 : i32
        tpu.vector_store_idx %arg12[%get3A_352], %scan3A_359 {add = true} : memref<10000xf32, #tpu.memory_space<vmem>>[vector<16xi32>], vector<16xf32>,
        %scan3A_361 = arith.constant 0 : i32
        scf.yield %scan3A_361 : i32
      }
      %scan3A_316 = arith.constant 3 : i32
      %dma_start3A_317 = arith.constant 0 : i32
      %dma_start3A_318 = arith.constant 0 : i32
      %dma_start3A_319 = tpu.memref_slice %arg25[%dma_start3A_317, %dma_start3A_318] : memref<10000x128xf32, #tpu.memory_space<vmem_shared>> -> memref<10000x128xf32, #tpu.memory_space<vmem_shared>>
      tpu.enqueue_indirect_dma source(%arg23 : memref<48x128xf32, #tpu.memory_space<vmem>>) target(%dma_start3A_319 : memref<10000x128xf32, #tpu.memory_space<vmem_shared>>) offsets(%arg18 : memref<48xi32, #tpu.memory_space<vmem>>) semaphore(%arg34 : memref<!tpu.dma_semaphore, #tpu.memory_space<semaphore_mem>>) {add = true}
      %dma_wait3A_320 = arith.constant 0 : i32
      %dma_wait3A_321 = arith.constant 0 : i32
      %dma_wait3A_322 = tpu.memref_slice %arg21[%dma_wait3A_320, %dma_wait3A_321] : memref<48x128xf32, #tpu.memory_space<vmem>> -> memref<48x128xf32, #tpu.memory_space<vmem>>
      %dma_wait3A_323 = arith.constant 0 : i32
      %dma_wait3A_324 = arith.constant 0 : i32
      %dma_wait3A_325 = tpu.memref_slice %arg2[%dma_wait3A_323, %dma_wait3A_324] : memref<10000x128xf32, #tpu.memory_space<hbm>> -> memref<48x128xf32, #tpu.memory_space<hbm>>
      %dma_wait3A_326 = arith.constant 0 : i32
      %dma_wait3A_327 = arith.constant 0 : i32
      %dma_wait3A_328 = tpu.memref_slice %arg21[%dma_wait3A_326, %dma_wait3A_327] : memref<48x128xf32, #tpu.memory_space<vmem>> -> memref<48x128xf32, #tpu.memory_space<vmem>>
      %dma_wait3A_329 = arith.constant 0 : i32
      %dma_wait3A_330 = arith.constant 0 : i32
      %dma_wait3A_331 = tpu.memref_slice %arg2[%dma_wait3A_329, %dma_wait3A_330] : memref<10000x128xf32, #tpu.memory_space<hbm>> -> memref<48x128xf32, #tpu.memory_space<hbm>>
      tpu.wait_dma2 semaphore(%arg33 : memref<!tpu.dma_semaphore, #tpu.memory_space<semaphore_mem>>) src(%dma_wait3A_331 : memref<48x128xf32, #tpu.memory_space<hbm>>) dst(%dma_wait3A_328 : memref<48x128xf32, #tpu.memory_space<vmem>>)
      %add3A_332 = arith.constant 2 : i32
      %add3A_333 = arith.addi %add3A_303, %add3A_332 : i32
      %lt3A_334 = arith.constant 208 : i32
      %lt3A_335 = arith.cmpi slt, %add3A_333, %lt3A_334 : i32
      %convert_element_type3A_336 = arith.extui %lt3A_335 : i1 to i32
      %cond3A_337 = arith.constant 0 : i32
      %cond3A_338 = arith.cmpi ne, %convert_element_type3A_336, %cond3A_337 : i32
      scf.if %cond3A_338 {
        %dma_wait3A_347 = arith.constant 0 : i32
        %dma_wait3A_348 = tpu.memref_slice %arg4[%dma_wait3A_347] : memref<320000xi32, #tpu.memory_space<hbm>> -> memref<48xi32, #tpu.memory_space<hbm>>
        %dma_wait3A_349 = arith.constant 0 : i32
        %dma_wait3A_350 = tpu.memref_slice %arg4[%dma_wait3A_349] : memref<320000xi32, #tpu.memory_space<hbm>> -> memref<48xi32, #tpu.memory_space<hbm>>
        tpu.wait_dma2 semaphore(%arg27 : memref<!tpu.dma_semaphore, #tpu.memory_space<semaphore_mem>>) src(%dma_wait3A_350 : memref<48xi32, #tpu.memory_space<hbm>>) dst(%arg15 : memref<48xi32, #tpu.memory_space<vmem>>)
        %dma_wait3A_351 = arith.constant 0 : i32
        %dma_wait3A_352 = tpu.memref_slice %arg5[%dma_wait3A_351] : memref<320000xi32, #tpu.memory_space<hbm>> -> memref<48xi32, #tpu.memory_space<hbm>>
        %dma_wait3A_353 = arith.constant 0 : i32
        %dma_wait3A_354 = tpu.memref_slice %arg5[%dma_wait3A_353] : memref<320000xi32, #tpu.memory_space<hbm>> -> memref<48xi32, #tpu.memory_space<hbm>>
        tpu.wait_dma2 semaphore(%arg27 : memref<!tpu.dma_semaphore, #tpu.memory_space<semaphore_mem>>) src(%dma_wait3A_354 : memref<48xi32, #tpu.memory_space<hbm>>) dst(%arg16 : memref<48xi32, #tpu.memory_space<vmem>>)
        %dma_start3A_355 = arith.constant 0 : i32
        %dma_start3A_356 = arith.constant 0 : i32
        %dma_start3A_357 = tpu.memref_slice %arg2[%dma_start3A_355, %dma_start3A_356] : memref<10000x128xf32, #tpu.memory_space<hbm>> -> memref<10000x128xf32, #tpu.memory_space<hbm>>
        tpu.enqueue_indirect_dma source(%dma_start3A_357 : memref<10000x128xf32, #tpu.memory_space<hbm>>) target(%arg21 : memref<48x128xf32, #tpu.memory_space<vmem>>) offsets(%arg15 : memref<48xi32, #tpu.memory_space<vmem>>) semaphore(%arg30 : memref<!tpu.dma_semaphore, #tpu.memory_space<semaphore_mem>>)
        %dma_start3A_358 = arith.constant 0 : i32
        %dma_start3A_359 = arith.constant 0 : i32
        %dma_start3A_360 = tpu.memref_slice %arg3[%dma_start3A_358, %dma_start3A_359] : memref<10000x128xf32, #tpu.memory_space<hbm>> -> memref<10000x128xf32, #tpu.memory_space<hbm>>
        tpu.enqueue_indirect_dma source(%dma_start3A_360 : memref<10000x128xf32, #tpu.memory_space<hbm>>) target(%arg22 : memref<48x128xf32, #tpu.memory_space<vmem>>) offsets(%arg16 : memref<48xi32, #tpu.memory_space<vmem>>) semaphore(%arg30 : memref<!tpu.dma_semaphore, #tpu.memory_space<semaphore_mem>>)
      } else {
      }
      %add3A_339 = arith.constant 3 : i32
      %add3A_340 = arith.addi %add3A_303, %add3A_339 : i32
      %lt3A_341 = arith.constant 208 : i32
      %lt3A_342 = arith.cmpi slt, %add3A_340, %lt3A_341 : i32
      %convert_element_type3A_343 = arith.extui %lt3A_342 : i1 to i32
      %cond3A_344 = arith.constant 0 : i32
      %cond3A_345 = arith.cmpi ne, %convert_element_type3A_343, %cond3A_344 : i32
      scf.if %cond3A_345 {
        %add3A_347 = arith.constant 3 : i32
        %add3A_348 = arith.addi %add3A_303, %add3A_347 : i32
        %mul3A_349 = arith.constant 48 : i32
        %mul3A_350 = arith.muli %add3A_348, %mul3A_349 : i32
        %add3A_351 = arith.addi %multiple_of3A, %mul3A_350 : i32
        %multiple_of3A_352 = tpu.assume_multiple %add3A_351, 8 : i32
        %dma_start3A_353 = tpu.memref_slice %arg4[%multiple_of3A_352] : memref<320000xi32, #tpu.memory_space<hbm>> -> memref<48xi32, #tpu.memory_space<hbm>>
        %dma_start3A_354 = tpu.memref_slice %arg4[%multiple_of3A_352] : memref<320000xi32, #tpu.memory_space<hbm>> -> memref<48xi32, #tpu.memory_space<hbm>>
        tpu.enqueue_dma source(%dma_start3A_354 : memref<48xi32, #tpu.memory_space<hbm>>) target(%arg17 : memref<48xi32, #tpu.memory_space<vmem>>) target_semaphore(%arg28 : memref<!tpu.dma_semaphore, #tpu.memory_space<semaphore_mem>>)
        %dma_start3A_355 = tpu.memref_slice %arg5[%multiple_of3A_352] : memref<320000xi32, #tpu.memory_space<hbm>> -> memref<48xi32, #tpu.memory_space<hbm>>
        %dma_start3A_356 = tpu.memref_slice %arg5[%multiple_of3A_352] : memref<320000xi32, #tpu.memory_space<hbm>> -> memref<48xi32, #tpu.memory_space<hbm>>
        tpu.enqueue_dma source(%dma_start3A_356 : memref<48xi32, #tpu.memory_space<hbm>>) target(%arg18 : memref<48xi32, #tpu.memory_space<vmem>>) target_semaphore(%arg28 : memref<!tpu.dma_semaphore, #tpu.memory_space<semaphore_mem>>)
      } else {
      }
      %scan3A_346 = arith.constant 0 : i32
      scf.yield %scan3A_346 : i32
    }
    %scan3A_96 = arith.constant 69 : i32
    %dma_wait3A_97 = arith.constant 0 : i32
    %dma_wait3A_98 = arith.constant 0 : i32
    %dma_wait3A_99 = tpu.memref_slice %arg2[%dma_wait3A_97, %dma_wait3A_98] : memref<10000x128xf32, #tpu.memory_space<hbm>> -> memref<10000x128xf32, #tpu.memory_space<hbm>>
    tpu.wait_indirect_dma semaphore(%arg29 : memref<!tpu.dma_semaphore, #tpu.memory_space<semaphore_mem>>) src(%dma_wait3A_99 : memref<10000x128xf32, #tpu.memory_space<hbm>>) dst(%arg19 : memref<48x128xf32, #tpu.memory_space<vmem>>)
    %dma_wait3A_100 = arith.constant 0 : i32
    %dma_wait3A_101 = arith.constant 0 : i32
    %dma_wait3A_102 = tpu.memref_slice %arg3[%dma_wait3A_100, %dma_wait3A_101] : memref<10000x128xf32, #tpu.memory_space<hbm>> -> memref<10000x128xf32, #tpu.memory_space<hbm>>
    tpu.wait_indirect_dma semaphore(%arg29 : memref<!tpu.dma_semaphore, #tpu.memory_space<semaphore_mem>>) src(%dma_wait3A_102 : memref<10000x128xf32, #tpu.memory_space<hbm>>) dst(%arg20 : memref<48x128xf32, #tpu.memory_space<vmem>>)
    %scan3A_103 = arith.constant 0 : i32
    %scan3A_104 = arith.constant 0 : i32
    %scan3A_105 = arith.constant 3 : i32
    %scan3A_106 = arith.addi %scan3A_104, %scan3A_105 : i32
    %scan3A_107 = arith.constant 1 : i32
    %scan3A_108 = scf.for %scan3A_215 = %scan3A_104 to %scan3A_106 step %scan3A_107 iter_args(%scan3A_216 = %scan3A_103) -> (i32)  : i32 {
      %mul3A_217 = arith.constant 16 : i32
      %mul3A_218 = arith.muli %scan3A_215, %mul3A_217 : i32
      %get3A_219 = arith.index_cast %mul3A_218 : i32 to index
      %get3A_220 = tpu.vector_load %arg14[%get3A_219] {strides = array<i32>} : memref<48xi32, #tpu.memory_space<vmem>>, vector<16xi32>,
      %broadcast_in_dim3A_221 = arith.constant 0.000000e+00 : f32
      %broadcast_in_dim3A_222 = vector.broadcast %broadcast_in_dim3A_221 : f32 to vector<16xf32>
      %scan3A_223 = arith.constant 0 : i32
      %scan3A_224 = arith.constant 16 : i32
      %scan3A_225 = arith.addi %scan3A_223, %scan3A_224 : i32
      %scan3A_226 = arith.constant 1 : i32
      %scan3A_227 = scf.for %scan3A_230 = %scan3A_223 to %scan3A_225 step %scan3A_226 iter_args(%scan3A_231 = %broadcast_in_dim3A_222) -> (vector<16xf32>)  : i32 {
        %mul3A_232 = arith.constant 16 : i32
        %mul3A_233 = arith.muli %scan3A_215, %mul3A_232 : i32
        %add3A_234 = arith.addi %mul3A_233, %scan3A_230 : i32
        %get3A_235 = arith.index_cast %add3A_234 : i32 to index
        %get3A_236 = arith.constant 0 : index
        %get3A_237 = tpu.vector_load %arg19[%get3A_235, %get3A_236] {strides = array<i32>} : memref<48x128xf32, #tpu.memory_space<vmem>>, vector<16xf32>,
        %get3A_238 = arith.index_cast %add3A_234 : i32 to index
        %get3A_239 = arith.constant 16 : index
        %get3A_240 = tpu.vector_load %arg19[%get3A_238, %get3A_239] {strides = array<i32>} : memref<48x128xf32, #tpu.memory_space<vmem>>, vector<16xf32>,
        %get3A_241 = arith.index_cast %add3A_234 : i32 to index
        %get3A_242 = arith.constant 32 : index
        %get3A_243 = tpu.vector_load %arg19[%get3A_241, %get3A_242] {strides = array<i32>} : memref<48x128xf32, #tpu.memory_space<vmem>>, vector<16xf32>,
        %get3A_244 = arith.index_cast %add3A_234 : i32 to index
        %get3A_245 = arith.constant 48 : index
        %get3A_246 = tpu.vector_load %arg19[%get3A_244, %get3A_245] {strides = array<i32>} : memref<48x128xf32, #tpu.memory_space<vmem>>, vector<16xf32>,
        %get3A_247 = arith.index_cast %add3A_234 : i32 to index
        %get3A_248 = arith.constant 64 : index
        %get3A_249 = tpu.vector_load %arg19[%get3A_247, %get3A_248] {strides = array<i32>} : memref<48x128xf32, #tpu.memory_space<vmem>>, vector<16xf32>,
        %get3A_250 = arith.index_cast %add3A_234 : i32 to index
        %get3A_251 = arith.constant 80 : index
        %get3A_252 = tpu.vector_load %arg19[%get3A_250, %get3A_251] {strides = array<i32>} : memref<48x128xf32, #tpu.memory_space<vmem>>, vector<16xf32>,
        %get3A_253 = arith.index_cast %add3A_234 : i32 to index
        %get3A_254 = arith.constant 96 : index
        %get3A_255 = tpu.vector_load %arg19[%get3A_253, %get3A_254] {strides = array<i32>} : memref<48x128xf32, #tpu.memory_space<vmem>>, vector<16xf32>,
        %get3A_256 = arith.index_cast %add3A_234 : i32 to index
        %get3A_257 = arith.constant 112 : index
        %get3A_258 = tpu.vector_load %arg19[%get3A_256, %get3A_257] {strides = array<i32>} : memref<48x128xf32, #tpu.memory_space<vmem>>, vector<16xf32>,
        %broadcast_in_dim3A_259 = arith.constant 0.000000e+00 : f32
        %broadcast_in_dim3A_260 = vector.broadcast %broadcast_in_dim3A_259 : f32 to vector<16xf32>
        %get3A_261 = arith.index_cast %add3A_234 : i32 to index
        %get3A_262 = arith.constant 0 : index
        %get3A_263 = tpu.vector_load %arg20[%get3A_261, %get3A_262] {strides = array<i32>} : memref<48x128xf32, #tpu.memory_space<vmem>>, vector<16xf32>,
        %add3A_264 = arith.addf %get3A_237, %get3A_263 : vector<16xf32>
        %mul3A_265 = arith.constant 2.000000e-01 : f32
        %mul3A_266 = vector.broadcast %mul3A_265 : f32 to vector<16xf32>
        %mul3A_267 = arith.mulf %mul3A_266, %add3A_264 : vector<16xf32>
        %max3A = arith.maximumf %add3A_264, %mul3A_267 : vector<16xf32>
        %mul3A_268 = arith.mulf %max3A, %get3A_29 : vector<16xf32>
        %add3A_269 = arith.addf %broadcast_in_dim3A_260, %mul3A_268 : vector<16xf32>
        %get3A_270 = arith.index_cast %add3A_234 : i32 to index
        %get3A_271 = arith.constant 16 : index
        %get3A_272 = tpu.vector_load %arg20[%get3A_270, %get3A_271] {strides = array<i32>} : memref<48x128xf32, #tpu.memory_space<vmem>>, vector<16xf32>,
        %add3A_273 = arith.addf %get3A_240, %get3A_272 : vector<16xf32>
        %mul3A_274 = arith.constant 2.000000e-01 : f32
        %mul3A_275 = vector.broadcast %mul3A_274 : f32 to vector<16xf32>
        %mul3A_276 = arith.mulf %mul3A_275, %add3A_273 : vector<16xf32>
        %max3A_277 = arith.maximumf %add3A_273, %mul3A_276 : vector<16xf32>
        %mul3A_278 = arith.mulf %max3A_277, %get3A_31 : vector<16xf32>
        %add3A_279 = arith.addf %add3A_269, %mul3A_278 : vector<16xf32>
        %get3A_280 = arith.index_cast %add3A_234 : i32 to index
        %get3A_281 = arith.constant 32 : index
        %get3A_282 = tpu.vector_load %arg20[%get3A_280, %get3A_281] {strides = array<i32>} : memref<48x128xf32, #tpu.memory_space<vmem>>, vector<16xf32>,
        %add3A_283 = arith.addf %get3A_243, %get3A_282 : vector<16xf32>
        %mul3A_284 = arith.constant 2.000000e-01 : f32
        %mul3A_285 = vector.broadcast %mul3A_284 : f32 to vector<16xf32>
        %mul3A_286 = arith.mulf %mul3A_285, %add3A_283 : vector<16xf32>
        %max3A_287 = arith.maximumf %add3A_283, %mul3A_286 : vector<16xf32>
        %mul3A_288 = arith.mulf %max3A_287, %get3A_33 : vector<16xf32>
        %add3A_289 = arith.addf %add3A_279, %mul3A_288 : vector<16xf32>
        %get3A_290 = arith.index_cast %add3A_234 : i32 to index
        %get3A_291 = arith.constant 48 : index
        %get3A_292 = tpu.vector_load %arg20[%get3A_290, %get3A_291] {strides = array<i32>} : memref<48x128xf32, #tpu.memory_space<vmem>>, vector<16xf32>,
        %add3A_293 = arith.addf %get3A_246, %get3A_292 : vector<16xf32>
        %mul3A_294 = arith.constant 2.000000e-01 : f32
        %mul3A_295 = vector.broadcast %mul3A_294 : f32 to vector<16xf32>
        %mul3A_296 = arith.mulf %mul3A_295, %add3A_293 : vector<16xf32>
        %max3A_297 = arith.maximumf %add3A_293, %mul3A_296 : vector<16xf32>
        %mul3A_298 = arith.mulf %max3A_297, %get3A_35 : vector<16xf32>
        %add3A_299 = arith.addf %add3A_289, %mul3A_298 : vector<16xf32>
        %get3A_300 = arith.index_cast %add3A_234 : i32 to index
        %get3A_301 = arith.constant 64 : index
        %get3A_302 = tpu.vector_load %arg20[%get3A_300, %get3A_301] {strides = array<i32>} : memref<48x128xf32, #tpu.memory_space<vmem>>, vector<16xf32>,
        %add3A_303 = arith.addf %get3A_249, %get3A_302 : vector<16xf32>
        %mul3A_304 = arith.constant 2.000000e-01 : f32
        %mul3A_305 = vector.broadcast %mul3A_304 : f32 to vector<16xf32>
        %mul3A_306 = arith.mulf %mul3A_305, %add3A_303 : vector<16xf32>
        %max3A_307 = arith.maximumf %add3A_303, %mul3A_306 : vector<16xf32>
        %mul3A_308 = arith.mulf %max3A_307, %get3A_37 : vector<16xf32>
        %add3A_309 = arith.addf %add3A_299, %mul3A_308 : vector<16xf32>
        %get3A_310 = arith.index_cast %add3A_234 : i32 to index
        %get3A_311 = arith.constant 80 : index
        %get3A_312 = tpu.vector_load %arg20[%get3A_310, %get3A_311] {strides = array<i32>} : memref<48x128xf32, #tpu.memory_space<vmem>>, vector<16xf32>,
        %add3A_313 = arith.addf %get3A_252, %get3A_312 : vector<16xf32>
        %mul3A_314 = arith.constant 2.000000e-01 : f32
        %mul3A_315 = vector.broadcast %mul3A_314 : f32 to vector<16xf32>
        %mul3A_316 = arith.mulf %mul3A_315, %add3A_313 : vector<16xf32>
        %max3A_317 = arith.maximumf %add3A_313, %mul3A_316 : vector<16xf32>
        %mul3A_318 = arith.mulf %max3A_317, %get3A_39 : vector<16xf32>
        %add3A_319 = arith.addf %add3A_309, %mul3A_318 : vector<16xf32>
        %get3A_320 = arith.index_cast %add3A_234 : i32 to index
        %get3A_321 = arith.constant 96 : index
        %get3A_322 = tpu.vector_load %arg20[%get3A_320, %get3A_321] {strides = array<i32>} : memref<48x128xf32, #tpu.memory_space<vmem>>, vector<16xf32>,
        %add3A_323 = arith.addf %get3A_255, %get3A_322 : vector<16xf32>
        %mul3A_324 = arith.constant 2.000000e-01 : f32
        %mul3A_325 = vector.broadcast %mul3A_324 : f32 to vector<16xf32>
        %mul3A_326 = arith.mulf %mul3A_325, %add3A_323 : vector<16xf32>
        %max3A_327 = arith.maximumf %add3A_323, %mul3A_326 : vector<16xf32>
        %mul3A_328 = arith.mulf %max3A_327, %get3A_41 : vector<16xf32>
        %add3A_329 = arith.addf %add3A_319, %mul3A_328 : vector<16xf32>
        %get3A_330 = arith.index_cast %add3A_234 : i32 to index
        %get3A_331 = arith.constant 112 : index
        %get3A_332 = tpu.vector_load %arg20[%get3A_330, %get3A_331] {strides = array<i32>} : memref<48x128xf32, #tpu.memory_space<vmem>>, vector<16xf32>,
        %add3A_333 = arith.addf %get3A_258, %get3A_332 : vector<16xf32>
        %mul3A_334 = arith.constant 2.000000e-01 : f32
        %mul3A_335 = vector.broadcast %mul3A_334 : f32 to vector<16xf32>
        %mul3A_336 = arith.mulf %mul3A_335, %add3A_333 : vector<16xf32>
        %max3A_337 = arith.maximumf %add3A_333, %mul3A_336 : vector<16xf32>
        %mul3A_338 = arith.mulf %max3A_337, %get3A_43 : vector<16xf32>
        %add3A_339 = arith.addf %add3A_329, %mul3A_338 : vector<16xf32>
        %lt3A = arith.constant 0 : i32
        %lt3A_340 = vector.broadcast %lt3A : i32 to vector<16xi32>
        %lt3A_341 = arith.cmpi slt, %xor3A_19, %lt3A_340 : vector<16xi32>
        %add3A_342 = arith.constant 16 : i32
        %add3A_343 = vector.broadcast %add3A_342 : i32 to vector<16xi32>
        %add3A_344 = arith.addi %xor3A_19, %add3A_343 : vector<16xi32>
        %select_n3A = arith.select %lt3A_341, %add3A_344, %xor3A_19 : vector<16xi1>, vector<16xi32>
        %broadcast_in_dim3A_345 = vector.shape_cast %select_n3A : vector<16xi32> to vector<16x1xi32>
        %gather3A = vector.shape_cast %broadcast_in_dim3A_345 : vector<16x1xi32> to vector<16xi32>
        %gather3A_346 = tpu.dynamic_gather %add3A_339[%gather3A] in [0] : vector<16xf32>, vector<16xi32> -> vector<16xf32>
        %add3A_347 = arith.addf %add3A_339, %gather3A_346 : vector<16xf32>
        %lt3A_348 = arith.constant 0 : i32
        %lt3A_349 = vector.broadcast %lt3A_348 : i32 to vector<16xi32>
        %lt3A_350 = arith.cmpi slt, %xor3A_22, %lt3A_349 : vector<16xi32>
        %add3A_351 = arith.constant 16 : i32
        %add3A_352 = vector.broadcast %add3A_351 : i32 to vector<16xi32>
        %add3A_353 = arith.addi %xor3A_22, %add3A_352 : vector<16xi32>
        %select_n3A_354 = arith.select %lt3A_350, %add3A_353, %xor3A_22 : vector<16xi1>, vector<16xi32>
        %broadcast_in_dim3A_355 = vector.shape_cast %select_n3A_354 : vector<16xi32> to vector<16x1xi32>
        %gather3A_356 = vector.shape_cast %broadcast_in_dim3A_355 : vector<16x1xi32> to vector<16xi32>
        %gather3A_357 = tpu.dynamic_gather %add3A_347[%gather3A_356] in [0] : vector<16xf32>, vector<16xi32> -> vector<16xf32>
        %add3A_358 = arith.addf %add3A_347, %gather3A_357 : vector<16xf32>
        %lt3A_359 = arith.constant 0 : i32
        %lt3A_360 = vector.broadcast %lt3A_359 : i32 to vector<16xi32>
        %lt3A_361 = arith.cmpi slt, %xor3A_25, %lt3A_360 : vector<16xi32>
        %add3A_362 = arith.constant 16 : i32
        %add3A_363 = vector.broadcast %add3A_362 : i32 to vector<16xi32>
        %add3A_364 = arith.addi %xor3A_25, %add3A_363 : vector<16xi32>
        %select_n3A_365 = arith.select %lt3A_361, %add3A_364, %xor3A_25 : vector<16xi1>, vector<16xi32>
        %broadcast_in_dim3A_366 = vector.shape_cast %select_n3A_365 : vector<16xi32> to vector<16x1xi32>
        %gather3A_367 = vector.shape_cast %broadcast_in_dim3A_366 : vector<16x1xi32> to vector<16xi32>
        %gather3A_368 = tpu.dynamic_gather %add3A_358[%gather3A_367] in [0] : vector<16xf32>, vector<16xi32> -> vector<16xf32>
        %add3A_369 = arith.addf %add3A_358, %gather3A_368 : vector<16xf32>
        %lt3A_370 = arith.constant 0 : i32
        %lt3A_371 = vector.broadcast %lt3A_370 : i32 to vector<16xi32>
        %lt3A_372 = arith.cmpi slt, %xor3A_28, %lt3A_371 : vector<16xi32>
        %add3A_373 = arith.constant 16 : i32
        %add3A_374 = vector.broadcast %add3A_373 : i32 to vector<16xi32>
        %add3A_375 = arith.addi %xor3A_28, %add3A_374 : vector<16xi32>
        %select_n3A_376 = arith.select %lt3A_372, %add3A_375, %xor3A_28 : vector<16xi1>, vector<16xi32>
        %broadcast_in_dim3A_377 = vector.shape_cast %select_n3A_376 : vector<16xi32> to vector<16x1xi32>
        %gather3A_378 = vector.shape_cast %broadcast_in_dim3A_377 : vector<16x1xi32> to vector<16xi32>
        %gather3A_379 = tpu.dynamic_gather %add3A_369[%gather3A_378] in [0] : vector<16xf32>, vector<16xi32> -> vector<16xf32>
        %add3A_380 = arith.addf %add3A_369, %gather3A_379 : vector<16xf32>
        %exp3A = math.exp %add3A_380 : vector<16xf32>
        %eq3A_381 = vector.broadcast %scan3A_230 : i32 to vector<16xi32>
        %eq3A_382 = arith.cmpi eq, %iota3A, %eq3A_381 : vector<16xi32>
        %select_n3A_383 = arith.select %eq3A_382, %exp3A, %scan3A_231 : vector<16xi1>, vector<16xf32>
        %mul3A_384 = arith.mulf %get3A_237, %exp3A : vector<16xf32>
        %swap3A = arith.index_cast %add3A_234 : i32 to index
        %swap3A_385 = arith.constant 0 : index
        %swap3A_386 = tpu.vector_load %arg19[%swap3A, %swap3A_385] {strides = array<i32>} : memref<48x128xf32, #tpu.memory_space<vmem>>, vector<16xf32>,
        tpu.vector_store %arg19[%swap3A, %swap3A_385], %mul3A_384 {strides = array<i32>} : memref<48x128xf32, #tpu.memory_space<vmem>>, vector<16xf32>,
        %mul3A_387 = arith.mulf %get3A_240, %exp3A : vector<16xf32>
        %swap3A_388 = arith.index_cast %add3A_234 : i32 to index
        %swap3A_389 = arith.constant 16 : index
        %swap3A_390 = tpu.vector_load %arg19[%swap3A_388, %swap3A_389] {strides = array<i32>} : memref<48x128xf32, #tpu.memory_space<vmem>>, vector<16xf32>,
        tpu.vector_store %arg19[%swap3A_388, %swap3A_389], %mul3A_387 {strides = array<i32>} : memref<48x128xf32, #tpu.memory_space<vmem>>, vector<16xf32>,
        %mul3A_391 = arith.mulf %get3A_243, %exp3A : vector<16xf32>
        %swap3A_392 = arith.index_cast %add3A_234 : i32 to index
        %swap3A_393 = arith.constant 32 : index
        %swap3A_394 = tpu.vector_load %arg19[%swap3A_392, %swap3A_393] {strides = array<i32>} : memref<48x128xf32, #tpu.memory_space<vmem>>, vector<16xf32>,
        tpu.vector_store %arg19[%swap3A_392, %swap3A_393], %mul3A_391 {strides = array<i32>} : memref<48x128xf32, #tpu.memory_space<vmem>>, vector<16xf32>,
        %mul3A_395 = arith.mulf %get3A_246, %exp3A : vector<16xf32>
        %swap3A_396 = arith.index_cast %add3A_234 : i32 to index
        %swap3A_397 = arith.constant 48 : index
        %swap3A_398 = tpu.vector_load %arg19[%swap3A_396, %swap3A_397] {strides = array<i32>} : memref<48x128xf32, #tpu.memory_space<vmem>>, vector<16xf32>,
        tpu.vector_store %arg19[%swap3A_396, %swap3A_397], %mul3A_395 {strides = array<i32>} : memref<48x128xf32, #tpu.memory_space<vmem>>, vector<16xf32>,
        %mul3A_399 = arith.mulf %get3A_249, %exp3A : vector<16xf32>
        %swap3A_400 = arith.index_cast %add3A_234 : i32 to index
        %swap3A_401 = arith.constant 64 : index
        %swap3A_402 = tpu.vector_load %arg19[%swap3A_400, %swap3A_401] {strides = array<i32>} : memref<48x128xf32, #tpu.memory_space<vmem>>, vector<16xf32>,
        tpu.vector_store %arg19[%swap3A_400, %swap3A_401], %mul3A_399 {strides = array<i32>} : memref<48x128xf32, #tpu.memory_space<vmem>>, vector<16xf32>,
        %mul3A_403 = arith.mulf %get3A_252, %exp3A : vector<16xf32>
        %swap3A_404 = arith.index_cast %add3A_234 : i32 to index
        %swap3A_405 = arith.constant 80 : index
        %swap3A_406 = tpu.vector_load %arg19[%swap3A_404, %swap3A_405] {strides = array<i32>} : memref<48x128xf32, #tpu.memory_space<vmem>>, vector<16xf32>,
        tpu.vector_store %arg19[%swap3A_404, %swap3A_405], %mul3A_403 {strides = array<i32>} : memref<48x128xf32, #tpu.memory_space<vmem>>, vector<16xf32>,
        %mul3A_407 = arith.mulf %get3A_255, %exp3A : vector<16xf32>
        %swap3A_408 = arith.index_cast %add3A_234 : i32 to index
        %swap3A_409 = arith.constant 96 : index
        %swap3A_410 = tpu.vector_load %arg19[%swap3A_408, %swap3A_409] {strides = array<i32>} : memref<48x128xf32, #tpu.memory_space<vmem>>, vector<16xf32>,
        tpu.vector_store %arg19[%swap3A_408, %swap3A_409], %mul3A_407 {strides = array<i32>} : memref<48x128xf32, #tpu.memory_space<vmem>>, vector<16xf32>,
        %mul3A_411 = arith.mulf %get3A_258, %exp3A : vector<16xf32>
        %swap3A_412 = arith.index_cast %add3A_234 : i32 to index
        %swap3A_413 = arith.constant 112 : index
        %swap3A_414 = tpu.vector_load %arg19[%swap3A_412, %swap3A_413] {strides = array<i32>} : memref<48x128xf32, #tpu.memory_space<vmem>>, vector<16xf32>,
        tpu.vector_store %arg19[%swap3A_412, %swap3A_413], %mul3A_411 {strides = array<i32>} : memref<48x128xf32, #tpu.memory_space<vmem>>, vector<16xf32>,
        scf.yield %select_n3A_383 : vector<16xf32>
      }
      %scan3A_228 = arith.constant 16 : i32
      tpu.vector_store_idx %arg12[%get3A_220], %scan3A_227 {add = true} : memref<10000xf32, #tpu.memory_space<vmem>>[vector<16xi32>], vector<16xf32>,
      %scan3A_229 = arith.constant 0 : i32
      scf.yield %scan3A_229 : i32
    }
    %scan3A_109 = arith.constant 3 : i32
    %dma_start3A_110 = arith.constant 0 : i32
    %dma_start3A_111 = arith.constant 0 : i32
    %dma_start3A_112 = tpu.memref_slice %arg25[%dma_start3A_110, %dma_start3A_111] : memref<10000x128xf32, #tpu.memory_space<vmem_shared>> -> memref<10000x128xf32, #tpu.memory_space<vmem_shared>>
    tpu.enqueue_indirect_dma source(%arg19 : memref<48x128xf32, #tpu.memory_space<vmem>>) target(%dma_start3A_112 : memref<10000x128xf32, #tpu.memory_space<vmem_shared>>) offsets(%arg14 : memref<48xi32, #tpu.memory_space<vmem>>) semaphore(%arg32 : memref<!tpu.dma_semaphore, #tpu.memory_space<semaphore_mem>>) {add = true}
    %dma_wait3A_113 = arith.constant 0 : i32
    %dma_wait3A_114 = arith.constant 0 : i32
    %dma_wait3A_115 = tpu.memref_slice %arg23[%dma_wait3A_113, %dma_wait3A_114] : memref<48x128xf32, #tpu.memory_space<vmem>> -> memref<48x128xf32, #tpu.memory_space<vmem>>
    %dma_wait3A_116 = arith.constant 0 : i32
    %dma_wait3A_117 = arith.constant 0 : i32
    %dma_wait3A_118 = tpu.memref_slice %arg2[%dma_wait3A_116, %dma_wait3A_117] : memref<10000x128xf32, #tpu.memory_space<hbm>> -> memref<48x128xf32, #tpu.memory_space<hbm>>
    %dma_wait3A_119 = arith.constant 0 : i32
    %dma_wait3A_120 = arith.constant 0 : i32
    %dma_wait3A_121 = tpu.memref_slice %arg23[%dma_wait3A_119, %dma_wait3A_120] : memref<48x128xf32, #tpu.memory_space<vmem>> -> memref<48x128xf32, #tpu.memory_space<vmem>>
    %dma_wait3A_122 = arith.constant 0 : i32
    %dma_wait3A_123 = arith.constant 0 : i32
    %dma_wait3A_124 = tpu.memref_slice %arg2[%dma_wait3A_122, %dma_wait3A_123] : memref<10000x128xf32, #tpu.memory_space<hbm>> -> memref<48x128xf32, #tpu.memory_space<hbm>>
    tpu.wait_dma2 semaphore(%arg34 : memref<!tpu.dma_semaphore, #tpu.memory_space<semaphore_mem>>) src(%dma_wait3A_124 : memref<48x128xf32, #tpu.memory_space<hbm>>) dst(%dma_wait3A_121 : memref<48x128xf32, #tpu.memory_space<vmem>>)
    %add3A_125 = arith.constant 9984 : i32
    %add3A_126 = arith.addi %multiple_of3A, %add3A_125 : i32
    %multiple_of3A_127 = tpu.assume_multiple %add3A_126, 8 : i32
    "tpu.region"() ({
      %run_scoped3A = tpu.sem_alloc : memref<!tpu.dma_semaphore, #tpu.memory_space<semaphore_mem>>
      %dma_start3A_215 = arith.constant 0 : i32
      %dma_start3A_216 = tpu.memref_slice %arg15[%dma_start3A_215] : memref<48xi32, #tpu.memory_space<vmem>> -> memref<16xi32, #tpu.memory_space<vmem>>
      %dma_start3A_217 = tpu.memref_slice %arg4[%multiple_of3A_127] : memref<320000xi32, #tpu.memory_space<hbm>> -> memref<16xi32, #tpu.memory_space<hbm>>
      %dma_start3A_218 = arith.constant 0 : i32
      %dma_start3A_219 = tpu.memref_slice %arg15[%dma_start3A_218] : memref<48xi32, #tpu.memory_space<vmem>> -> memref<16xi32, #tpu.memory_space<vmem>>
      %dma_start3A_220 = tpu.memref_slice %arg4[%multiple_of3A_127] : memref<320000xi32, #tpu.memory_space<hbm>> -> memref<16xi32, #tpu.memory_space<hbm>>
      tpu.enqueue_dma source(%dma_start3A_220 : memref<16xi32, #tpu.memory_space<hbm>>) target(%dma_start3A_219 : memref<16xi32, #tpu.memory_space<vmem>>) target_semaphore(%run_scoped3A : memref<!tpu.dma_semaphore, #tpu.memory_space<semaphore_mem>>)
      %dma_wait3A_221 = arith.constant 0 : i32
      %dma_wait3A_222 = tpu.memref_slice %arg15[%dma_wait3A_221] : memref<48xi32, #tpu.memory_space<vmem>> -> memref<16xi32, #tpu.memory_space<vmem>>
      %dma_wait3A_223 = tpu.memref_slice %arg4[%multiple_of3A_127] : memref<320000xi32, #tpu.memory_space<hbm>> -> memref<16xi32, #tpu.memory_space<hbm>>
      %dma_wait3A_224 = arith.constant 0 : i32
      %dma_wait3A_225 = tpu.memref_slice %arg15[%dma_wait3A_224] : memref<48xi32, #tpu.memory_space<vmem>> -> memref<16xi32, #tpu.memory_space<vmem>>
      %dma_wait3A_226 = tpu.memref_slice %arg4[%multiple_of3A_127] : memref<320000xi32, #tpu.memory_space<hbm>> -> memref<16xi32, #tpu.memory_space<hbm>>
      tpu.wait_dma2 semaphore(%run_scoped3A : memref<!tpu.dma_semaphore, #tpu.memory_space<semaphore_mem>>) src(%dma_wait3A_226 : memref<16xi32, #tpu.memory_space<hbm>>) dst(%dma_wait3A_225 : memref<16xi32, #tpu.memory_space<vmem>>)
      tpu.yield
    }) : () -> ()
    "tpu.region"() ({
      %run_scoped3A = tpu.sem_alloc : memref<!tpu.dma_semaphore, #tpu.memory_space<semaphore_mem>>
      %dma_start3A_215 = arith.constant 0 : i32
      %dma_start3A_216 = tpu.memref_slice %arg16[%dma_start3A_215] : memref<48xi32, #tpu.memory_space<vmem>> -> memref<16xi32, #tpu.memory_space<vmem>>
      %dma_start3A_217 = tpu.memref_slice %arg5[%multiple_of3A_127] : memref<320000xi32, #tpu.memory_space<hbm>> -> memref<16xi32, #tpu.memory_space<hbm>>
      %dma_start3A_218 = arith.constant 0 : i32
      %dma_start3A_219 = tpu.memref_slice %arg16[%dma_start3A_218] : memref<48xi32, #tpu.memory_space<vmem>> -> memref<16xi32, #tpu.memory_space<vmem>>
      %dma_start3A_220 = tpu.memref_slice %arg5[%multiple_of3A_127] : memref<320000xi32, #tpu.memory_space<hbm>> -> memref<16xi32, #tpu.memory_space<hbm>>
      tpu.enqueue_dma source(%dma_start3A_220 : memref<16xi32, #tpu.memory_space<hbm>>) target(%dma_start3A_219 : memref<16xi32, #tpu.memory_space<vmem>>) target_semaphore(%run_scoped3A : memref<!tpu.dma_semaphore, #tpu.memory_space<semaphore_mem>>)
      %dma_wait3A_221 = arith.constant 0 : i32
      %dma_wait3A_222 = tpu.memref_slice %arg16[%dma_wait3A_221] : memref<48xi32, #tpu.memory_space<vmem>> -> memref<16xi32, #tpu.memory_space<vmem>>
      %dma_wait3A_223 = tpu.memref_slice %arg5[%multiple_of3A_127] : memref<320000xi32, #tpu.memory_space<hbm>> -> memref<16xi32, #tpu.memory_space<hbm>>
      %dma_wait3A_224 = arith.constant 0 : i32
      %dma_wait3A_225 = tpu.memref_slice %arg16[%dma_wait3A_224] : memref<48xi32, #tpu.memory_space<vmem>> -> memref<16xi32, #tpu.memory_space<vmem>>
      %dma_wait3A_226 = tpu.memref_slice %arg5[%multiple_of3A_127] : memref<320000xi32, #tpu.memory_space<hbm>> -> memref<16xi32, #tpu.memory_space<hbm>>
      tpu.wait_dma2 semaphore(%run_scoped3A : memref<!tpu.dma_semaphore, #tpu.memory_space<semaphore_mem>>) src(%dma_wait3A_226 : memref<16xi32, #tpu.memory_space<hbm>>) dst(%dma_wait3A_225 : memref<16xi32, #tpu.memory_space<vmem>>)
      tpu.yield
    }) : () -> ()
    %dma_start3A_128 = arith.constant 0 : i32
    %dma_start3A_129 = arith.constant 0 : i32
    %dma_start3A_130 = tpu.memref_slice %arg21[%dma_start3A_128, %dma_start3A_129] : memref<48x128xf32, #tpu.memory_space<vmem>> -> memref<16x128xf32, #tpu.memory_space<vmem>>
    %dma_start3A_131 = arith.constant 0 : i32
    %dma_start3A_132 = tpu.memref_slice %arg15[%dma_start3A_131] : memref<48xi32, #tpu.memory_space<vmem>> -> memref<16xi32, #tpu.memory_space<vmem>>
    %dma_start3A_133 = arith.constant 0 : i32
    %dma_start3A_134 = arith.constant 0 : i32
    %dma_start3A_135 = tpu.memref_slice %arg2[%dma_start3A_133, %dma_start3A_134] : memref<10000x128xf32, #tpu.memory_space<hbm>> -> memref<10000x128xf32, #tpu.memory_space<hbm>>
    tpu.enqueue_indirect_dma source(%dma_start3A_135 : memref<10000x128xf32, #tpu.memory_space<hbm>>) target(%dma_start3A_130 : memref<16x128xf32, #tpu.memory_space<vmem>>) offsets(%dma_start3A_132 : memref<16xi32, #tpu.memory_space<vmem>>) semaphore(%arg30 : memref<!tpu.dma_semaphore, #tpu.memory_space<semaphore_mem>>)
    %dma_start3A_136 = arith.constant 0 : i32
    %dma_start3A_137 = arith.constant 0 : i32
    %dma_start3A_138 = tpu.memref_slice %arg22[%dma_start3A_136, %dma_start3A_137] : memref<48x128xf32, #tpu.memory_space<vmem>> -> memref<16x128xf32, #tpu.memory_space<vmem>>
    %dma_start3A_139 = arith.constant 0 : i32
    %dma_start3A_140 = tpu.memref_slice %arg16[%dma_start3A_139] : memref<48xi32, #tpu.memory_space<vmem>> -> memref<16xi32, #tpu.memory_space<vmem>>
    %dma_start3A_141 = arith.constant 0 : i32
    %dma_start3A_142 = arith.constant 0 : i32
    %dma_start3A_143 = tpu.memref_slice %arg3[%dma_start3A_141, %dma_start3A_142] : memref<10000x128xf32, #tpu.memory_space<hbm>> -> memref<10000x128xf32, #tpu.memory_space<hbm>>
    tpu.enqueue_indirect_dma source(%dma_start3A_143 : memref<10000x128xf32, #tpu.memory_space<hbm>>) target(%dma_start3A_138 : memref<16x128xf32, #tpu.memory_space<vmem>>) offsets(%dma_start3A_140 : memref<16xi32, #tpu.memory_space<vmem>>) semaphore(%arg30 : memref<!tpu.dma_semaphore, #tpu.memory_space<semaphore_mem>>)
    %dma_wait3A_144 = arith.constant 0 : i32
    %dma_wait3A_145 = arith.constant 0 : i32
    %dma_wait3A_146 = tpu.memref_slice %arg21[%dma_wait3A_144, %dma_wait3A_145] : memref<48x128xf32, #tpu.memory_space<vmem>> -> memref<16x128xf32, #tpu.memory_space<vmem>>
    %dma_wait3A_147 = arith.constant 0 : i32
    %dma_wait3A_148 = arith.constant 0 : i32
    %dma_wait3A_149 = tpu.memref_slice %arg2[%dma_wait3A_147, %dma_wait3A_148] : memref<10000x128xf32, #tpu.memory_space<hbm>> -> memref<16x128xf32, #tpu.memory_space<hbm>>
    %dma_wait3A_150 = arith.constant 0 : i32
    %dma_wait3A_151 = arith.constant 0 : i32
    %dma_wait3A_152 = tpu.memref_slice %arg21[%dma_wait3A_150, %dma_wait3A_151] : memref<48x128xf32, #tpu.memory_space<vmem>> -> memref<16x128xf32, #tpu.memory_space<vmem>>
    %dma_wait3A_153 = arith.constant 0 : i32
    %dma_wait3A_154 = arith.constant 0 : i32
    %dma_wait3A_155 = tpu.memref_slice %arg2[%dma_wait3A_153, %dma_wait3A_154] : memref<10000x128xf32, #tpu.memory_space<hbm>> -> memref<16x128xf32, #tpu.memory_space<hbm>>
    tpu.wait_dma2 semaphore(%arg30 : memref<!tpu.dma_semaphore, #tpu.memory_space<semaphore_mem>>) src(%dma_wait3A_155 : memref<16x128xf32, #tpu.memory_space<hbm>>) dst(%dma_wait3A_152 : memref<16x128xf32, #tpu.memory_space<vmem>>)
    %dma_wait3A_156 = arith.constant 0 : i32
    %dma_wait3A_157 = arith.constant 0 : i32
    %dma_wait3A_158 = tpu.memref_slice %arg22[%dma_wait3A_156, %dma_wait3A_157] : memref<48x128xf32, #tpu.memory_space<vmem>> -> memref<16x128xf32, #tpu.memory_space<vmem>>
    %dma_wait3A_159 = arith.constant 0 : i32
    %dma_wait3A_160 = arith.constant 0 : i32
    %dma_wait3A_161 = tpu.memref_slice %arg2[%dma_wait3A_159, %dma_wait3A_160] : memref<10000x128xf32, #tpu.memory_space<hbm>> -> memref<16x128xf32, #tpu.memory_space<hbm>>
    %dma_wait3A_162 = arith.constant 0 : i32
    %dma_wait3A_163 = arith.constant 0 : i32
    %dma_wait3A_164 = tpu.memref_slice %arg22[%dma_wait3A_162, %dma_wait3A_163] : memref<48x128xf32, #tpu.memory_space<vmem>> -> memref<16x128xf32, #tpu.memory_space<vmem>>
    %dma_wait3A_165 = arith.constant 0 : i32
    %dma_wait3A_166 = arith.constant 0 : i32
    %dma_wait3A_167 = tpu.memref_slice %arg2[%dma_wait3A_165, %dma_wait3A_166] : memref<10000x128xf32, #tpu.memory_space<hbm>> -> memref<16x128xf32, #tpu.memory_space<hbm>>
    tpu.wait_dma2 semaphore(%arg30 : memref<!tpu.dma_semaphore, #tpu.memory_space<semaphore_mem>>) src(%dma_wait3A_167 : memref<16x128xf32, #tpu.memory_space<hbm>>) dst(%dma_wait3A_164 : memref<16x128xf32, #tpu.memory_space<vmem>>)
    %get3A_168 = arith.constant 0 : index
    %get3A_169 = tpu.vector_load %arg16[%get3A_168] {strides = array<i32>} : memref<48xi32, #tpu.memory_space<vmem>>, vector<16xi32>,
    %broadcast_in_dim3A = arith.constant 0.000000e+00 : f32
    %broadcast_in_dim3A_170 = vector.broadcast %broadcast_in_dim3A : f32 to vector<16xf32>
    %scan3A_171 = arith.constant 0 : i32
    %scan3A_172 = arith.constant 16 : i32
    %scan3A_173 = arith.addi %scan3A_171, %scan3A_172 : i32
    %scan3A_174 = arith.constant 1 : i32
    %scan3A_175 = scf.for %scan3A_215 = %scan3A_171 to %scan3A_173 step %scan3A_174 iter_args(%scan3A_216 = %broadcast_in_dim3A_170) -> (vector<16xf32>)  : i32 {
      %add3A_217 = arith.constant 0 : i32
      %add3A_218 = arith.addi %add3A_217, %scan3A_215 : i32
      %get3A_219 = arith.index_cast %add3A_218 : i32 to index
      %get3A_220 = arith.constant 0 : index
      %get3A_221 = tpu.vector_load %arg21[%get3A_219, %get3A_220] {strides = array<i32>} : memref<48x128xf32, #tpu.memory_space<vmem>>, vector<16xf32>,
      %get3A_222 = arith.index_cast %add3A_218 : i32 to index
      %get3A_223 = arith.constant 16 : index
      %get3A_224 = tpu.vector_load %arg21[%get3A_222, %get3A_223] {strides = array<i32>} : memref<48x128xf32, #tpu.memory_space<vmem>>, vector<16xf32>,
      %get3A_225 = arith.index_cast %add3A_218 : i32 to index
      %get3A_226 = arith.constant 32 : index
      %get3A_227 = tpu.vector_load %arg21[%get3A_225, %get3A_226] {strides = array<i32>} : memref<48x128xf32, #tpu.memory_space<vmem>>, vector<16xf32>,
      %get3A_228 = arith.index_cast %add3A_218 : i32 to index
      %get3A_229 = arith.constant 48 : index
      %get3A_230 = tpu.vector_load %arg21[%get3A_228, %get3A_229] {strides = array<i32>} : memref<48x128xf32, #tpu.memory_space<vmem>>, vector<16xf32>,
      %get3A_231 = arith.index_cast %add3A_218 : i32 to index
      %get3A_232 = arith.constant 64 : index
      %get3A_233 = tpu.vector_load %arg21[%get3A_231, %get3A_232] {strides = array<i32>} : memref<48x128xf32, #tpu.memory_space<vmem>>, vector<16xf32>,
      %get3A_234 = arith.index_cast %add3A_218 : i32 to index
      %get3A_235 = arith.constant 80 : index
      %get3A_236 = tpu.vector_load %arg21[%get3A_234, %get3A_235] {strides = array<i32>} : memref<48x128xf32, #tpu.memory_space<vmem>>, vector<16xf32>,
      %get3A_237 = arith.index_cast %add3A_218 : i32 to index
      %get3A_238 = arith.constant 96 : index
      %get3A_239 = tpu.vector_load %arg21[%get3A_237, %get3A_238] {strides = array<i32>} : memref<48x128xf32, #tpu.memory_space<vmem>>, vector<16xf32>,
      %get3A_240 = arith.index_cast %add3A_218 : i32 to index
      %get3A_241 = arith.constant 112 : index
      %get3A_242 = tpu.vector_load %arg21[%get3A_240, %get3A_241] {strides = array<i32>} : memref<48x128xf32, #tpu.memory_space<vmem>>, vector<16xf32>,
      %broadcast_in_dim3A_243 = arith.constant 0.000000e+00 : f32
      %broadcast_in_dim3A_244 = vector.broadcast %broadcast_in_dim3A_243 : f32 to vector<16xf32>
      %get3A_245 = arith.index_cast %add3A_218 : i32 to index
      %get3A_246 = arith.constant 0 : index
      %get3A_247 = tpu.vector_load %arg22[%get3A_245, %get3A_246] {strides = array<i32>} : memref<48x128xf32, #tpu.memory_space<vmem>>, vector<16xf32>,
      %add3A_248 = arith.addf %get3A_221, %get3A_247 : vector<16xf32>
      %mul3A_249 = arith.constant 2.000000e-01 : f32
      %mul3A_250 = vector.broadcast %mul3A_249 : f32 to vector<16xf32>
      %mul3A_251 = arith.mulf %mul3A_250, %add3A_248 : vector<16xf32>
      %max3A = arith.maximumf %add3A_248, %mul3A_251 : vector<16xf32>
      %mul3A_252 = arith.mulf %max3A, %get3A_29 : vector<16xf32>
      %add3A_253 = arith.addf %broadcast_in_dim3A_244, %mul3A_252 : vector<16xf32>
      %get3A_254 = arith.index_cast %add3A_218 : i32 to index
      %get3A_255 = arith.constant 16 : index
      %get3A_256 = tpu.vector_load %arg22[%get3A_254, %get3A_255] {strides = array<i32>} : memref<48x128xf32, #tpu.memory_space<vmem>>, vector<16xf32>,
      %add3A_257 = arith.addf %get3A_224, %get3A_256 : vector<16xf32>
      %mul3A_258 = arith.constant 2.000000e-01 : f32
      %mul3A_259 = vector.broadcast %mul3A_258 : f32 to vector<16xf32>
      %mul3A_260 = arith.mulf %mul3A_259, %add3A_257 : vector<16xf32>
      %max3A_261 = arith.maximumf %add3A_257, %mul3A_260 : vector<16xf32>
      %mul3A_262 = arith.mulf %max3A_261, %get3A_31 : vector<16xf32>
      %add3A_263 = arith.addf %add3A_253, %mul3A_262 : vector<16xf32>
      %get3A_264 = arith.index_cast %add3A_218 : i32 to index
      %get3A_265 = arith.constant 32 : index
      %get3A_266 = tpu.vector_load %arg22[%get3A_264, %get3A_265] {strides = array<i32>} : memref<48x128xf32, #tpu.memory_space<vmem>>, vector<16xf32>,
      %add3A_267 = arith.addf %get3A_227, %get3A_266 : vector<16xf32>
      %mul3A_268 = arith.constant 2.000000e-01 : f32
      %mul3A_269 = vector.broadcast %mul3A_268 : f32 to vector<16xf32>
      %mul3A_270 = arith.mulf %mul3A_269, %add3A_267 : vector<16xf32>
      %max3A_271 = arith.maximumf %add3A_267, %mul3A_270 : vector<16xf32>
      %mul3A_272 = arith.mulf %max3A_271, %get3A_33 : vector<16xf32>
      %add3A_273 = arith.addf %add3A_263, %mul3A_272 : vector<16xf32>
      %get3A_274 = arith.index_cast %add3A_218 : i32 to index
      %get3A_275 = arith.constant 48 : index
      %get3A_276 = tpu.vector_load %arg22[%get3A_274, %get3A_275] {strides = array<i32>} : memref<48x128xf32, #tpu.memory_space<vmem>>, vector<16xf32>,
      %add3A_277 = arith.addf %get3A_230, %get3A_276 : vector<16xf32>
      %mul3A_278 = arith.constant 2.000000e-01 : f32
      %mul3A_279 = vector.broadcast %mul3A_278 : f32 to vector<16xf32>
      %mul3A_280 = arith.mulf %mul3A_279, %add3A_277 : vector<16xf32>
      %max3A_281 = arith.maximumf %add3A_277, %mul3A_280 : vector<16xf32>
      %mul3A_282 = arith.mulf %max3A_281, %get3A_35 : vector<16xf32>
      %add3A_283 = arith.addf %add3A_273, %mul3A_282 : vector<16xf32>
      %get3A_284 = arith.index_cast %add3A_218 : i32 to index
      %get3A_285 = arith.constant 64 : index
      %get3A_286 = tpu.vector_load %arg22[%get3A_284, %get3A_285] {strides = array<i32>} : memref<48x128xf32, #tpu.memory_space<vmem>>, vector<16xf32>,
      %add3A_287 = arith.addf %get3A_233, %get3A_286 : vector<16xf32>
      %mul3A_288 = arith.constant 2.000000e-01 : f32
      %mul3A_289 = vector.broadcast %mul3A_288 : f32 to vector<16xf32>
      %mul3A_290 = arith.mulf %mul3A_289, %add3A_287 : vector<16xf32>
      %max3A_291 = arith.maximumf %add3A_287, %mul3A_290 : vector<16xf32>
      %mul3A_292 = arith.mulf %max3A_291, %get3A_37 : vector<16xf32>
      %add3A_293 = arith.addf %add3A_283, %mul3A_292 : vector<16xf32>
      %get3A_294 = arith.index_cast %add3A_218 : i32 to index
      %get3A_295 = arith.constant 80 : index
      %get3A_296 = tpu.vector_load %arg22[%get3A_294, %get3A_295] {strides = array<i32>} : memref<48x128xf32, #tpu.memory_space<vmem>>, vector<16xf32>,
      %add3A_297 = arith.addf %get3A_236, %get3A_296 : vector<16xf32>
      %mul3A_298 = arith.constant 2.000000e-01 : f32
      %mul3A_299 = vector.broadcast %mul3A_298 : f32 to vector<16xf32>
      %mul3A_300 = arith.mulf %mul3A_299, %add3A_297 : vector<16xf32>
      %max3A_301 = arith.maximumf %add3A_297, %mul3A_300 : vector<16xf32>
      %mul3A_302 = arith.mulf %max3A_301, %get3A_39 : vector<16xf32>
      %add3A_303 = arith.addf %add3A_293, %mul3A_302 : vector<16xf32>
      %get3A_304 = arith.index_cast %add3A_218 : i32 to index
      %get3A_305 = arith.constant 96 : index
      %get3A_306 = tpu.vector_load %arg22[%get3A_304, %get3A_305] {strides = array<i32>} : memref<48x128xf32, #tpu.memory_space<vmem>>, vector<16xf32>,
      %add3A_307 = arith.addf %get3A_239, %get3A_306 : vector<16xf32>
      %mul3A_308 = arith.constant 2.000000e-01 : f32
      %mul3A_309 = vector.broadcast %mul3A_308 : f32 to vector<16xf32>
      %mul3A_310 = arith.mulf %mul3A_309, %add3A_307 : vector<16xf32>
      %max3A_311 = arith.maximumf %add3A_307, %mul3A_310 : vector<16xf32>
      %mul3A_312 = arith.mulf %max3A_311, %get3A_41 : vector<16xf32>
      %add3A_313 = arith.addf %add3A_303, %mul3A_312 : vector<16xf32>
      %get3A_314 = arith.index_cast %add3A_218 : i32 to index
      %get3A_315 = arith.constant 112 : index
      %get3A_316 = tpu.vector_load %arg22[%get3A_314, %get3A_315] {strides = array<i32>} : memref<48x128xf32, #tpu.memory_space<vmem>>, vector<16xf32>,
      %add3A_317 = arith.addf %get3A_242, %get3A_316 : vector<16xf32>
      %mul3A_318 = arith.constant 2.000000e-01 : f32
      %mul3A_319 = vector.broadcast %mul3A_318 : f32 to vector<16xf32>
      %mul3A_320 = arith.mulf %mul3A_319, %add3A_317 : vector<16xf32>
      %max3A_321 = arith.maximumf %add3A_317, %mul3A_320 : vector<16xf32>
      %mul3A_322 = arith.mulf %max3A_321, %get3A_43 : vector<16xf32>
      %add3A_323 = arith.addf %add3A_313, %mul3A_322 : vector<16xf32>
      %lt3A = arith.constant 0 : i32
      %lt3A_324 = vector.broadcast %lt3A : i32 to vector<16xi32>
      %lt3A_325 = arith.cmpi slt, %xor3A_19, %lt3A_324 : vector<16xi32>
      %add3A_326 = arith.constant 16 : i32
      %add3A_327 = vector.broadcast %add3A_326 : i32 to vector<16xi32>
      %add3A_328 = arith.addi %xor3A_19, %add3A_327 : vector<16xi32>
      %select_n3A = arith.select %lt3A_325, %add3A_328, %xor3A_19 : vector<16xi1>, vector<16xi32>
      %broadcast_in_dim3A_329 = vector.shape_cast %select_n3A : vector<16xi32> to vector<16x1xi32>
      %gather3A = vector.shape_cast %broadcast_in_dim3A_329 : vector<16x1xi32> to vector<16xi32>
      %gather3A_330 = tpu.dynamic_gather %add3A_323[%gather3A] in [0] : vector<16xf32>, vector<16xi32> -> vector<16xf32>
      %add3A_331 = arith.addf %add3A_323, %gather3A_330 : vector<16xf32>
      %lt3A_332 = arith.constant 0 : i32
      %lt3A_333 = vector.broadcast %lt3A_332 : i32 to vector<16xi32>
      %lt3A_334 = arith.cmpi slt, %xor3A_22, %lt3A_333 : vector<16xi32>
      %add3A_335 = arith.constant 16 : i32
      %add3A_336 = vector.broadcast %add3A_335 : i32 to vector<16xi32>
      %add3A_337 = arith.addi %xor3A_22, %add3A_336 : vector<16xi32>
      %select_n3A_338 = arith.select %lt3A_334, %add3A_337, %xor3A_22 : vector<16xi1>, vector<16xi32>
      %broadcast_in_dim3A_339 = vector.shape_cast %select_n3A_338 : vector<16xi32> to vector<16x1xi32>
      %gather3A_340 = vector.shape_cast %broadcast_in_dim3A_339 : vector<16x1xi32> to vector<16xi32>
      %gather3A_341 = tpu.dynamic_gather %add3A_331[%gather3A_340] in [0] : vector<16xf32>, vector<16xi32> -> vector<16xf32>
      %add3A_342 = arith.addf %add3A_331, %gather3A_341 : vector<16xf32>
      %lt3A_343 = arith.constant 0 : i32
      %lt3A_344 = vector.broadcast %lt3A_343 : i32 to vector<16xi32>
      %lt3A_345 = arith.cmpi slt, %xor3A_25, %lt3A_344 : vector<16xi32>
      %add3A_346 = arith.constant 16 : i32
      %add3A_347 = vector.broadcast %add3A_346 : i32 to vector<16xi32>
      %add3A_348 = arith.addi %xor3A_25, %add3A_347 : vector<16xi32>
      %select_n3A_349 = arith.select %lt3A_345, %add3A_348, %xor3A_25 : vector<16xi1>, vector<16xi32>
      %broadcast_in_dim3A_350 = vector.shape_cast %select_n3A_349 : vector<16xi32> to vector<16x1xi32>
      %gather3A_351 = vector.shape_cast %broadcast_in_dim3A_350 : vector<16x1xi32> to vector<16xi32>
      %gather3A_352 = tpu.dynamic_gather %add3A_342[%gather3A_351] in [0] : vector<16xf32>, vector<16xi32> -> vector<16xf32>
      %add3A_353 = arith.addf %add3A_342, %gather3A_352 : vector<16xf32>
      %lt3A_354 = arith.constant 0 : i32
      %lt3A_355 = vector.broadcast %lt3A_354 : i32 to vector<16xi32>
      %lt3A_356 = arith.cmpi slt, %xor3A_28, %lt3A_355 : vector<16xi32>
      %add3A_357 = arith.constant 16 : i32
      %add3A_358 = vector.broadcast %add3A_357 : i32 to vector<16xi32>
      %add3A_359 = arith.addi %xor3A_28, %add3A_358 : vector<16xi32>
      %select_n3A_360 = arith.select %lt3A_356, %add3A_359, %xor3A_28 : vector<16xi1>, vector<16xi32>
      %broadcast_in_dim3A_361 = vector.shape_cast %select_n3A_360 : vector<16xi32> to vector<16x1xi32>
      %gather3A_362 = vector.shape_cast %broadcast_in_dim3A_361 : vector<16x1xi32> to vector<16xi32>
      %gather3A_363 = tpu.dynamic_gather %add3A_353[%gather3A_362] in [0] : vector<16xf32>, vector<16xi32> -> vector<16xf32>
      %add3A_364 = arith.addf %add3A_353, %gather3A_363 : vector<16xf32>
      %exp3A = math.exp %add3A_364 : vector<16xf32>
      %eq3A_365 = vector.broadcast %scan3A_215 : i32 to vector<16xi32>
      %eq3A_366 = arith.cmpi eq, %iota3A, %eq3A_365 : vector<16xi32>
      %select_n3A_367 = arith.select %eq3A_366, %exp3A, %scan3A_216 : vector<16xi1>, vector<16xf32>
      %mul3A_368 = arith.mulf %get3A_221, %exp3A : vector<16xf32>
      %swap3A = arith.index_cast %add3A_218 : i32 to index
      %swap3A_369 = arith.constant 0 : index
      %swap3A_370 = tpu.vector_load %arg21[%swap3A, %swap3A_369] {strides = array<i32>} : memref<48x128xf32, #tpu.memory_space<vmem>>, vector<16xf32>,
      tpu.vector_store %arg21[%swap3A, %swap3A_369], %mul3A_368 {strides = array<i32>} : memref<48x128xf32, #tpu.memory_space<vmem>>, vector<16xf32>,
      %mul3A_371 = arith.mulf %get3A_224, %exp3A : vector<16xf32>
      %swap3A_372 = arith.index_cast %add3A_218 : i32 to index
      %swap3A_373 = arith.constant 16 : index
      %swap3A_374 = tpu.vector_load %arg21[%swap3A_372, %swap3A_373] {strides = array<i32>} : memref<48x128xf32, #tpu.memory_space<vmem>>, vector<16xf32>,
      tpu.vector_store %arg21[%swap3A_372, %swap3A_373], %mul3A_371 {strides = array<i32>} : memref<48x128xf32, #tpu.memory_space<vmem>>, vector<16xf32>,
      %mul3A_375 = arith.mulf %get3A_227, %exp3A : vector<16xf32>
      %swap3A_376 = arith.index_cast %add3A_218 : i32 to index
      %swap3A_377 = arith.constant 32 : index
      %swap3A_378 = tpu.vector_load %arg21[%swap3A_376, %swap3A_377] {strides = array<i32>} : memref<48x128xf32, #tpu.memory_space<vmem>>, vector<16xf32>,
      tpu.vector_store %arg21[%swap3A_376, %swap3A_377], %mul3A_375 {strides = array<i32>} : memref<48x128xf32, #tpu.memory_space<vmem>>, vector<16xf32>,
      %mul3A_379 = arith.mulf %get3A_230, %exp3A : vector<16xf32>
      %swap3A_380 = arith.index_cast %add3A_218 : i32 to index
      %swap3A_381 = arith.constant 48 : index
      %swap3A_382 = tpu.vector_load %arg21[%swap3A_380, %swap3A_381] {strides = array<i32>} : memref<48x128xf32, #tpu.memory_space<vmem>>, vector<16xf32>,
      tpu.vector_store %arg21[%swap3A_380, %swap3A_381], %mul3A_379 {strides = array<i32>} : memref<48x128xf32, #tpu.memory_space<vmem>>, vector<16xf32>,
      %mul3A_383 = arith.mulf %get3A_233, %exp3A : vector<16xf32>
      %swap3A_384 = arith.index_cast %add3A_218 : i32 to index
      %swap3A_385 = arith.constant 64 : index
      %swap3A_386 = tpu.vector_load %arg21[%swap3A_384, %swap3A_385] {strides = array<i32>} : memref<48x128xf32, #tpu.memory_space<vmem>>, vector<16xf32>,
      tpu.vector_store %arg21[%swap3A_384, %swap3A_385], %mul3A_383 {strides = array<i32>} : memref<48x128xf32, #tpu.memory_space<vmem>>, vector<16xf32>,
      %mul3A_387 = arith.mulf %get3A_236, %exp3A : vector<16xf32>
      %swap3A_388 = arith.index_cast %add3A_218 : i32 to index
      %swap3A_389 = arith.constant 80 : index
      %swap3A_390 = tpu.vector_load %arg21[%swap3A_388, %swap3A_389] {strides = array<i32>} : memref<48x128xf32, #tpu.memory_space<vmem>>, vector<16xf32>,
      tpu.vector_store %arg21[%swap3A_388, %swap3A_389], %mul3A_387 {strides = array<i32>} : memref<48x128xf32, #tpu.memory_space<vmem>>, vector<16xf32>,
      %mul3A_391 = arith.mulf %get3A_239, %exp3A : vector<16xf32>
      %swap3A_392 = arith.index_cast %add3A_218 : i32 to index
      %swap3A_393 = arith.constant 96 : index
      %swap3A_394 = tpu.vector_load %arg21[%swap3A_392, %swap3A_393] {strides = array<i32>} : memref<48x128xf32, #tpu.memory_space<vmem>>, vector<16xf32>,
      tpu.vector_store %arg21[%swap3A_392, %swap3A_393], %mul3A_391 {strides = array<i32>} : memref<48x128xf32, #tpu.memory_space<vmem>>, vector<16xf32>,
      %mul3A_395 = arith.mulf %get3A_242, %exp3A : vector<16xf32>
      %swap3A_396 = arith.index_cast %add3A_218 : i32 to index
      %swap3A_397 = arith.constant 112 : index
      %swap3A_398 = tpu.vector_load %arg21[%swap3A_396, %swap3A_397] {strides = array<i32>} : memref<48x128xf32, #tpu.memory_space<vmem>>, vector<16xf32>,
      tpu.vector_store %arg21[%swap3A_396, %swap3A_397], %mul3A_395 {strides = array<i32>} : memref<48x128xf32, #tpu.memory_space<vmem>>, vector<16xf32>,
      scf.yield %select_n3A_367 : vector<16xf32>
    }
    %scan3A_176 = arith.constant 16 : i32
    tpu.vector_store_idx %arg12[%get3A_169], %scan3A_175 {add = true} : memref<10000xf32, #tpu.memory_space<vmem>>[vector<16xi32>], vector<16xf32>,
    %dma_start3A_177 = arith.constant 0 : i32
    %dma_start3A_178 = arith.constant 0 : i32
    %dma_start3A_179 = tpu.memref_slice %arg21[%dma_start3A_177, %dma_start3A_178] : memref<48x128xf32, #tpu.memory_space<vmem>> -> memref<16x128xf32, #tpu.memory_space<vmem>>
    %dma_start3A_180 = arith.constant 0 : i32
    %dma_start3A_181 = tpu.memref_slice %arg16[%dma_start3A_180] : memref<48xi32, #tpu.memory_space<vmem>> -> memref<16xi32, #tpu.memory_space<vmem>>
    %dma_start3A_182 = arith.constant 0 : i32
    %dma_start3A_183 = arith.constant 0 : i32
    %dma_start3A_184 = tpu.memref_slice %arg25[%dma_start3A_182, %dma_start3A_183] : memref<10000x128xf32, #tpu.memory_space<vmem_shared>> -> memref<10000x128xf32, #tpu.memory_space<vmem_shared>>
    tpu.enqueue_indirect_dma source(%dma_start3A_179 : memref<16x128xf32, #tpu.memory_space<vmem>>) target(%dma_start3A_184 : memref<10000x128xf32, #tpu.memory_space<vmem_shared>>) offsets(%dma_start3A_181 : memref<16xi32, #tpu.memory_space<vmem>>) semaphore(%arg33 : memref<!tpu.dma_semaphore, #tpu.memory_space<semaphore_mem>>) {add = true}
    %dma_wait3A_185 = arith.constant 0 : i32
    %dma_wait3A_186 = arith.constant 0 : i32
    %dma_wait3A_187 = tpu.memref_slice %arg19[%dma_wait3A_185, %dma_wait3A_186] : memref<48x128xf32, #tpu.memory_space<vmem>> -> memref<48x128xf32, #tpu.memory_space<vmem>>
    %dma_wait3A_188 = arith.constant 0 : i32
    %dma_wait3A_189 = arith.constant 0 : i32
    %dma_wait3A_190 = tpu.memref_slice %arg2[%dma_wait3A_188, %dma_wait3A_189] : memref<10000x128xf32, #tpu.memory_space<hbm>> -> memref<48x128xf32, #tpu.memory_space<hbm>>
    %dma_wait3A_191 = arith.constant 0 : i32
    %dma_wait3A_192 = arith.constant 0 : i32
    %dma_wait3A_193 = tpu.memref_slice %arg19[%dma_wait3A_191, %dma_wait3A_192] : memref<48x128xf32, #tpu.memory_space<vmem>> -> memref<48x128xf32, #tpu.memory_space<vmem>>
    %dma_wait3A_194 = arith.constant 0 : i32
    %dma_wait3A_195 = arith.constant 0 : i32
    %dma_wait3A_196 = tpu.memref_slice %arg2[%dma_wait3A_194, %dma_wait3A_195] : memref<10000x128xf32, #tpu.memory_space<hbm>> -> memref<48x128xf32, #tpu.memory_space<hbm>>
    tpu.wait_dma2 semaphore(%arg32 : memref<!tpu.dma_semaphore, #tpu.memory_space<semaphore_mem>>) src(%dma_wait3A_196 : memref<48x128xf32, #tpu.memory_space<hbm>>) dst(%dma_wait3A_193 : memref<48x128xf32, #tpu.memory_space<vmem>>)
    %dma_wait3A_197 = arith.constant 0 : i32
    %dma_wait3A_198 = arith.constant 0 : i32
    %dma_wait3A_199 = tpu.memref_slice %arg21[%dma_wait3A_197, %dma_wait3A_198] : memref<48x128xf32, #tpu.memory_space<vmem>> -> memref<16x128xf32, #tpu.memory_space<vmem>>
    %dma_wait3A_200 = arith.constant 0 : i32
    %dma_wait3A_201 = arith.constant 0 : i32
    %dma_wait3A_202 = tpu.memref_slice %arg2[%dma_wait3A_200, %dma_wait3A_201] : memref<10000x128xf32, #tpu.memory_space<hbm>> -> memref<16x128xf32, #tpu.memory_space<hbm>>
    %dma_wait3A_203 = arith.constant 0 : i32
    %dma_wait3A_204 = arith.constant 0 : i32
    %dma_wait3A_205 = tpu.memref_slice %arg21[%dma_wait3A_203, %dma_wait3A_204] : memref<48x128xf32, #tpu.memory_space<vmem>> -> memref<16x128xf32, #tpu.memory_space<vmem>>
    %dma_wait3A_206 = arith.constant 0 : i32
    %dma_wait3A_207 = arith.constant 0 : i32
    %dma_wait3A_208 = tpu.memref_slice %arg2[%dma_wait3A_206, %dma_wait3A_207] : memref<10000x128xf32, #tpu.memory_space<hbm>> -> memref<16x128xf32, #tpu.memory_space<hbm>>
    tpu.wait_dma2 semaphore(%arg33 : memref<!tpu.dma_semaphore, #tpu.memory_space<semaphore_mem>>) src(%dma_wait3A_208 : memref<16x128xf32, #tpu.memory_space<hbm>>) dst(%dma_wait3A_205 : memref<16x128xf32, #tpu.memory_space<vmem>>)
    %barrier3A_209 = arith.constant 0 : index
    tpu.barrier barrier_id(%barrier3A_209)
    "tpu.region"() ({
      %run_scoped3A = tpu.sem_alloc : memref<!tpu.dma_semaphore, #tpu.memory_space<semaphore_mem>>
      %dma_start3A_215 = arith.constant 0 : i32
      %dma_start3A_216 = tpu.memref_slice %arg9[%arg0, %multiple_of3A_5, %dma_start3A_215] : memref<2x10000x128xf32, #tpu.memory_space<hbm>> -> memref<1x624x128xf32, #tpu.memory_space<hbm>>
      %dma_start3A_217 = tpu.memref_squeeze %dma_start3A_216 : memref<1x624x128xf32, #tpu.memory_space<hbm>> -> memref<624x128xf32, #tpu.memory_space<hbm>>
      %dma_start3A_218 = arith.constant 0 : i32
      %dma_start3A_219 = tpu.memref_slice %arg25[%multiple_of3A_5, %dma_start3A_218] : memref<10000x128xf32, #tpu.memory_space<vmem_shared>> -> memref<624x128xf32, #tpu.memory_space<vmem_shared>>
      tpu.enqueue_dma source(%dma_start3A_219 : memref<624x128xf32, #tpu.memory_space<vmem_shared>>) target(%dma_start3A_217 : memref<624x128xf32, #tpu.memory_space<hbm>>) target_semaphore(%run_scoped3A : memref<!tpu.dma_semaphore, #tpu.memory_space<semaphore_mem>>)
      %dma_wait3A_220 = arith.constant 0 : i32
      %dma_wait3A_221 = tpu.memref_slice %arg9[%arg0, %multiple_of3A_5, %dma_wait3A_220] : memref<2x10000x128xf32, #tpu.memory_space<hbm>> -> memref<1x624x128xf32, #tpu.memory_space<hbm>>
      %dma_wait3A_222 = tpu.memref_squeeze %dma_wait3A_221 : memref<1x624x128xf32, #tpu.memory_space<hbm>> -> memref<624x128xf32, #tpu.memory_space<hbm>>
      %dma_wait3A_223 = arith.constant 0 : i32
      %dma_wait3A_224 = tpu.memref_slice %arg25[%multiple_of3A_5, %dma_wait3A_223] : memref<10000x128xf32, #tpu.memory_space<vmem_shared>> -> memref<624x128xf32, #tpu.memory_space<vmem_shared>>
      tpu.wait_dma2 semaphore(%run_scoped3A : memref<!tpu.dma_semaphore, #tpu.memory_space<semaphore_mem>>) src(%dma_wait3A_224 : memref<624x128xf32, #tpu.memory_space<vmem_shared>>) dst(%dma_wait3A_222 : memref<624x128xf32, #tpu.memory_space<hbm>>)
      tpu.yield
    }) : () -> ()
    %eq3A_210 = arith.constant 15 : i32
    %eq3A_211 = arith.cmpi eq, %arg1, %eq3A_210 : i32
    %convert_element_type3A_212 = arith.extui %eq3A_211 : i1 to i32
    %cond3A_213 = arith.constant 0 : i32
    %cond3A_214 = arith.cmpi ne, %convert_element_type3A_212, %cond3A_213 : i32
    scf.if %cond3A_214 {
      "tpu.region"() ({
        %run_scoped3A = tpu.sem_alloc : memref<!tpu.dma_semaphore, #tpu.memory_space<semaphore_mem>>
        %dma_start3A_215 = arith.constant 9984 : i32
        %dma_start3A_216 = arith.constant 0 : i32
        %dma_start3A_217 = tpu.memref_slice %arg9[%arg0, %dma_start3A_215, %dma_start3A_216] : memref<2x10000x128xf32, #tpu.memory_space<hbm>> -> memref<1x16x128xf32, #tpu.memory_space<hbm>>
        %dma_start3A_218 = tpu.memref_squeeze %dma_start3A_217 : memref<1x16x128xf32, #tpu.memory_space<hbm>> -> memref<16x128xf32, #tpu.memory_space<hbm>>
        %dma_start3A_219 = arith.constant 9984 : i32
        %dma_start3A_220 = arith.constant 0 : i32
        %dma_start3A_221 = tpu.memref_slice %arg25[%dma_start3A_219, %dma_start3A_220] : memref<10000x128xf32, #tpu.memory_space<vmem_shared>> -> memref<16x128xf32, #tpu.memory_space<vmem_shared>>
        tpu.enqueue_dma source(%dma_start3A_221 : memref<16x128xf32, #tpu.memory_space<vmem_shared>>) target(%dma_start3A_218 : memref<16x128xf32, #tpu.memory_space<hbm>>) target_semaphore(%run_scoped3A : memref<!tpu.dma_semaphore, #tpu.memory_space<semaphore_mem>>)
        %dma_wait3A_222 = arith.constant 9984 : i32
        %dma_wait3A_223 = arith.constant 0 : i32
        %dma_wait3A_224 = tpu.memref_slice %arg9[%arg0, %dma_wait3A_222, %dma_wait3A_223] : memref<2x10000x128xf32, #tpu.memory_space<hbm>> -> memref<1x16x128xf32, #tpu.memory_space<hbm>>
        %dma_wait3A_225 = tpu.memref_squeeze %dma_wait3A_224 : memref<1x16x128xf32, #tpu.memory_space<hbm>> -> memref<16x128xf32, #tpu.memory_space<hbm>>
        %dma_wait3A_226 = arith.constant 9984 : i32
        %dma_wait3A_227 = arith.constant 0 : i32
        %dma_wait3A_228 = tpu.memref_slice %arg25[%dma_wait3A_226, %dma_wait3A_227] : memref<10000x128xf32, #tpu.memory_space<vmem_shared>> -> memref<16x128xf32, #tpu.memory_space<vmem_shared>>
        tpu.wait_dma2 semaphore(%run_scoped3A : memref<!tpu.dma_semaphore, #tpu.memory_space<semaphore_mem>>) src(%dma_wait3A_228 : memref<16x128xf32, #tpu.memory_space<vmem_shared>>) dst(%dma_wait3A_225 : memref<16x128xf32, #tpu.memory_space<hbm>>)
        tpu.yield
      }) : () -> ()
    } else {
    }
    "tpu.region"() ({
      %run_scoped3A = tpu.sem_alloc : memref<!tpu.dma_semaphore, #tpu.memory_space<semaphore_mem>>
      %dma_start3A_215 = arith.constant 0 : i32
      %dma_start3A_216 = tpu.memref_slice %arg10[%add3A, %dma_start3A_215] : memref<32x10000xf32, #tpu.memory_space<hbm>> -> memref<1x10000xf32, #tpu.memory_space<hbm>>
      %dma_start3A_217 = tpu.memref_squeeze %dma_start3A_216 : memref<1x10000xf32, #tpu.memory_space<hbm>> -> memref<10000xf32, #tpu.memory_space<hbm>>
      %dma_start3A_218 = arith.constant 0 : i32
      %dma_start3A_219 = tpu.memref_slice %arg10[%add3A, %dma_start3A_218] : memref<32x10000xf32, #tpu.memory_space<hbm>> -> memref<1x10000xf32, #tpu.memory_space<hbm>>
      %dma_start3A_220 = tpu.memref_squeeze %dma_start3A_219 : memref<1x10000xf32, #tpu.memory_space<hbm>> -> memref<10000xf32, #tpu.memory_space<hbm>>
      tpu.enqueue_dma source(%arg12 : memref<10000xf32, #tpu.memory_space<vmem>>) target(%dma_start3A_220 : memref<10000xf32, #tpu.memory_space<hbm>>) target_semaphore(%run_scoped3A : memref<!tpu.dma_semaphore, #tpu.memory_space<semaphore_mem>>)
      %dma_wait3A_221 = arith.constant 0 : i32
      %dma_wait3A_222 = tpu.memref_slice %arg10[%add3A, %dma_wait3A_221] : memref<32x10000xf32, #tpu.memory_space<hbm>> -> memref<1x10000xf32, #tpu.memory_space<hbm>>
      %dma_wait3A_223 = tpu.memref_squeeze %dma_wait3A_222 : memref<1x10000xf32, #tpu.memory_space<hbm>> -> memref<10000xf32, #tpu.memory_space<hbm>>
      %dma_wait3A_224 = arith.constant 0 : i32
      %dma_wait3A_225 = tpu.memref_slice %arg10[%add3A, %dma_wait3A_224] : memref<32x10000xf32, #tpu.memory_space<hbm>> -> memref<1x10000xf32, #tpu.memory_space<hbm>>
      %dma_wait3A_226 = tpu.memref_squeeze %dma_wait3A_225 : memref<1x10000xf32, #tpu.memory_space<hbm>> -> memref<10000xf32, #tpu.memory_space<hbm>>
      tpu.wait_dma2 semaphore(%run_scoped3A : memref<!tpu.dma_semaphore, #tpu.memory_space<semaphore_mem>>) src(%arg12 : memref<10000xf32, #tpu.memory_space<vmem>>) dst(%dma_wait3A_226 : memref<10000xf32, #tpu.memory_space<hbm>>)
      tpu.yield
    }) : () -> ()
    return
  }
}

module attributes {stable_mosaic.version = 14 : i64} {
  func.func @_dense_pre_body(%arg0: memref<10000x128xf32, #tpu.memory_space<vmem>>, %arg1: memref<128x128xf32, #tpu.memory_space<vmem>>, %arg2: memref<1x128xf32, #tpu.memory_space<vmem>>, %arg3: memref<128x128xf32, #tpu.memory_space<vmem>>, %arg4: memref<1x128xf32, #tpu.memory_space<vmem>>, %arg5: memref<10000x128xf32, #tpu.memory_space<vmem>>, %arg6: memref<10000x128xf32, #tpu.memory_space<vmem>>) attributes {dimension_semantics = [], scalar_prefetch = 0 : i64, scratch_operands = 0 : i64, tpu.core_type = #tpu.core_type<tc>} {
    %get3A = arith.constant 0 : index
    %get3A_0 = arith.constant 0 : index
    %get3A_1 = vector.load %arg0[%get3A, %get3A_0] : memref<10000x128xf32, #tpu.memory_space<vmem>>, vector<10000x128xf32>
    %get3A_2 = arith.constant 0 : index
    %get3A_3 = arith.constant 0 : index
    %get3A_4 = vector.load %arg1[%get3A_2, %get3A_3] : memref<128x128xf32, #tpu.memory_space<vmem>>, vector<128x128xf32>
    %dot_general3A = arith.constant dense<0.000000e+00> : vector<10000x128xf32>
    %dot_general3A_5 = tpu.matmul %get3A_1, %get3A_4, %dot_general3A {dimension_numbers = #tpu.dot_dimension_numbers<[1], [0], [0], [1], [0, 0, 1, 1], [], []>, transpose_lhs_hint = false} : vector<10000x128xf32>, vector<128x128xf32>, vector<10000x128xf32> -> vector<10000x128xf32>
    %get3A_6 = arith.constant 0 : index
    %get3A_7 = arith.constant 0 : index
    %get3A_8 = vector.load %arg2[%get3A_6, %get3A_7] : memref<1x128xf32, #tpu.memory_space<vmem>>, vector<1x128xf32>
    %add3A = vector.broadcast %get3A_8 : vector<1x128xf32> to vector<10000x128xf32>
    %add3A_9 = arith.addf %dot_general3A_5, %add3A : vector<10000x128xf32>
    %swap3A = arith.constant 0 : index
    %swap3A_10 = arith.constant 0 : index
    %swap3A_11 = vector.load %arg5[%swap3A, %swap3A_10] : memref<10000x128xf32, #tpu.memory_space<vmem>>, vector<10000x128xf32>
    tpu.vector_store %arg5[%swap3A, %swap3A_10], %add3A_9 {strides = array<i32>} : memref<10000x128xf32, #tpu.memory_space<vmem>>, vector<10000x128xf32>,
    %get3A_12 = arith.constant 0 : index
    %get3A_13 = arith.constant 0 : index
    %get3A_14 = vector.load %arg3[%get3A_12, %get3A_13] : memref<128x128xf32, #tpu.memory_space<vmem>>, vector<128x128xf32>
    %dot_general3A_15 = arith.constant dense<0.000000e+00> : vector<10000x128xf32>
    %dot_general3A_16 = tpu.matmul %get3A_1, %get3A_14, %dot_general3A_15 {dimension_numbers = #tpu.dot_dimension_numbers<[1], [0], [0], [1], [0, 0, 1, 1], [], []>, transpose_lhs_hint = false} : vector<10000x128xf32>, vector<128x128xf32>, vector<10000x128xf32> -> vector<10000x128xf32>
    %get3A_17 = arith.constant 0 : index
    %get3A_18 = arith.constant 0 : index
    %get3A_19 = vector.load %arg4[%get3A_17, %get3A_18] : memref<1x128xf32, #tpu.memory_space<vmem>>, vector<1x128xf32>
    %add3A_20 = vector.broadcast %get3A_19 : vector<1x128xf32> to vector<10000x128xf32>
    %add3A_21 = arith.addf %dot_general3A_16, %add3A_20 : vector<10000x128xf32>
    %swap3A_22 = arith.constant 0 : index
    %swap3A_23 = arith.constant 0 : index
    %swap3A_24 = vector.load %arg6[%swap3A_22, %swap3A_23] : memref<10000x128xf32, #tpu.memory_space<vmem>>, vector<10000x128xf32>
    tpu.vector_store %arg6[%swap3A_22, %swap3A_23], %add3A_21 {strides = array<i32>} : memref<10000x128xf32, #tpu.memory_space<vmem>>, vector<10000x128xf32>,
    return
  }
}

module attributes {stable_mosaic.version = 14 : i64} {
  func.func @_pool_body(%arg0: i32, %arg1: memref<128x1280xf32, #tpu.memory_space<vmem>>, %arg2: memref<1280x1024xf32, #tpu.memory_space<vmem>>, %arg3: memref<128x1024xf32, #tpu.memory_space<vmem>>) attributes {dimension_semantics = [#tpu.dimension_semantics<arbitrary>], iteration_bounds = array<i64: 8>, scalar_prefetch = 0 : i64, scratch_operands = 0 : i64, tpu.core_type = #tpu.core_type<tc>, window_params = [{transform_indices = @transform_0, window_bounds = array<i64: 128, 1280>}, {transform_indices = @transform_1, window_bounds = array<i64: 1280, 1024>}, {pipeline_mode = #tpu.pipeline_mode<synchronous>, transform_indices = @transform_2, window_bounds = array<i64: 128, 1024>}]} {
    %eq3A = arith.constant 0 : i32
    %eq3A_0 = arith.cmpi eq, %arg0, %eq3A : i32
    %convert_element_type3A = arith.extui %eq3A_0 : i1 to i32
    %cond3A = arith.constant 0 : i32
    %cond3A_1 = arith.cmpi ne, %convert_element_type3A, %cond3A : i32
    scf.if %cond3A_1 {
      %broadcast_in_dim3A = arith.constant 0.000000e+00 : f32
      %broadcast_in_dim3A_13 = vector.broadcast %broadcast_in_dim3A : f32 to vector<128x1024xf32>
      %swap3A_14 = arith.constant 0 : index
      %swap3A_15 = arith.constant 0 : index
      %swap3A_16 = vector.load %arg3[%swap3A_14, %swap3A_15] : memref<128x1024xf32, #tpu.memory_space<vmem>>, vector<128x1024xf32>
      tpu.vector_store %arg3[%swap3A_14, %swap3A_15], %broadcast_in_dim3A_13 {strides = array<i32>} : memref<128x1024xf32, #tpu.memory_space<vmem>>, vector<128x1024xf32>,
    } else {
    }
    %get3A = arith.constant 0 : index
    %get3A_2 = arith.constant 0 : index
    %get3A_3 = vector.load %arg3[%get3A, %get3A_2] : memref<128x1024xf32, #tpu.memory_space<vmem>>, vector<128x1024xf32>
    %get3A_4 = arith.constant 0 : index
    %get3A_5 = arith.constant 0 : index
    %get3A_6 = vector.load %arg1[%get3A_4, %get3A_5] : memref<128x1280xf32, #tpu.memory_space<vmem>>, vector<128x1280xf32>
    %get3A_7 = arith.constant 0 : index
    %get3A_8 = arith.constant 0 : index
    %get3A_9 = vector.load %arg2[%get3A_7, %get3A_8] : memref<1280x1024xf32, #tpu.memory_space<vmem>>, vector<1280x1024xf32>
    %dot_general3A = arith.constant dense<0.000000e+00> : vector<128x1024xf32>
    %dot_general3A_10 = tpu.matmul %get3A_6, %get3A_9, %dot_general3A {dimension_numbers = #tpu.dot_dimension_numbers<[1], [0], [0], [1], [0, 0, 1, 1], [], []>, transpose_lhs_hint = false} : vector<128x1280xf32>, vector<1280x1024xf32>, vector<128x1024xf32> -> vector<128x1024xf32>
    %add3A = arith.addf %get3A_3, %dot_general3A_10 : vector<128x1024xf32>
    %swap3A = arith.constant 0 : index
    %swap3A_11 = arith.constant 0 : index
    %swap3A_12 = vector.load %arg3[%swap3A, %swap3A_11] : memref<128x1024xf32, #tpu.memory_space<vmem>>, vector<128x1024xf32>
    tpu.vector_store %arg3[%swap3A, %swap3A_11], %add3A {strides = array<i32>} : memref<128x1024xf32, #tpu.memory_space<vmem>>, vector<128x1024xf32>,
    return
  }
  func.func @transform_0(%arg0: i32) -> (i32, i32) {
    %c0_i32 = arith.constant 0 : i32
    %c0_i32_0 = arith.constant 0 : i32
    return %c0_i32, %arg0 : i32, i32
  }
  func.func @transform_1(%arg0: i32) -> (i32, i32) {
    %c0_i32 = arith.constant 0 : i32
    %c0_i32_0 = arith.constant 0 : i32
    return %arg0, %c0_i32 : i32, i32
  }
  func.func @transform_2(%arg0: i32) -> (i32, i32) {
    %c0_i32 = arith.constant 0 : i32
    %c0_i32_0 = arith.constant 0 : i32
    %c0_i32_1 = arith.constant 0 : i32
    return %c0_i32, %c0_i32_0 : i32, i32
  }
}

module attributes {stable_mosaic.version = 14 : i64} {
  func.func @_attr_mlp_body(%arg0: memref<128x1024xf32, #tpu.memory_space<vmem>>, %arg1: memref<1x1024xf32, #tpu.memory_space<vmem>>, %arg2: memref<1x1024xf32, #tpu.memory_space<vmem>>, %arg3: memref<1024x256xf32, #tpu.memory_space<vmem>>, %arg4: memref<1x256xf32, #tpu.memory_space<vmem>>, %arg5: memref<1x256xf32, #tpu.memory_space<vmem>>, %arg6: memref<1x256xf32, #tpu.memory_space<vmem>>, %arg7: memref<256x256xf32, #tpu.memory_space<vmem>>, %arg8: memref<1x256xf32, #tpu.memory_space<vmem>>, %arg9: memref<1x256xf32, #tpu.memory_space<vmem>>, %arg10: memref<1x256xf32, #tpu.memory_space<vmem>>, %arg11: memref<256x128xf32, #tpu.memory_space<vmem>>, %arg12: memref<1x128xf32, #tpu.memory_space<vmem>>, %arg13: memref<128x128xf32, #tpu.memory_space<vmem>>, %arg14: memref<1x128xf32, #tpu.memory_space<vmem>>, %arg15: memref<128x128xf32, #tpu.memory_space<vmem>>, %arg16: memref<1x128xf32, #tpu.memory_space<vmem>>, %arg17: memref<128x128xf32, #tpu.memory_space<vmem>>, %arg18: memref<128x128xf32, #tpu.memory_space<vmem>>) attributes {dimension_semantics = [], scalar_prefetch = 0 : i64, scratch_operands = 0 : i64, tpu.core_type = #tpu.core_type<tc>} {
    %get3A = arith.constant 0 : index
    %get3A_0 = arith.constant 0 : index
    %get3A_1 = vector.load %arg0[%get3A, %get3A_0] : memref<128x1024xf32, #tpu.memory_space<vmem>>, vector<128x1024xf32>
    %get3A_2 = arith.constant 0 : index
    %get3A_3 = arith.constant 0 : index
    %get3A_4 = vector.load %arg1[%get3A_2, %get3A_3] : memref<1x1024xf32, #tpu.memory_space<vmem>>, vector<1x1024xf32>
    %get3A_5 = arith.constant 0 : index
    %get3A_6 = arith.constant 0 : index
    %get3A_7 = vector.load %arg2[%get3A_5, %get3A_6] : memref<1x1024xf32, #tpu.memory_space<vmem>>, vector<1x1024xf32>
    %reduce_sum3A = arith.constant dense<0.000000e+00> : vector<128xf32>
    %reduce_sum3A_8 = vector.multi_reduction <add>, %get3A_1, %reduce_sum3A [1] : vector<128x1024xf32> to vector<128xf32>
    %broadcast_in_dim3A = vector.shape_cast %reduce_sum3A_8 : vector<128xf32> to vector<128x1xf32>
    %div3A = arith.constant 1.024000e+03 : f32
    %div3A_9 = vector.broadcast %div3A : f32 to vector<128x1xf32>
    %div3A_10 = arith.divf %broadcast_in_dim3A, %div3A_9 : vector<128x1xf32>
    %jit3A = arith.constant 0 : i32
    %reduce_sum3A_11 = arith.constant dense<0.000000e+00> : vector<128xf32>
    %reduce_sum3A_12 = vector.multi_reduction <add>, %get3A_1, %reduce_sum3A_11 [1] : vector<128x1024xf32> to vector<128xf32>
    %broadcast_in_dim3A_13 = vector.shape_cast %reduce_sum3A_12 : vector<128xf32> to vector<128x1xf32>
    %div3A_14 = arith.constant 1.024000e+03 : f32
    %div3A_15 = vector.broadcast %div3A_14 : f32 to vector<128x1xf32>
    %div3A_16 = arith.divf %broadcast_in_dim3A_13, %div3A_15 : vector<128x1xf32>
    %sub3A = vector.broadcast %div3A_16 : vector<128x1xf32> to vector<128x1024xf32>
    %sub3A_17 = arith.subf %get3A_1, %sub3A : vector<128x1024xf32>
    %square3A = arith.mulf %sub3A_17, %sub3A_17 : vector<128x1024xf32>
    %convert_element_type3A = arith.sitofp %jit3A : i32 to f32
    %sub3A_18 = arith.constant 1.024000e+03 : f32
    %sub3A_19 = arith.subf %sub3A_18, %convert_element_type3A : f32
    %reduce_sum3A_20 = arith.constant dense<0.000000e+00> : vector<128xf32>
    %reduce_sum3A_21 = vector.multi_reduction <add>, %square3A, %reduce_sum3A_20 [1] : vector<128x1024xf32> to vector<128xf32>
    %broadcast_in_dim3A_22 = vector.shape_cast %reduce_sum3A_21 : vector<128xf32> to vector<128x1xf32>
    %div3A_23 = vector.broadcast %sub3A_19 : f32 to vector<128x1xf32>
    %div3A_24 = arith.divf %broadcast_in_dim3A_22, %div3A_23 : vector<128x1xf32>
    %gt3A = arith.constant 0.000000e+00 : f32
    %gt3A_25 = arith.cmpf ogt, %sub3A_19, %gt3A : f32
    %jit3A_26 = arith.constant 0x7FC00000 : f32
    %broadcast_in_dim3A_27 = vector.broadcast %jit3A_26 : f32 to vector<128x1xf32>
    %select_n3A = arith.select %gt3A_25, %div3A_24, %broadcast_in_dim3A_27 : vector<128x1xf32>
    %sub3A_28 = vector.broadcast %div3A_10 : vector<128x1xf32> to vector<128x1024xf32>
    %sub3A_29 = arith.subf %get3A_1, %sub3A_28 : vector<128x1024xf32>
    %add3A = arith.constant 9.99999974E-6 : f32
    %add3A_30 = vector.broadcast %add3A : f32 to vector<128x1xf32>
    %add3A_31 = arith.addf %select_n3A, %add3A_30 : vector<128x1xf32>
    %sqrt3A = math.sqrt %add3A_31 : vector<128x1xf32>
    %div3A_32 = vector.broadcast %sqrt3A : vector<128x1xf32> to vector<128x1024xf32>
    %div3A_33 = arith.divf %sub3A_29, %div3A_32 : vector<128x1024xf32>
    %mul3A = vector.broadcast %get3A_4 : vector<1x1024xf32> to vector<128x1024xf32>
    %mul3A_34 = arith.mulf %div3A_33, %mul3A : vector<128x1024xf32>
    %add3A_35 = vector.broadcast %get3A_7 : vector<1x1024xf32> to vector<128x1024xf32>
    %add3A_36 = arith.addf %mul3A_34, %add3A_35 : vector<128x1024xf32>
    %get3A_37 = arith.constant 0 : index
    %get3A_38 = arith.constant 0 : index
    %get3A_39 = vector.load %arg3[%get3A_37, %get3A_38] : memref<1024x256xf32, #tpu.memory_space<vmem>>, vector<1024x256xf32>
    %dot_general3A = arith.constant dense<0.000000e+00> : vector<128x256xf32>
    %dot_general3A_40 = tpu.matmul %add3A_36, %get3A_39, %dot_general3A {dimension_numbers = #tpu.dot_dimension_numbers<[1], [0], [0], [1], [0, 0, 1, 1], [], []>, transpose_lhs_hint = false} : vector<128x1024xf32>, vector<1024x256xf32>, vector<128x256xf32> -> vector<128x256xf32>
    %get3A_41 = arith.constant 0 : index
    %get3A_42 = arith.constant 0 : index
    %get3A_43 = vector.load %arg4[%get3A_41, %get3A_42] : memref<1x256xf32, #tpu.memory_space<vmem>>, vector<1x256xf32>
    %add3A_44 = vector.broadcast %get3A_43 : vector<1x256xf32> to vector<128x256xf32>
    %add3A_45 = arith.addf %dot_general3A_40, %add3A_44 : vector<128x256xf32>
    %tanh3A = math.tanh %add3A_45 : vector<128x256xf32>
    %get3A_46 = arith.constant 0 : index
    %get3A_47 = arith.constant 0 : index
    %get3A_48 = vector.load %arg5[%get3A_46, %get3A_47] : memref<1x256xf32, #tpu.memory_space<vmem>>, vector<1x256xf32>
    %get3A_49 = arith.constant 0 : index
    %get3A_50 = arith.constant 0 : index
    %get3A_51 = vector.load %arg6[%get3A_49, %get3A_50] : memref<1x256xf32, #tpu.memory_space<vmem>>, vector<1x256xf32>
    %reduce_sum3A_52 = arith.constant dense<0.000000e+00> : vector<128xf32>
    %reduce_sum3A_53 = vector.multi_reduction <add>, %tanh3A, %reduce_sum3A_52 [1] : vector<128x256xf32> to vector<128xf32>
    %broadcast_in_dim3A_54 = vector.shape_cast %reduce_sum3A_53 : vector<128xf32> to vector<128x1xf32>
    %div3A_55 = arith.constant 2.560000e+02 : f32
    %div3A_56 = vector.broadcast %div3A_55 : f32 to vector<128x1xf32>
    %div3A_57 = arith.divf %broadcast_in_dim3A_54, %div3A_56 : vector<128x1xf32>
    %jit3A_58 = arith.constant 0 : i32
    %reduce_sum3A_59 = arith.constant dense<0.000000e+00> : vector<128xf32>
    %reduce_sum3A_60 = vector.multi_reduction <add>, %tanh3A, %reduce_sum3A_59 [1] : vector<128x256xf32> to vector<128xf32>
    %broadcast_in_dim3A_61 = vector.shape_cast %reduce_sum3A_60 : vector<128xf32> to vector<128x1xf32>
    %div3A_62 = arith.constant 2.560000e+02 : f32
    %div3A_63 = vector.broadcast %div3A_62 : f32 to vector<128x1xf32>
    %div3A_64 = arith.divf %broadcast_in_dim3A_61, %div3A_63 : vector<128x1xf32>
    %sub3A_65 = vector.broadcast %div3A_64 : vector<128x1xf32> to vector<128x256xf32>
    %sub3A_66 = arith.subf %tanh3A, %sub3A_65 : vector<128x256xf32>
    %square3A_67 = arith.mulf %sub3A_66, %sub3A_66 : vector<128x256xf32>
    %convert_element_type3A_68 = arith.sitofp %jit3A_58 : i32 to f32
    %sub3A_69 = arith.constant 2.560000e+02 : f32
    %sub3A_70 = arith.subf %sub3A_69, %convert_element_type3A_68 : f32
    %reduce_sum3A_71 = arith.constant dense<0.000000e+00> : vector<128xf32>
    %reduce_sum3A_72 = vector.multi_reduction <add>, %square3A_67, %reduce_sum3A_71 [1] : vector<128x256xf32> to vector<128xf32>
    %broadcast_in_dim3A_73 = vector.shape_cast %reduce_sum3A_72 : vector<128xf32> to vector<128x1xf32>
    %div3A_74 = vector.broadcast %sub3A_70 : f32 to vector<128x1xf32>
    %div3A_75 = arith.divf %broadcast_in_dim3A_73, %div3A_74 : vector<128x1xf32>
    %gt3A_76 = arith.constant 0.000000e+00 : f32
    %gt3A_77 = arith.cmpf ogt, %sub3A_70, %gt3A_76 : f32
    %jit3A_78 = arith.constant 0x7FC00000 : f32
    %broadcast_in_dim3A_79 = vector.broadcast %jit3A_78 : f32 to vector<128x1xf32>
    %select_n3A_80 = arith.select %gt3A_77, %div3A_75, %broadcast_in_dim3A_79 : vector<128x1xf32>
    %sub3A_81 = vector.broadcast %div3A_57 : vector<128x1xf32> to vector<128x256xf32>
    %sub3A_82 = arith.subf %tanh3A, %sub3A_81 : vector<128x256xf32>
    %add3A_83 = arith.constant 9.99999974E-6 : f32
    %add3A_84 = vector.broadcast %add3A_83 : f32 to vector<128x1xf32>
    %add3A_85 = arith.addf %select_n3A_80, %add3A_84 : vector<128x1xf32>
    %sqrt3A_86 = math.sqrt %add3A_85 : vector<128x1xf32>
    %div3A_87 = vector.broadcast %sqrt3A_86 : vector<128x1xf32> to vector<128x256xf32>
    %div3A_88 = arith.divf %sub3A_82, %div3A_87 : vector<128x256xf32>
    %mul3A_89 = vector.broadcast %get3A_48 : vector<1x256xf32> to vector<128x256xf32>
    %mul3A_90 = arith.mulf %div3A_88, %mul3A_89 : vector<128x256xf32>
    %add3A_91 = vector.broadcast %get3A_51 : vector<1x256xf32> to vector<128x256xf32>
    %add3A_92 = arith.addf %mul3A_90, %add3A_91 : vector<128x256xf32>
    %get3A_93 = arith.constant 0 : index
    %get3A_94 = arith.constant 0 : index
    %get3A_95 = vector.load %arg7[%get3A_93, %get3A_94] : memref<256x256xf32, #tpu.memory_space<vmem>>, vector<256x256xf32>
    %dot_general3A_96 = arith.constant dense<0.000000e+00> : vector<128x256xf32>
    %dot_general3A_97 = tpu.matmul %add3A_92, %get3A_95, %dot_general3A_96 {dimension_numbers = #tpu.dot_dimension_numbers<[1], [0], [0], [1], [0, 0, 1, 1], [], []>, transpose_lhs_hint = false} : vector<128x256xf32>, vector<256x256xf32>, vector<128x256xf32> -> vector<128x256xf32>
    %get3A_98 = arith.constant 0 : index
    %get3A_99 = arith.constant 0 : index
    %get3A_100 = vector.load %arg8[%get3A_98, %get3A_99] : memref<1x256xf32, #tpu.memory_space<vmem>>, vector<1x256xf32>
    %add3A_101 = vector.broadcast %get3A_100 : vector<1x256xf32> to vector<128x256xf32>
    %add3A_102 = arith.addf %dot_general3A_97, %add3A_101 : vector<128x256xf32>
    %tanh3A_103 = math.tanh %add3A_102 : vector<128x256xf32>
    %get3A_104 = arith.constant 0 : index
    %get3A_105 = arith.constant 0 : index
    %get3A_106 = vector.load %arg9[%get3A_104, %get3A_105] : memref<1x256xf32, #tpu.memory_space<vmem>>, vector<1x256xf32>
    %get3A_107 = arith.constant 0 : index
    %get3A_108 = arith.constant 0 : index
    %get3A_109 = vector.load %arg10[%get3A_107, %get3A_108] : memref<1x256xf32, #tpu.memory_space<vmem>>, vector<1x256xf32>
    %reduce_sum3A_110 = arith.constant dense<0.000000e+00> : vector<128xf32>
    %reduce_sum3A_111 = vector.multi_reduction <add>, %tanh3A_103, %reduce_sum3A_110 [1] : vector<128x256xf32> to vector<128xf32>
    %broadcast_in_dim3A_112 = vector.shape_cast %reduce_sum3A_111 : vector<128xf32> to vector<128x1xf32>
    %div3A_113 = arith.constant 2.560000e+02 : f32
    %div3A_114 = vector.broadcast %div3A_113 : f32 to vector<128x1xf32>
    %div3A_115 = arith.divf %broadcast_in_dim3A_112, %div3A_114 : vector<128x1xf32>
    %jit3A_116 = arith.constant 0 : i32
    %reduce_sum3A_117 = arith.constant dense<0.000000e+00> : vector<128xf32>
    %reduce_sum3A_118 = vector.multi_reduction <add>, %tanh3A_103, %reduce_sum3A_117 [1] : vector<128x256xf32> to vector<128xf32>
    %broadcast_in_dim3A_119 = vector.shape_cast %reduce_sum3A_118 : vector<128xf32> to vector<128x1xf32>
    %div3A_120 = arith.constant 2.560000e+02 : f32
    %div3A_121 = vector.broadcast %div3A_120 : f32 to vector<128x1xf32>
    %div3A_122 = arith.divf %broadcast_in_dim3A_119, %div3A_121 : vector<128x1xf32>
    %sub3A_123 = vector.broadcast %div3A_122 : vector<128x1xf32> to vector<128x256xf32>
    %sub3A_124 = arith.subf %tanh3A_103, %sub3A_123 : vector<128x256xf32>
    %square3A_125 = arith.mulf %sub3A_124, %sub3A_124 : vector<128x256xf32>
    %convert_element_type3A_126 = arith.sitofp %jit3A_116 : i32 to f32
    %sub3A_127 = arith.constant 2.560000e+02 : f32
    %sub3A_128 = arith.subf %sub3A_127, %convert_element_type3A_126 : f32
    %reduce_sum3A_129 = arith.constant dense<0.000000e+00> : vector<128xf32>
    %reduce_sum3A_130 = vector.multi_reduction <add>, %square3A_125, %reduce_sum3A_129 [1] : vector<128x256xf32> to vector<128xf32>
    %broadcast_in_dim3A_131 = vector.shape_cast %reduce_sum3A_130 : vector<128xf32> to vector<128x1xf32>
    %div3A_132 = vector.broadcast %sub3A_128 : f32 to vector<128x1xf32>
    %div3A_133 = arith.divf %broadcast_in_dim3A_131, %div3A_132 : vector<128x1xf32>
    %gt3A_134 = arith.constant 0.000000e+00 : f32
    %gt3A_135 = arith.cmpf ogt, %sub3A_128, %gt3A_134 : f32
    %jit3A_136 = arith.constant 0x7FC00000 : f32
    %broadcast_in_dim3A_137 = vector.broadcast %jit3A_136 : f32 to vector<128x1xf32>
    %select_n3A_138 = arith.select %gt3A_135, %div3A_133, %broadcast_in_dim3A_137 : vector<128x1xf32>
    %sub3A_139 = vector.broadcast %div3A_115 : vector<128x1xf32> to vector<128x256xf32>
    %sub3A_140 = arith.subf %tanh3A_103, %sub3A_139 : vector<128x256xf32>
    %add3A_141 = arith.constant 9.99999974E-6 : f32
    %add3A_142 = vector.broadcast %add3A_141 : f32 to vector<128x1xf32>
    %add3A_143 = arith.addf %select_n3A_138, %add3A_142 : vector<128x1xf32>
    %sqrt3A_144 = math.sqrt %add3A_143 : vector<128x1xf32>
    %div3A_145 = vector.broadcast %sqrt3A_144 : vector<128x1xf32> to vector<128x256xf32>
    %div3A_146 = arith.divf %sub3A_140, %div3A_145 : vector<128x256xf32>
    %mul3A_147 = vector.broadcast %get3A_106 : vector<1x256xf32> to vector<128x256xf32>
    %mul3A_148 = arith.mulf %div3A_146, %mul3A_147 : vector<128x256xf32>
    %add3A_149 = vector.broadcast %get3A_109 : vector<1x256xf32> to vector<128x256xf32>
    %add3A_150 = arith.addf %mul3A_148, %add3A_149 : vector<128x256xf32>
    %get3A_151 = arith.constant 0 : index
    %get3A_152 = arith.constant 0 : index
    %get3A_153 = vector.load %arg11[%get3A_151, %get3A_152] : memref<256x128xf32, #tpu.memory_space<vmem>>, vector<256x128xf32>
    %dot_general3A_154 = arith.constant dense<0.000000e+00> : vector<128x128xf32>
    %dot_general3A_155 = tpu.matmul %add3A_150, %get3A_153, %dot_general3A_154 {dimension_numbers = #tpu.dot_dimension_numbers<[1], [0], [0], [1], [0, 0, 1, 1], [], []>, transpose_lhs_hint = false} : vector<128x256xf32>, vector<256x128xf32>, vector<128x128xf32> -> vector<128x128xf32>
    %get3A_156 = arith.constant 0 : index
    %get3A_157 = arith.constant 0 : index
    %get3A_158 = vector.load %arg12[%get3A_156, %get3A_157] : memref<1x128xf32, #tpu.memory_space<vmem>>, vector<1x128xf32>
    %add3A_159 = vector.broadcast %get3A_158 : vector<1x128xf32> to vector<128x128xf32>
    %add3A_160 = arith.addf %dot_general3A_155, %add3A_159 : vector<128x128xf32>
    %tanh3A_161 = math.tanh %add3A_160 : vector<128x128xf32>
    %get3A_162 = arith.constant 0 : index
    %get3A_163 = arith.constant 0 : index
    %get3A_164 = vector.load %arg13[%get3A_162, %get3A_163] : memref<128x128xf32, #tpu.memory_space<vmem>>, vector<128x128xf32>
    %dot_general3A_165 = arith.constant dense<0.000000e+00> : vector<128x128xf32>
    %dot_general3A_166 = tpu.matmul %tanh3A_161, %get3A_164, %dot_general3A_165 {dimension_numbers = #tpu.dot_dimension_numbers<[1], [0], [0], [1], [0, 0, 1, 1], [], []>, transpose_lhs_hint = false} : vector<128x128xf32>, vector<128x128xf32>, vector<128x128xf32> -> vector<128x128xf32>
    %get3A_167 = arith.constant 0 : index
    %get3A_168 = arith.constant 0 : index
    %get3A_169 = vector.load %arg14[%get3A_167, %get3A_168] : memref<1x128xf32, #tpu.memory_space<vmem>>, vector<1x128xf32>
    %add3A_170 = vector.broadcast %get3A_169 : vector<1x128xf32> to vector<128x128xf32>
    %add3A_171 = arith.addf %dot_general3A_166, %add3A_170 : vector<128x128xf32>
    %swap3A = arith.constant 0 : index
    %swap3A_172 = arith.constant 0 : index
    %swap3A_173 = vector.load %arg17[%swap3A, %swap3A_172] : memref<128x128xf32, #tpu.memory_space<vmem>>, vector<128x128xf32>
    tpu.vector_store %arg17[%swap3A, %swap3A_172], %add3A_171 {strides = array<i32>} : memref<128x128xf32, #tpu.memory_space<vmem>>, vector<128x128xf32>,
    %get3A_174 = arith.constant 0 : index
    %get3A_175 = arith.constant 0 : index
    %get3A_176 = vector.load %arg15[%get3A_174, %get3A_175] : memref<128x128xf32, #tpu.memory_space<vmem>>, vector<128x128xf32>
    %dot_general3A_177 = arith.constant dense<0.000000e+00> : vector<128x128xf32>
    %dot_general3A_178 = tpu.matmul %tanh3A_161, %get3A_176, %dot_general3A_177 {dimension_numbers = #tpu.dot_dimension_numbers<[1], [0], [0], [1], [0, 0, 1, 1], [], []>, transpose_lhs_hint = false} : vector<128x128xf32>, vector<128x128xf32>, vector<128x128xf32> -> vector<128x128xf32>
    %get3A_179 = arith.constant 0 : index
    %get3A_180 = arith.constant 0 : index
    %get3A_181 = vector.load %arg16[%get3A_179, %get3A_180] : memref<1x128xf32, #tpu.memory_space<vmem>>, vector<1x128xf32>
    %add3A_182 = vector.broadcast %get3A_181 : vector<1x128xf32> to vector<128x128xf32>
    %add3A_183 = arith.addf %dot_general3A_178, %add3A_182 : vector<128x128xf32>
    %swap3A_184 = arith.constant 0 : index
    %swap3A_185 = arith.constant 0 : index
    %swap3A_186 = vector.load %arg18[%swap3A_184, %swap3A_185] : memref<128x128xf32, #tpu.memory_space<vmem>>, vector<128x128xf32>
    tpu.vector_store %arg18[%swap3A_184, %swap3A_185], %add3A_183 {strides = array<i32>} : memref<128x128xf32, #tpu.memory_space<vmem>>, vector<128x128xf32>,
    return
  }
}

module attributes {stable_mosaic.version = 14 : i64} {
  func.func @_dense_post_body(%arg0: memref<10000x128xf32, #tpu.memory_space<vmem>>, %arg1: memref<10000x128xf32, #tpu.memory_space<vmem>>, %arg2: memref<10000x1xf32, #tpu.memory_space<vmem>>, %arg3: memref<1x128xf32, #tpu.memory_space<vmem>>, %arg4: memref<128x128xf32, #tpu.memory_space<vmem>>, %arg5: memref<1x128xf32, #tpu.memory_space<vmem>>, %arg6: memref<128x128xf32, #tpu.memory_space<vmem>>, %arg7: memref<1x128xf32, #tpu.memory_space<vmem>>, %arg8: memref<10000x128xf32, #tpu.memory_space<vmem>>, %arg9: memref<10000x128xf32, #tpu.memory_space<vmem>>) attributes {dimension_semantics = [], scalar_prefetch = 0 : i64, scratch_operands = 0 : i64, tpu.core_type = #tpu.core_type<tc>} {
    %get3A = arith.constant 0 : index
    %get3A_0 = arith.constant 0 : index
    %get3A_1 = vector.load %arg2[%get3A, %get3A_0] : memref<10000x1xf32, #tpu.memory_space<vmem>>, vector<10000x1xf32>
    %add3A = arith.constant 1.000000e-16 : f32
    %add3A_2 = vector.broadcast %add3A : f32 to vector<10000x1xf32>
    %add3A_3 = arith.addf %get3A_1, %add3A_2 : vector<10000x1xf32>
    %div3A = arith.constant 1.000000e+00 : f32
    %div3A_4 = vector.broadcast %div3A : f32 to vector<10000x1xf32>
    %div3A_5 = arith.divf %div3A_4, %add3A_3 : vector<10000x1xf32>
    %get3A_6 = arith.constant 0 : index
    %get3A_7 = arith.constant 0 : index
    %get3A_8 = vector.load %arg0[%get3A_6, %get3A_7] : memref<10000x128xf32, #tpu.memory_space<vmem>>, vector<10000x128xf32>
    %get3A_9 = arith.constant 0 : index
    %get3A_10 = arith.constant 0 : index
    %get3A_11 = vector.load %arg1[%get3A_9, %get3A_10] : memref<10000x128xf32, #tpu.memory_space<vmem>>, vector<10000x128xf32>
    %add3A_12 = arith.addf %get3A_8, %get3A_11 : vector<10000x128xf32>
    %mul3A = vector.broadcast %div3A_5 : vector<10000x1xf32> to vector<10000x128xf32>
    %mul3A_13 = arith.mulf %add3A_12, %mul3A : vector<10000x128xf32>
    %get3A_14 = arith.constant 0 : index
    %get3A_15 = arith.constant 0 : index
    %get3A_16 = vector.load %arg3[%get3A_14, %get3A_15] : memref<1x128xf32, #tpu.memory_space<vmem>>, vector<1x128xf32>
    %add3A_17 = vector.broadcast %get3A_16 : vector<1x128xf32> to vector<10000x128xf32>
    %add3A_18 = arith.addf %mul3A_13, %add3A_17 : vector<10000x128xf32>
    %max3A = arith.constant 0.000000e+00 : f32
    %max3A_19 = vector.broadcast %max3A : f32 to vector<10000x128xf32>
    %max3A_20 = arith.maximumf %add3A_18, %max3A_19 : vector<10000x128xf32>
    %get3A_21 = arith.constant 0 : index
    %get3A_22 = arith.constant 0 : index
    %get3A_23 = vector.load %arg4[%get3A_21, %get3A_22] : memref<128x128xf32, #tpu.memory_space<vmem>>, vector<128x128xf32>
    %dot_general3A = arith.constant dense<0.000000e+00> : vector<10000x128xf32>
    %dot_general3A_24 = tpu.matmul %max3A_20, %get3A_23, %dot_general3A {dimension_numbers = #tpu.dot_dimension_numbers<[1], [0], [0], [1], [0, 0, 1, 1], [], []>, transpose_lhs_hint = false} : vector<10000x128xf32>, vector<128x128xf32>, vector<10000x128xf32> -> vector<10000x128xf32>
    %get3A_25 = arith.constant 0 : index
    %get3A_26 = arith.constant 0 : index
    %get3A_27 = vector.load %arg5[%get3A_25, %get3A_26] : memref<1x128xf32, #tpu.memory_space<vmem>>, vector<1x128xf32>
    %add3A_28 = vector.broadcast %get3A_27 : vector<1x128xf32> to vector<10000x128xf32>
    %add3A_29 = arith.addf %dot_general3A_24, %add3A_28 : vector<10000x128xf32>
    %swap3A = arith.constant 0 : index
    %swap3A_30 = arith.constant 0 : index
    %swap3A_31 = vector.load %arg8[%swap3A, %swap3A_30] : memref<10000x128xf32, #tpu.memory_space<vmem>>, vector<10000x128xf32>
    tpu.vector_store %arg8[%swap3A, %swap3A_30], %add3A_29 {strides = array<i32>} : memref<10000x128xf32, #tpu.memory_space<vmem>>, vector<10000x128xf32>,
    %get3A_32 = arith.constant 0 : index
    %get3A_33 = arith.constant 0 : index
    %get3A_34 = vector.load %arg6[%get3A_32, %get3A_33] : memref<128x128xf32, #tpu.memory_space<vmem>>, vector<128x128xf32>
    %dot_general3A_35 = arith.constant dense<0.000000e+00> : vector<10000x128xf32>
    %dot_general3A_36 = tpu.matmul %max3A_20, %get3A_34, %dot_general3A_35 {dimension_numbers = #tpu.dot_dimension_numbers<[1], [0], [0], [1], [0, 0, 1, 1], [], []>, transpose_lhs_hint = false} : vector<10000x128xf32>, vector<128x128xf32>, vector<10000x128xf32> -> vector<10000x128xf32>
    %get3A_37 = arith.constant 0 : index
    %get3A_38 = arith.constant 0 : index
    %get3A_39 = vector.load %arg7[%get3A_37, %get3A_38] : memref<1x128xf32, #tpu.memory_space<vmem>>, vector<1x128xf32>
    %add3A_40 = vector.broadcast %get3A_39 : vector<1x128xf32> to vector<10000x128xf32>
    %add3A_41 = arith.addf %dot_general3A_36, %add3A_40 : vector<10000x128xf32>
    %swap3A_42 = arith.constant 0 : index
    %swap3A_43 = arith.constant 0 : index
    %swap3A_44 = vector.load %arg9[%swap3A_42, %swap3A_43] : memref<10000x128xf32, #tpu.memory_space<vmem>>, vector<10000x128xf32>
    tpu.vector_store %arg9[%swap3A_42, %swap3A_43], %add3A_41 {strides = array<i32>} : memref<10000x128xf32, #tpu.memory_space<vmem>>, vector<10000x128xf32>,
    return
  }
}

</mosaic_0001>

<sc_bundles>
// kernel: kernel.7.cloned.1.call-start
scs
__scs_entry_jumppad:
0x0: {  	(pc) =	sbr.rel $0x88, $3  }
0x1: {  	(tag) =	ssettag $0x0;
	lr =	simm.s32 $0x1  }
0x2: {  	[smem:$0x3F85] =	sst lr;
	_ =	strace $0xD0000000  }
0x3: {  	_ = 	snop  }
0x4: {  	_ = 	snop  }
0x5: {  	_ = 	snop  }
0x6: {  	_ = 	snop  }
0x7: {  	_ = 	snop  }
__scs_overlays_trampoline_lowered:
0x8: {  	[smem:$0x3F94] =	sst s0  }
0x9: {  	[smem:$0x3F95] =	sst s1  }
0xa: {  	[smem:$0x3F96] =	sst s2  }
0xb: {  	[smem:$0x3F97] =	sst s3  }
0xc: {  	[smem:$0x3F98] =	sst s4  }
0xd: {  	[smem:$0x3F99] =	sst s5  }
0xe: {  	[smem:$0x3F9A] =	sst s6  }
0xf: {  	[smem:$0x3F9B] =	sst s7  }
0x10: {  	[smem:$0x3F9C] =	sst s8  }
0x11: {  	[smem:$0x3F9D] =	sst s9;
	s0 =	simm.s32 @!p0 $0x0  }
0x12: {  	s1 =	sld [smem:$0x3F83];
	s0 =	simm.s32 @p0 $0x1  }
0x13: {  	[smem:$0x3F9E] =	sst s0;
	s0 =	simm.s32 @!p1 $0x0  }
0x14: {  	s2 =	sld [smem:$0x3F82];
	s0 =	simm.s32 @p1 $0x1  }
0x15: {  	[smem:$0x3F9F] =	sst s0;
	s0 =	simm.s32 @!p2 $0x0  }
0x16: {  	s3 =	sld [smem:$0x3FDB];
	s0 =	simm.s32 @p2 $0x1  }
0x17: {  	s4 =	simm.s32 $0x1BF5;
	[smem:$0x3FA1] =	sst s0  }
0x18: {  	s0 =	sld [smem:$0x3F84];
	_ =	swait.ge [sflag:s4], $0x0  }
0x19: {  	s7 =	sld [smem:$0x3F85]  }
0x1a: {  	s8 =	sadd.s32 $0xFFFFE003, lr  }
0x1b: {  	s9 =	sadd.s32 $0xFFFFFEF7, lr;
	s5 =	simm.s32 $0xFFFFFFFF;
	p2 =	slt.u32 s8, $0xFFFFF086  }
0x1c: {  	p1 =	slt.u32 s9, $0xF7A;
	s5 =	simm.s32 @!p2 $0x0  }
0x1d: {  	s5 =	simm.s32 @p1 $0x1;
	p0 =	seq.s32 s7, s2  }
0x1e: {  	s7 =	smul.u32 @!p0 $0xF7A, s2;
	p2 =	seq.s32 @!p0 s5, $0x0  }
0x1f: {  	s9 =	smul.u32 $0xF7A, s1;
	s8 =	simm.s32 @!p0 $0x1BF5;
	p2 =	por !p2, p0  }
0x20: {  	[sflag:s8] =	ssyncset.s32 @!p0 $0xFFFFF086;
	s6 =	sadd.s32 @!p0 s3, s7;
	s7 =	simm.s32 @!p0 $0x108  }
0x21: {  	s3 =	sadd.s32 s3, s9;
	s6 =	sadd.s32 @!p0 $0x88, s6;
	s7 =	simm.s32 @p2 $0x1082  }
0x22: {  	[simem:s7], [sflag:s8] =	dma.local @!p0 [hbm:s6], $0xF7A  }
0x23: {  	s9 =	sor.u32 $0xD0000000, s2;
	s6 =	simm.s32 $0x108;
	_ =	swait.ge @!p0 [sflag:s8], $0x0  }
0x24: {  	s3 =	sadd.s32 $0x88, s3;
	s6 =	simm.s32 @!p1 $0x1082;
	[sflag:s4] =	ssyncset.s32 $0xFFFFF086  }
0x25: {  	[simem:s6], [sflag:s4] =	dma.local [hbm:s3], $0xF7A  }
0x26: {  	[smem:$0x3F85] =	sst s1;
	(tag) =	ssettag s2;
	_ =	strace s9  }
0x27: {  	s1 =	sld [smem:$0x3F95]  }
0x28: {  	s2 =	sld [smem:$0x3F96]  }
0x29: {  	s4 =	sld [smem:$0x3F98]  }
0x2a: {  	p0 =	seq.s32 s5, $0x0;
	s5 =	sld [smem:$0x3F99]  }
0x2b: {  	s6 =	sld [smem:$0x3F9A]  }
0x2c: {  	s7 =	sld [smem:$0x3F9B]  }
0x2d: {  	s3 =	simm.s32 $0x108;
	s8 =	sld [smem:$0x3F9C]  }
0x2e: {  	s3 =	simm.s32 @!p0 $0x1082;
	s9 =	sld [smem:$0x3F9D]  }
0x2f: {  	lr =	sadd.s32 s0, s3;
	s0 =	sld [smem:$0x3F94]  }
0x30: {  	s3 =	sld [smem:$0x3F97]  }
0x31: {  	[smem:$0x3FA0] =	sst s10  }
0x32: {  	s10 =	sld [smem:$0x3F9E];
	_ =	sdelay $0x3  }
0x33: {  	p0 =	seq.s32 s10, $0x1;
	s10 =	sld [smem:$0x3FA0];
	_ =	sdelay $0x3  }
0x34: {  	[smem:$0x3FA0] =	sst s10  }
0x35: {  	s10 =	sld [smem:$0x3F9F];
	_ =	sdelay $0x3  }
0x36: {  	p1 =	seq.s32 s10, $0x1;
	s10 =	sld [smem:$0x3FA0];
	_ =	sdelay $0x3  }
0x37: {  	[smem:$0x3FA0] =	sst s10  }
0x38: {  	s10 =	sld [smem:$0x3FA1]  }
0x39: {  	_ = 	snop;
	(pc) =	sbr.ind lr, $3  }
0x3a: {  	_ = 	snop  }
0x3b: {  	_ = 	snop  }
0x3c: {  	p2 =	seq.s32 s10, $0x1;
	s10 =	sld [smem:$0x3FA0]  }
0x3d: {  	_ =	shalt  }
0x3e: {  	_ =	shalt  }
0x3f: {  	_ =	shalt  }
0x40: {  	_ =	shalt  }
0x41: {  	_ =	shalt  }
0x42: {  	_ =	shalt  }
0x43: {  	_ =	shalt  }
0x44: {  	_ =	shalt  }
0x45: {  	_ =	shalt  }
0x46: {  	_ =	shalt  }
0x47: {  	_ =	shalt  }
0x48: {  	_ =	shalt  }
0x49: {  	_ =	shalt  }
0x4a: {  	_ =	shalt  }
0x4b: {  	_ =	shalt  }
0x4c: {  	_ =	shalt  }
0x4d: {  	_ =	shalt  }
0x4e: {  	_ =	shalt  }
0x4f: {  	_ =	shalt  }
0x50: {  	_ =	shalt  }
0x51: {  	_ =	shalt  }
0x52: {  	_ =	shalt  }
0x53: {  	_ =	shalt  }
0x54: {  	_ =	shalt  }
0x55: {  	_ =	shalt  }
0x56: {  	_ =	shalt  }
0x57: {  	_ =	shalt  }
0x58: {  	_ =	shalt  }
0x59: {  	_ =	shalt  }
0x5a: {  	_ =	shalt  }
0x5b: {  	_ =	shalt  }
0x5c: {  	_ =	shalt  }
0x5d: {  	_ =	shalt  }
0x5e: {  	_ =	shalt  }
0x5f: {  	_ =	shalt  }
0x60: {  	_ =	shalt  }
0x61: {  	_ =	shalt  }
0x62: {  	_ =	shalt  }
0x63: {  	_ =	shalt  }
0x64: {  	_ =	shalt  }
0x65: {  	_ =	shalt  }
0x66: {  	_ =	shalt  }
0x67: {  	_ =	shalt  }
0x68: {  	_ =	shalt  }
0x69: {  	_ =	shalt  }
0x6a: {  	_ =	shalt  }
0x6b: {  	_ =	shalt  }
0x6c: {  	_ =	shalt  }
0x6d: {  	_ =	shalt  }
0x6e: {  	_ =	shalt  }
0x6f: {  	_ =	shalt  }
0x70: {  	_ =	shalt  }
0x71: {  	_ =	shalt  }
0x72: {  	_ =	shalt  }
0x73: {  	_ =	shalt  }
0x74: {  	_ =	shalt  }
0x75: {  	_ =	shalt  }
0x76: {  	_ =	shalt  }
0x77: {  	_ =	shalt  }
0x78: {  	_ =	shalt  }
0x79: {  	_ =	shalt  }
0x7a: {  	_ =	shalt  }
0x7b: {  	_ =	shalt  }
0x7c: {  	_ =	shalt  }
0x7d: {  	_ =	shalt  }
0x7e: {  	_ =	shalt  }
0x7f: {  	_ =	shalt  }
0x80: {  	_ =	shalt  }
0x81: {  	_ =	shalt  }
0x82: {  	_ =	shalt  }
0x83: {  	_ =	shalt  }
0x84: {  	_ =	shalt  }
0x85: {  	_ =	shalt  }
0x86: {  	_ =	shalt  }
0x87: {  	_ =	shalt  }
.Lfunc_end0:
.L_simem_size_0:
called_computation_lowered:
.L_overlay_start_0:
0x88: {  	s2 =	sld [smem:$0x3FD9]  }
0x89: {  	s3 =	sld [smem:$0x3FFE];
	_ =	sdelay $0x1  }
0x8a: {  	s1 =	srdreg.scid  }
0x8b: {  	s0 =	sand.u32 $0x1, s1  }
0x8c: {  	s14 =	sshll.u32 s0, $0xA;
	s2 =	sadd.s32 s3, s2  }
0x8d: {  	s2 =	sadd.s32 s2, s14  }
0x8e: {  	[smem:$0x3FAC] =	sst s2  }
0x8f: {  	_ = 	snop  }
0x90: {  	s2 =	sld [smem:$0x3FD0];
	_ =	sdelay $0x2  }
0x91: {  	s4 =	simm.s32 $0xA;
	s5 =	simm.s32 $0x10;
	s15 =	sld [smem:$0x3FC3]  }
0x92: {  	[smem:s5], [sflag:s4] =	dma.local [hbm:s2], $0x1  }
0x93: {  	_ =	swait.eq [sflag:s4], $0x1  }
0x94: {  	[sflag:s4] =	ssyncset.done $0x0  }
0x95: {  	s16 =	sld [smem:$0x10];
	[sflag:s4] =	ssyncadd.s32 $0xFFFFFFFF  }
0x96: {  	s17 =	sld [smem:$0x11];
	(tm) =	ssettm $0x1  }
0x97: {  	s18 =	sld [smem:$0x3FFB];
	_ =	sdelay $0x3  }
0x98: {  	_ =	strace s18  }
0x99: {  	s5 =	sld [smem:$0x3FFC];
	_ =	sdelay $0x3  }
0x9a: {  	_ =	strace s5  }
0x9b: {  	s5 =	sld [smem:$0x3FFD];
	_ =	sdelay $0x3  }
0x9c: {  	_ =	strace s5  }
0x9d: {  	_ =	strace $0x8FFFFFFF  }
0x9e: {  	s19 =	sld [smem:$0x3FDB];
	_ =	sdelay $0x1  }
0x9f: {  	s6 =	simm.s32 $_scs_section_size  }
0xa0: {  	s7 =	simm.s32 $_size__tile_overlayer_lowered;
	s8 =	simm.s32 $_tile_overlayer_lowered  }
0xa1: {  	s22 =	simm.s32 $0x1BFF;
	s21 =	sshll.u32 s8, $0x1;
	s5 =	sadd.s32 s6, s19  }
0xa2: {  	s9 =	simm.s32 $0x0;
	s20 =	sshll.u32 s7, $0x1;
	s7 =	sadd.s32 s21, s5  }
0xa3: {  	[timem:s9], [sflag:s22] =	dma.local [hbm:s7], s20  }
0xa4: {  	_ =	swait.ge [sflag:s22], s20  }
0xa5: {  	s6 =	ssub.s32 $0x0, s20;
	[sflag:s22] =	ssyncset.done $0x0  }
0xa6: {  	[sflag:s22] =	ssyncadd.s32 s6;
	_ =	sdelay $0x1  }
0xa7: {  	s23 =	simm.s32 $0x1B8B  }
0xa8: {  	_ =	swait.ge [sflag:s23], $0x1  }
0xa9: {  	[sflag:s23] =	ssyncset.done $0x0  }
0xaa: {  	s25 =	simm.s32 $0x1B8E;
	s24 =	sld [smem:$0x3FFE];
	[sflag:s23] =	ssyncadd.s32 $0xFFFFFFFF  }
0xab: {  	s26 =	simm.s32 $execute0_lowered;
	[smem:$0x3FD2] =	sst s25  }
0xac: {  	s7 =	sshll.u32 s26, $0x1;
	_ =	strace $0x80000046;
	[dreg:$0x1] =	wrdreg $0xFFFFFFFF  }
0xad: {  	s28 =	simm.s32 $_size_execute0_lowered;
	s5 =	sadd.s32 s5, s7;
	[dreg:$0x0] =	wrdreg $0x0  }
0xae: {  	s7 =	sshll.u32 s28, $0x1;
	[dreg:$0x2] =	wrdreg s5  }
0xaf: {  	[dreg:$0x3] =	wrdreg s7  }
0xb0: {  	[dreg:$0x4] =	wrdreg $0xC0  }
0xb1: {  	_ =	task [dreg:s9], $0x5FFFF  }
0xb2: {  	[dreg:$0x1] =	wrdreg $0xFFFFFFFF  }
0xb3: {  	[dreg:$0x0] =	wrdreg $0x60  }
0xb4: {  	[dreg:$0x2] =	wrdreg s17  }
0xb5: {  	[dreg:$0x3] =	wrdreg s16  }
0xb6: {  	[dreg:$0x4] =	wrdreg s24  }
0xb7: {  	[dreg:$0x5] =	wrdreg s15  }
0xb8: {  	[dreg:$0x6] =	wrdreg $0xBB000  }
0xb9: {  	[dreg:$0x7] =	wrdreg $0x9  }
0xba: {  	_ =	task.clear_ibuf [dreg:s9], $0x8FFFF;
	_ =	strace $0x90000046  }
0xbb: {  	s29 =	simm.s32 $0x9;
	_ =	strace $0x80000048  }
0xbc: {  	_ =	swait.ge [sflag:s29], $0x1  }
0xbd: {  	[sflag:s29] =	ssyncadd.s32 $0xFFFFFFFF  }
0xbe: {  	_ =	strace $0x90000048  }
0xbf: {  	_ =	sfence  }
0xc0: {  	s30 =	sld [smem:$0x0];
	_ =	sdelay $0x2  }
0xc1: {  	s31 =	sshll.u32 s1, $0xD;
	s1 =	sshrl.u32 s1, $0x2  }
0xc2: {  	s3 =	sand.u32 $0x4000, s31;
	s1 =	sadd.s32 s1, s30  }
0xc3: {  	s0 =	sor.u32 s3, s0;
	s1 =	sshll.u32 s1, $0x11  }
0xc4: {  	s0 =	sor.u32 s1, s0  }
0xc5: {  	s0 =	sadd.s32 $0x8F2B, s0  }
0xc6: {  	[sflag:s0] =	ssyncadd.remote.s32 $0x1  }
0xc7: {  	_ =	sfence.sel $0xFFFF  }
0xc8: {  	[dreg:$0x0] =	wrdreg $0xFFFFFFFF;
	(pc) =	sbr.abs _section_cstart, $3  }
0xc9: {  	[dreg:$0x1] =	wrdreg $0xFFFFFFFF  }
0xca: {  	_ =	task.clear_ibuf [dreg:s9], $0x2FFFF;
	_ =	strace $0x9FFFFFFF  }
0xcb: {  	(tm) =	ssettm $0x7FFFFFFF  }
tec
execute0_lowered:
.L_overlay_start_1:
0x0: {  	(tag) =	ssettag $0x1  }
0x1: {  	s1 =	rddreg [dreg:$0x0]  }
0x2: {  	s2 =	rddreg [dreg:$0x1]  }
0x3: {  	s0 =	rddreg [dreg:$0x2]  }
0x4: {  	s4 =	rddreg [dreg:$0x4]  }
0x5: {  	s3 =	srdreg.scid;
	s5 =	simm.s32 $0x0;
	s15 =	stileid.u32  }
0x6: {  	s28 =	simm.s32 $0x4;
	s29 =	simm.s32 $0x3;
	s31 =	simm.s32 $0x8  }
0x7: {  	s3 =	sand.u32 $0x1, s3;
	[smem:$0x7FF] =	sst s5;
	s7 =	sadd.s32 $0xE200, s0  }
0x8: {  	s8 =	sadd.s32 $0x4400, s0;
	s10 =	sadd.s32 $0x18000, s0;
	s12 =	smul.u32 $0x4E000, s15  }
0x9: {  	s18 =	sshll.u32 s15, $0x7;
	s11 =	sadd.s32 $0x18800, s0;
	s24 =	smul.u32 $0x13800, s15  }
0xa: {  	p0 =	sne.s32 s15, $0xF;
	_ =	strace $0x80000047;
	[dreg:$0x6] =	wrdreg s10  }
0xb: {  	s17 =	sshll.u32 s3, $0x4;
	[dreg:$0x7] =	wrdreg s11;
	s11 =	sadd.s32 $0x18E00, s0  }
0xc: {  	s10 =	sand.u32 $0x380, s18;
	s19 =	ssub.s32 $0x2, s3;
	s3 =	smul.u32 $0x138800, s3  }
0xd: {  	s5 =	sor.u32 s15, s17;
	s13 =	sshrl.u32 s19, $0x1;
	s20 =	sshrl.u32 s12, $0x2  }
0xe: {  	s15 =	simm.s32 $0x1;
	s9 =	sshrl.u32 s5, $0x3;
	s5 =	smul.u32 $0x2710, s5  }
0xf: {  	s16 =	sadd.s32 s20, s4;
	s6 =	sadd.s32 s24, s3;
	s3 =	sshrl.u32 s3, $0x3  }
0x10: {  	s9 =	smul.u32 $0x13C00, s9;
	s3 =	sadd.s32 s11, s3;
	s24 =	sadd.s32 $0xC000, s16  }
0x11: {  	[dreg:$0x8] =	wrdreg s16;
	s21 =	sshrl.u32 s5, $0x3;
	s18 =	sadd.s32 $0x90, s5  }
0x12: {  	s3 =	sadd.s32 $0x27000, s3;
	s9 =	sor.u32 s10, s9;
	[dreg:$0xf] =	wrdreg s18  }
0x13: {  	s22 =	sadd.s32 s7, s21;
	s23 =	sadd.s32 $0x6, s21;
	[dreg:$0x15] =	wrdreg s3  }
0x14: {  	s14 =	sadd.s32 s8, s21;
	s26 =	sadd.s32 $0xC, s21;
	[dreg:$0x9] =	wrdreg s22  }
0x15: {  	s20 =	sadd.s32 $0x4E0, s21;
	s9 =	sshrl.u32 s9, $0x3;
	[dreg:$0xa] =	wrdreg s14  }
0x16: {  	s25 =	sadd.s32 s7, s23;
	s12 =	sadd.s32 s8, s23;
	s30 =	sadd.s32 s7, s26  }
0x17: {  	s17 =	sadd.s32 s8, s26;
	s10 =	sadd.s32 s7, s20;
	[dreg:$0xb] =	wrdreg s25  }
0x18: {  	s22 =	sadd.s32 $0x4000, s16;
	s23 =	sadd.s32 $0x8000, s16;
	[dreg:$0xc] =	wrdreg s12  }
0x19: {  	s14 =	simm.s32 $0x2980;
	s0 =	sadd.s32 s9, s0;
	[dreg:$0xd] =	wrdreg s30  }
0x1a: {  	s9 =	ssub.s32 s19, s13;
	[dreg:$0xe] =	wrdreg s17;
	s12 =	sshrl.u32 s6, $0x3  }
0x1b: {  	s19 =	sadd.s32 $0xC0, s5;
	s5 =	sadd.s32 $0xF0, s5;
	[dreg:$0x13] =	wrdreg s10  }
0x1c: {  	v0 =	vimm.s32 $0xFEDCBA98;
	v1 =	vimm.s32 $0x76543210;
	s25 =	sadd.s32 $0x10000, s16;
	s30 =	sadd.s32 $0x138000, s4;
	[dreg:$0x11] =	wrdreg s19  }
0x1d: {  	v2 =	vimm.s32 $0xBA98FEDC;
	v3 =	vimm.s32 $0x32107654;
	s16 =	simm.s32 $0x30;
	s6 =	simm.s32 $0x5B00;
	[dreg:$0x12] =	wrdreg s5  }
0x1e: {  	v4 =	vimm.s32 $0xDCFE98BA;
	v5 =	vimm.s32 $0x54761032;
	v6 =	vimm.s32 $0xEFCDAB89;
	s10 =	simm.s32 $0x0;
	s12 =	sadd.s32 s11, s12;
	[dreg:$0x1c] =	wrdreg s30  }
0x1f: {  	v7 =	vimm.s32 $0x67452301;
	v0 =	vunpack.c.l.s4.s8 v0;
	v1 =	vunpack.c.l.s4.s8 v1;
	s5 =	sadd.s32 s8, s20;
	s0 =	sadd.s32 $0x67000, s0;
	[dreg:$0x10] =	wrdreg s12  }
0x20: {  	v2 =	vunpack.c.l.s4.s8 v2;
	v3 =	vunpack.c.l.s4.s8 v3;
	v4 =	vunpack.c.l.s4.s8 v4;
	s21 =	smax.u32 s9, $0x1;
	s26 =	sshrl.u32 s25, $0x3;
	[dreg:$0x14] =	wrdreg s5  }
0x21: {  	v5 =	vunpack.c.l.s4.s8 v5;
	v6 =	vunpack.c.l.s4.s8 v6;
	v7 =	vunpack.c.l.s4.s8 v7;
	s19 =	simm.s32 $0xA;
	s11 =	simm.s32 $0x7;
	[dreg:$0x16] =	wrdreg s0  }
0x22: {  	v0 =	vunpack.c.0.s8.s32 v0;
	v1 =	vunpack.c.0.s8.s32 v1;
	v2 =	vunpack.c.0.s8.s32 v2;
	s9 =	simm.s32 $0x6;
	[dreg:$0x17] =	wrdreg s21;
	s0 =	sshrl.u32 s22, $0x3  }
0x23: {  	v3 =	vunpack.c.0.s8.s32 v3;
	v4 =	vunpack.c.0.s8.s32 v4;
	v5 =	vunpack.c.0.s8.s32 v5;
	[dreg:$0x1b] =	wrdreg s26;
	s5 =	simm.s32 $0x80;
	s12 =	simm.s32 $0x2880  }
0x24: {  	v6 =	vunpack.c.0.s8.s32 v6;
	v7 =	vunpack.c.0.s8.s32 v7;
	v0 =	vand.u32 $0xF, v0;
	s22 =	simm.s32 $0x2;
	[dreg:$0x18] =	wrdreg s0;
	s0 =	sshrl.u32 s23, $0x3  }
0x25: {  	v0 =	vcombine.low v0, v1;
	v1 =	vcombine.low v3, v2;
	s26 =	simm.s32 $0x2A80;
	[dreg:$0x19] =	wrdreg s0;
	s0 =	sshrl.u32 s24, $0x3  }
0x26: {  	v2 =	vcombine.low v5, v4;
	v3 =	vcombine.low v7, v6;
	v4 =	vlaneseq.u32;
	s23 =	simm.s32 $0x2800;
	[dreg:$0x1a] =	wrdreg s0;
	s0 =	simm.s32 $0x5  }
.LBB2_1:
0x27: {  	[dreg:$0x1d] =	wrdreg s10  }
0x28: {  	s3 =	rddreg [dreg:$0x3];
	s17 =	simm.s32 $0x0  }
0x29: {  	[tilespmem:s17], [sflag:$0xA] =	stream.linear.gather [hbm4b:s3+s17], $0x80, $0x38;
	[tilespmem:$0x1F380] =	vst v63  }
0x2a: {  	_ =	swait.ge [sflag:s19], $0x80  }
0x2b: {  	[sflag:s19] =	ssyncset.done $0x0  }
0x2c: {  	s18 =	stileid.u32;
	s13 =	rddreg [dreg:$0x7];
	[sflag:s19] =	ssyncadd.s32 $0xFFFFFF80  }
0x2d: {  	[tilespmem:s5], [sflag:$0xA] =	stream.linear.gather [hbm4b:s13+s17], $0x2780, $0x38;
	[tilespmem:$0x1F380] =	vst v63  }
0x2e: {  	s3 =	sshll.u32 s18, $0x6;
	_ =	swait.ge [sflag:s19], $0x2780  }
0x2f: {  	s13 =	sor.u32 $0x1C0A, s3;
	s20 =	rddreg [dreg:$0x8]  }
0x30: {  	[sflag:s19] =	ssyncset.done $0x0;
	s3 =	rddreg [dreg:$0x6];
	s21 =	sshrl.u32 s20, $0x3  }
0x31: {  	[sflag:s19] =	ssyncadd.s32 $0xFFFFD880;
	[dreg:$0x1f] =	wrdreg s21  }
0x32: {  	[spmem:s21], [sflag:s13] =	dma.local [hbm:s3], $0x800  }
0x33: {  	_ =	swait.ge [sflag:s19], $0x800  }
0x34: {  	[sflag:s19] =	ssyncset.done $0x0  }
0x35: {  	s24 =	rddreg [dreg:$0x18];
	[sflag:s19] =	ssyncadd.s32 $0xFFFFF800  }
0x36: {  	[spmem:s24], [sflag:s13] =	dma.local [hbm:s3], $0x800  }
0x37: {  	_ =	swait.ge [sflag:s19], $0x800  }
0x38: {  	[sflag:s19] =	ssyncset.done $0x0  }
0x39: {  	s25 =	rddreg [dreg:$0x19];
	[sflag:s19] =	ssyncadd.s32 $0xFFFFF800  }
0x3a: {  	[spmem:s25], [sflag:s13] =	dma.local [hbm:s3], $0x800  }
0x3b: {  	_ =	swait.ge [sflag:s19], $0x800  }
0x3c: {  	[sflag:s19] =	ssyncset.done $0x0  }
0x3d: {  	s30 =	rddreg [dreg:$0x1a];
	[sflag:s19] =	ssyncadd.s32 $0xFFFFF800  }
0x3e: {  	[spmem:s30], [sflag:s13] =	dma.local [hbm:s3], $0x800  }
0x3f: {  	_ =	swait.ge [sflag:s19], $0x800  }
0x40: {  	[sflag:s19] =	ssyncset.done $0x0  }
0x41: {  	s18 =	rddreg [dreg:$0x1b];
	[sflag:s19] =	ssyncadd.s32 $0xFFFFF800  }
0x42: {  	[spmem:s18], [sflag:s13] =	dma.local [hbm:s3], $0x700  }
0x43: {  	_ =	swait.ge [sflag:s19], $0x700  }
0x44: {  	s10 =	rddreg [dreg:$0x1c]  }
0x45: {  	[dreg:$0x1e] =	wrdreg s13;
	[sflag:s19] =	ssyncset.done $0x0;
	s10 =	sshrl.u32 @!p0 s10, $0x3  }
0x46: {  	[sflag:s19] =	ssyncadd.s32 $0xFFFFF900;
	[smem:$0x7FD] =	sst s10  }
0x47: {  	[spmem:s10], [sflag:s13] =	dma.local @!p0 [hbm:s3], $0x100  }
0x48: {  	s3 =	simm.s32 @!p0 $0xA  }
0x49: {  	_ =	swait.ge @!p0 [sflag:s3], $0x100  }
0x4a: {  	[sflag:s3] =	ssyncset.done @!p0 $0x0  }
0x4b: {  	[sflag:s3] =	ssyncadd.s32 @!p0 $0xFFFFFF00  }
0x4c: {  	[bflag:$0x0] =	sbarrier.arrive $0xFFFF  }
0x4d: {  	v5 =	vld [tilespmem:$0x0]  }
0x4e: {  	v6 =	vld [tilespmem:$0x10]  }
0x4f: {  	v7 =	vld [tilespmem:$0x20]  }
0x50: {  	v8 =	vld [tilespmem:$0x30]  }
0x51: {  	v9 =	vld [tilespmem:$0x40]  }
0x52: {  	v10 =	vld [tilespmem:$0x50]  }
0x53: {  	s21 =	simm.s32 $0x2800;
	v11 =	vld [tilespmem:$0x60];
	s20 =	rddreg [dreg:$0x9]  }
0x54: {  	v12 =	vld [tilespmem:$0x70];
	[tilespmem:s21], [sflag:$0x1] =	stream.linear.gather [hbm4b:s20+s17], $0x30, $0x38  }
0x55: {  	s24 =	rddreg [dreg:$0xa]  }
0x56: {  	[tilespmem:s12], [sflag:$0x1] =	stream.linear.gather [hbm4b:s24+s17], $0x30, $0x38;
	[tilespmem:$0x1F380] =	vst v63  }
0x57: {  	s30 =	simm.s32 $0x2900;
	s25 =	rddreg [dreg:$0xb]  }
0x58: {  	[tilespmem:s30], [sflag:$0x2] =	stream.linear.gather [hbm4b:s25+s17], $0x30, $0x38;
	[tilespmem:$0x1F380] =	vst v63  }
0x59: {  	s18 =	rddreg [dreg:$0xc]  }
0x5a: {  	[tilespmem:s14], [sflag:$0x2] =	stream.linear.gather [hbm4b:s18+s17], $0x30, $0x38;
	[tilespmem:$0x1F380] =	vst v63  }
0x5b: {  	_ =	swait.ge [sflag:s15], $0x30  }
0x5c: {  	[sflag:s15] =	ssyncset.done $0x0  }
0x5d: {  	[sflag:s15] =	ssyncadd.s32 $0xFFFFFFD0  }
0x5e: {  	_ =	swait.ge [sflag:s15], $0x30  }
0x5f: {  	[sflag:s15] =	ssyncset.done $0x0  }
0x60: {  	s19 =	simm.s32 $0x2B00;
	[sflag:s15] =	ssyncadd.s32 $0xFFFFFFD0  }
0x61: {  	[tilespmem:s19], [sflag:$0x4] =	stream.indirect.gather [hbm4b:s1+s16], $0x80, s21, s16, $0xb8;
	[tilespmem:$0x1F380] =	vst v63  }
0x62: {  	s20 =	simm.s32 $0x4300  }
0x63: {  	[tilespmem:s20], [sflag:$0x4] =	stream.indirect.gather [hbm4b:s2+s16], $0x80, s12, s16, $0xb8;
	[tilespmem:$0x1F380] =	vst v63  }
0x64: {  	_ =	swait.ge [sflag:s22], $0x30  }
0x65: {  	[sflag:s22] =	ssyncset.done $0x0  }
0x66: {  	[sflag:s22] =	ssyncadd.s32 $0xFFFFFFD0  }
0x67: {  	_ =	swait.ge [sflag:s22], $0x30  }
0x68: {  	[sflag:s22] =	ssyncset.done $0x0  }
0x69: {  	[sflag:s22] =	ssyncadd.s32 $0xFFFFFFD0  }
0x6a: {  	[tilespmem:s6], [sflag:$0x5] =	stream.indirect.gather [hbm4b:s1+s16], $0x80, s30, s16, $0xb8;
	[tilespmem:$0x1F380] =	vst v63  }
0x6b: {  	s21 =	simm.s32 $0x7300  }
0x6c: {  	[tilespmem:s21], [sflag:$0x5] =	stream.indirect.gather [hbm4b:s2+s16], $0x80, s14, s16, $0xb8;
	[tilespmem:$0x1F380] =	vst v63  }
0x6d: {  	s25 =	simm.s32 $0x2A00;
	s24 =	rddreg [dreg:$0xd]  }
0x6e: {  	[tilespmem:s25], [sflag:$0x3] =	stream.linear.gather [hbm4b:s24+s17], $0x30, $0x38;
	[tilespmem:$0x1F380] =	vst v63  }
0x6f: {  	s3 =	simm.s32 $0x0;
	s30 =	rddreg [dreg:$0xe]  }
0x70: {  	[tilespmem:s26], [sflag:$0x3] =	stream.linear.gather [hbm4b:s30+s17], $0x30, $0x38;
	[tilespmem:$0x1F380] =	vst v63  }
.LBB2_2:
0x71: {  	_ =	swait.ge [sflag:s28], $0x1800  }
0x72: {  	[sflag:s28] =	ssyncset.done $0x0  }
0x73: {  	[sflag:s28] =	ssyncadd.s32 $0xFFFFE800  }
0x74: {  	s6 =	simm.s32 $0x5B00;
	_ =	swait.ge [sflag:s28], $0x1800  }
0x75: {  	s19 =	simm.s32 $0x0;
	s24 =	simm.s32 $0x2B40;
	[sflag:s28] =	ssyncset.done $0x0  }
0x76: {  	s13 =	simm.s32 $0x4340;
	s21 =	simm.s32 $0x0;
	[sflag:s28] =	ssyncadd.s32 $0xFFFFE800  }
.LBB2_3:
0x77: {  	v16 =	vld [tilespmem:s24+$0xFFFFFFC0]  }
0x78: {  	v15 =	vld [tilespmem:s13+$0xFFFFFFC0]  }
0x79: {  	v17 =	vld [tilespmem:s13+$0xFFFFFFD0]  }
0x7a: {  	v13 =	vld [tilespmem:s24+$0xFFFFFFD0]  }
0x7b: {  	v19 =	vld [tilespmem:s24+$0xFFFFFFE0]  }
0x7c: {  	v18 =	vld [tilespmem:s13+$0xFFFFFFE0]  }
0x7d: {  	v14 =	vld [tilespmem:s24+$0xFFFFFFF0];
	v20 =	vadd.f32 v15, v16  }
0x7e: {  	v21 =	vld [tilespmem:s13+$0xFFFFFFF0]  }
0x7f: {  	v23 =	vld [tilespmem:s13+$0x0];
	v17 =	vadd.f32 v17, v13;
	v22 =	vmul.f32 $2.000000030e-01, v20  }
0x80: {  	v15 =	vld [tilespmem:s24+$0x0]  }
0x81: {  	v24 =	vld [tilespmem:s24+$0x10];
	v25 =	vadd.f32 v18, v19;
	v20 =	vmax.f32 v20, v22;
	v22 =	vmul.f32 $2.000000030e-01, v17  }
0x82: {  	v26 =	vld [tilespmem:s13+$0x10];
	v20 =	vmul.f32 v20, v5  }
0x83: {  	v27 =	vld [tilespmem:s13+$0x20];
	v21 =	vadd.f32 v21, v14;
	v17 =	vmax.f32 v17, v22;
	v22 =	vmul.f32 $2.000000030e-01, v25  }
0x84: {  	v18 =	vld [tilespmem:s24+$0x20];
	v20 =	vadd.f32 $0.0e+00, v20;
	v17 =	vmul.f32 v17, v6  }
0x85: {  	v28 =	vld [tilespmem:s24+$0x30];
	v61 =	vmul.f32 $2.000000030e-01, v21;
	v23 =	vadd.f32 v23, v15;
	v22 =	vmax.f32 v25, v22  }
0x86: {  	v17 =	vadd.f32 v17, v20;
	v20 =	vmul.f32 v22, v7;
	v22 =	vld [tilespmem:s13+$0x30]  }
0x87: {  	v26 =	vadd.f32 v26, v24;
	v21 =	vmax.f32 v21, v61;
	v62 =	vmul.f32 $2.000000030e-01, v23  }
0x88: {  	v17 =	vadd.f32 v20, v17;
	v20 =	vmul.f32 v21, v8  }
0x89: {  	v63 =	vadd.f32 v27, v18;
	v21 =	vmax.f32 v23, v62;
	v23 =	vmul.f32 $2.000000030e-01, v26  }
0x8a: {  	v17 =	vadd.f32 v20, v17;
	v20 =	vmul.f32 v21, v9  }
0x8b: {  	v21 =	vmax.f32 v26, v23;
	v23 =	vmul.f32 $2.000000030e-01, v63;
	v22 =	vadd.f32 v22, v28  }
0x8c: {  	v17 =	vadd.f32 v20, v17;
	v20 =	vmul.f32 v21, v10  }
0x8d: {  	v21 =	vmax.f32 v63, v23;
	v23 =	vmul.f32 $2.000000030e-01, v22  }
0x8e: {  	v17 =	vadd.f32 v20, v17;
	v20 =	vmul.f32 v21, v11  }
0x8f: {  	v21 =	vmax.f32 v22, v23  }
0x90: {  	v17 =	vadd.f32 v20, v17;
	v20 =	vmul.f32 v21, v12;
	_ =	sdelay $0x1  }
0x91: {  	v17 =	vadd.f32 v20, v17;
	_ =	sdelay $0x1  }
0x92: {  	v20 =	vperm.xlane v17, v0;
	_ =	sdelay $0x1  }
0x93: {  	v17 =	vadd.f32 v17, v20;
	_ =	sdelay $0x1  }
0x94: {  	v20 =	vperm.xlane v17, v1;
	_ =	sdelay $0x1  }
0x95: {  	v17 =	vadd.f32 v17, v20;
	_ =	sdelay $0x1  }
0x96: {  	v20 =	vperm.xlane v17, v2;
	_ =	sdelay $0x1  }
0x97: {  	v17 =	vadd.f32 v17, v20;
	_ =	sdelay $0x1  }
0x98: {  	v20 =	vperm.xlane v17, v3;
	_ =	sdelay $0x1  }
0x99: {  	v17 =	vadd.f32 v17, v20;
	_ =	sdelay $0x1  }
0x9a: {  	v17 =	vmul.f32 $1.442695020e+00, v17;
	_ =	sdelay $0x1  }
0x9b: {  	(erf) = vpow2.f32 v17;
	_ =	sdelay $0x7  }
0x9c: {  	v21 =	vmov s19  }
0x9d: {  	vm0 =	veq.s32 v21, v4;
	v20 =	vpop (erf)  }
0x9e: {  	s10 =	sshll.u32 s21, $0x4;
	s20 =	simm.s32 $0x1;
	v17 =	vimm.f32 $0.0e+00;
	v21 =	vmul.f32 v20, v16;
	v23 =	vmul.f32 v20, v28  }
0x9f: {  	s18 =	smov.u32 s24;
	s25 =	smov.u32 s24;
	s30 =	smov.u32 s13;
	v16 =	vld [tilespmem:s10+$0x2880];
	v17 =	vsel vm0, v20, v17;
	v19 =	vmul.f32 v20, v19;
	v22 =	vmul.f32 v20, v24  }
.LBB2_4:
0xa0: {  	p1 =	sne.s32 s20, $0xF;
	v13 =	vmul.f32 v20, v13;
	v18 =	vmul.f32 v20, v18;
	[tilespmem:s18+$0x30] =	vst v23;
	s25 =	sadd.s32 $0x80, s25;
	s30 =	sadd.s32 $0x80, s30  }
0xa1: {  	v14 =	vmul.f32 v20, v14;
	v15 =	vmul.f32 v20, v15;
	s10 =	smov.u32 s20;
	s20 =	sadd.s32 $0x1, s20;
	[tilespmem:s18+$0xFFFFFFC0] =	vst v21  }
0xa2: {  	[tilespmem:s18+$0x10] =	vst v22  }
0xa3: {  	[tilespmem:s18+$0xFFFFFFE0] =	vst v19  }
0xa4: {  	[tilespmem:s18+$0xFFFFFFF0] =	vst v14  }
0xa5: {  	[tilespmem:s18+$0x0] =	vst v15  }
0xa6: {  	[tilespmem:s18+$0x20] =	vst v18  }
0xa7: {  	v19 =	vld [tilespmem:s25+$0xFFFFFFC0];
	[tilespmem:s18+$0xFFFFFFD0] =	vst v13;
	s18 =	smov.u32 s25  }
0xa8: {  	v15 =	vld [tilespmem:s30+$0xFFFFFFC0]  }
0xa9: {  	v18 =	vld [tilespmem:s30+$0xFFFFFFD0]  }
0xaa: {  	v13 =	vld [tilespmem:s25+$0xFFFFFFD0]  }
0xab: {  	v22 =	vld [tilespmem:s25+$0xFFFFFFE0]  }
0xac: {  	v20 =	vld [tilespmem:s30+$0xFFFFFFE0]  }
0xad: {  	v14 =	vld [tilespmem:s25+$0xFFFFFFF0];
	v21 =	vadd.f32 v15, v19  }
0xae: {  	v23 =	vld [tilespmem:s30+$0xFFFFFFF0]  }
0xaf: {  	v15 =	vld [tilespmem:s25+$0x0];
	v24 =	vmul.f32 $2.000000030e-01, v21;
	v25 =	vadd.f32 v18, v13  }
0xb0: {  	v26 =	vld [tilespmem:s30+$0x0]  }
0xb1: {  	v27 =	vld [tilespmem:s25+$0x10];
	v18 =	vmax.f32 v21, v24;
	v21 =	vmul.f32 $2.000000030e-01, v25;
	v20 =	vadd.f32 v20, v22  }
0xb2: {  	v24 =	vmul.f32 v18, v5;
	v28 =	vld [tilespmem:s30+$0x10]  }
0xb3: {  	v18 =	vld [tilespmem:s25+$0x20];
	v21 =	vmax.f32 v25, v21;
	v25 =	vmul.f32 $2.000000030e-01, v20;
	v23 =	vadd.f32 v23, v14  }
0xb4: {  	v24 =	vadd.f32 $0.0e+00, v24;
	v21 =	vmul.f32 v21, v6;
	v29 =	vld [tilespmem:s30+$0x20]  }
0xb5: {  	v30 =	vld [tilespmem:s25+$0x30];
	v20 =	vmax.f32 v20, v25;
	v25 =	vmul.f32 $2.000000030e-01, v23;
	v26 =	vadd.f32 v26, v15  }
0xb6: {  	v21 =	vadd.f32 v21, v24;
	v20 =	vmul.f32 v20, v7;
	v24 =	vld [tilespmem:s30+$0x30]  }
0xb7: {  	v23 =	vmax.f32 v23, v25;
	v25 =	vmul.f32 $2.000000030e-01, v26;
	v28 =	vadd.f32 v28, v27  }
0xb8: {  	v20 =	vadd.f32 v20, v21;
	v21 =	vmul.f32 v23, v8  }
0xb9: {  	v23 =	vmax.f32 v26, v25;
	v25 =	vmul.f32 $2.000000030e-01, v28;
	v26 =	vadd.f32 v29, v18  }
0xba: {  	v20 =	vadd.f32 v21, v20;
	v21 =	vmul.f32 v23, v9  }
0xbb: {  	v23 =	vmax.f32 v28, v25;
	v25 =	vmul.f32 $2.000000030e-01, v26;
	v24 =	vadd.f32 v24, v30  }
0xbc: {  	v20 =	vadd.f32 v21, v20;
	v21 =	vmul.f32 v23, v10  }
0xbd: {  	v23 =	vmax.f32 v26, v25;
	v25 =	vmul.f32 $2.000000030e-01, v24  }
0xbe: {  	v20 =	vadd.f32 v21, v20;
	v21 =	vmul.f32 v23, v11  }
0xbf: {  	v23 =	vmax.f32 v24, v25  }
0xc0: {  	v20 =	vadd.f32 v21, v20;
	v21 =	vmul.f32 v23, v12;
	_ =	sdelay $0x1  }
0xc1: {  	v20 =	vadd.f32 v21, v20;
	_ =	sdelay $0x1  }
0xc2: {  	v21 =	vperm.xlane v20, v0;
	_ =	sdelay $0x1  }
0xc3: {  	v20 =	vadd.f32 v20, v21;
	_ =	sdelay $0x1  }
0xc4: {  	v21 =	vperm.xlane v20, v1;
	_ =	sdelay $0x1  }
0xc5: {  	v20 =	vadd.f32 v20, v21;
	_ =	sdelay $0x1  }
0xc6: {  	v21 =	vperm.xlane v20, v2;
	_ =	sdelay $0x1  }
0xc7: {  	v20 =	vadd.f32 v20, v21;
	_ =	sdelay $0x1  }
0xc8: {  	v21 =	vperm.xlane v20, v3;
	_ =	sdelay $0x1  }
0xc9: {  	v20 =	vadd.f32 v20, v21;
	_ =	sdelay $0x1  }
0xca: {  	v20 =	vmul.f32 $1.442695020e+00, v20;
	_ =	sdelay $0x1  }
0xcb: {  	(erf) = vpow2.f32 v20;
	_ =	sdelay $0x6  }
.Ltmp0:
0xcc: {  	(pc) =	sbr.rel @p1 .LBB2_4-.Ltmp0, $4  }
0xcd: {  	v21 =	vmov s10  }
0xce: {  	vm0 =	veq.s32 v21, v4;
	v20 =	vpop (erf)  }
0xcf: {  	v17 =	vsel vm0, v20, v17;
	v21 =	vmul.f32 v20, v19;
	v23 =	vmul.f32 v20, v30  }
0xd0: {  	v19 =	vmul.f32 v20, v22;
	v22 =	vmul.f32 v20, v27  }
0xd1: {  	[tilespmem:s18+$0x30] =	vst v23  }
0xd2: {  	[tilespmem:s18+$0xFFFFFFC0] =	vst v21  }
0xd3: {  	v14 =	vmul.f32 v20, v14;
	s21 =	sadd.s32 $0x1, s21;
	[tilespmem:s18+$0x10] =	vst v22  }
0xd4: {  	v15 =	vmul.f32 v20, v15;
	[tilespmem:s18+$0xFFFFFFE0] =	vst v19;
	p1 =	sne.s32 s21, $0x3  }
.Ltmp1:
0xd5: {  	v18 =	vmul.f32 v20, v18;
	[tilespmem:s18+$0xFFFFFFF0] =	vst v14;
	(pc) =	sbr.rel @p1 .LBB2_3-.Ltmp1, $4  }
0xd6: {  	v13 =	vmul.f32 v20, v13;
	[tilespmem:s18+$0x0] =	vst v15  }
0xd7: {  	[tilespmem:s18+$0x20] =	vst v18  }
0xd8: {  	[tilespmem:s18+$0xFFFFFFD0] =	vst v13  }
0xd9: {  	s24 =	sadd.s32 $0x800, s24;
	s13 =	sadd.s32 $0x800, s13;
	[tilespmem:v16+s5+$0x0] =	vst.idx.add.f32.msk $0xffff, v17  }
0xda: {  	s10 =	simm.s32 $0x2B00;
	p1 =	seq.s32 s3, $0x0  }
0xdb: {  	[spmem:s4] =	stream.indirect.scatter.add.f32 [tilespmem:s10], [sflag:$0x7], $0x80, s12, s16, $0xb8;
	[tilespmem:$0x1F380] =	vst v63  }
0xdc: {  	s10 =	simm.s32 @!p1 $0x9  }
0xdd: {  	_ =	swait.ge @!p1 [sflag:s10], $0x1800  }
0xde: {  	[sflag:s10] =	ssyncset.done @!p1 $0x0  }
0xdf: {  	[sflag:s10] =	ssyncadd.s32 @!p1 $0xFFFFE800  }
0xe0: {  	_ =	swait.ge [sflag:s29], $0x30  }
0xe1: {  	[sflag:s29] =	ssyncset.done $0x0  }
0xe2: {  	[sflag:s29] =	ssyncadd.s32 $0xFFFFFFD0  }
0xe3: {  	s19 =	smul.u32 $0x90, s3;
	_ =	swait.ge [sflag:s29], $0x30  }
0xe4: {  	s20 =	simm.s32 $0x2A00;
	[sflag:s29] =	ssyncset.done $0x0;
	s24 =	rddreg [dreg:$0xf]  }
0xe5: {  	s13 =	simm.s32 $0x8B00;
	[sflag:s29] =	ssyncadd.s32 $0xFFFFFFD0;
	s10 =	sadd.s32 s19, s24  }
0xe6: {  	[tilespmem:s13], [sflag:$0x6] =	stream.indirect.gather [hbm4b:s1+s16], $0x80, s20, s16, $0xb8;
	[tilespmem:$0x1F380] =	vst v63  }
0xe7: {  	s21 =	simm.s32 $0xA300;
	s10 =	sshrl.u32 s10, $0x3  }
0xe8: {  	[tilespmem:s21], [sflag:$0x6] =	stream.indirect.gather [hbm4b:s2+s16], $0x80, s26, s16, $0xb8;
	[tilespmem:$0x1F380] =	vst v63  }
0xe9: {  	s24 =	simm.s32 $0x0;
	s25 =	sadd.s32 s7, s10  }
0xea: {  	[tilespmem:s23], [sflag:$0x1] =	stream.linear.gather [hbm4b:s25+s24], $0x30, $0x38;
	[tilespmem:$0x1F380] =	vst v63  }
0xeb: {  	s10 =	sadd.s32 s8, s10  }
0xec: {  	[tilespmem:s12], [sflag:$0x1] =	stream.linear.gather [hbm4b:s10+s24], $0x30, $0x38;
	[tilespmem:$0x1F380] =	vst v63  }
0xed: {  	_ =	swait.ge [sflag:s0], $0x1800  }
0xee: {  	[sflag:s0] =	ssyncset.done $0x0  }
0xef: {  	[sflag:s0] =	ssyncadd.s32 $0xFFFFE800  }
0xf0: {  	_ =	swait.ge [sflag:s0], $0x1800  }
0xf1: {  	s30 =	simm.s32 $0x5B40;
	[sflag:s0] =	ssyncset.done $0x0  }
0xf2: {  	s18 =	simm.s32 $0x0;
	s10 =	simm.s32 $0x7340;
	[sflag:s0] =	ssyncadd.s32 $0xFFFFE800  }
.LBB2_7:
0xf3: {  	v16 =	vld [tilespmem:s30+$0xFFFFFFC0]  }
0xf4: {  	v15 =	vld [tilespmem:s10+$0xFFFFFFC0]  }
0xf5: {  	v17 =	vld [tilespmem:s10+$0xFFFFFFD0]  }
0xf6: {  	v13 =	vld [tilespmem:s30+$0xFFFFFFD0]  }
0xf7: {  	v19 =	vld [tilespmem:s30+$0xFFFFFFE0]  }
0xf8: {  	v18 =	vld [tilespmem:s10+$0xFFFFFFE0]  }
0xf9: {  	v14 =	vld [tilespmem:s30+$0xFFFFFFF0];
	v20 =	vadd.f32 v15, v16  }
0xfa: {  	v21 =	vld [tilespmem:s10+$0xFFFFFFF0]  }
0xfb: {  	v23 =	vld [tilespmem:s10+$0x0];
	v17 =	vadd.f32 v17, v13;
	v22 =	vmul.f32 $2.000000030e-01, v20  }
0xfc: {  	v15 =	vld [tilespmem:s30+$0x0]  }
0xfd: {  	v24 =	vld [tilespmem:s30+$0x10];
	v25 =	vadd.f32 v18, v19;
	v20 =	vmax.f32 v20, v22;
	v22 =	vmul.f32 $2.000000030e-01, v17  }
0xfe: {  	v26 =	vld [tilespmem:s10+$0x10];
	v20 =	vmul.f32 v20, v5  }
0xff: {  	v27 =	vld [tilespmem:s10+$0x20];
	v21 =	vadd.f32 v21, v14;
	v17 =	vmax.f32 v17, v22;
	v22 =	vmul.f32 $2.000000030e-01, v25  }
0x100: {  	v18 =	vld [tilespmem:s30+$0x20];
	v20 =	vadd.f32 $0.0e+00, v20;
	v17 =	vmul.f32 v17, v6  }
0x101: {  	v28 =	vld [tilespmem:s30+$0x30];
	v61 =	vmul.f32 $2.000000030e-01, v21;
	v23 =	vadd.f32 v23, v15;
	v22 =	vmax.f32 v25, v22  }
0x102: {  	v17 =	vadd.f32 v17, v20;
	v20 =	vmul.f32 v22, v7;
	v22 =	vld [tilespmem:s10+$0x30]  }
0x103: {  	v26 =	vadd.f32 v26, v24;
	v21 =	vmax.f32 v21, v61;
	v62 =	vmul.f32 $2.000000030e-01, v23  }
0x104: {  	v17 =	vadd.f32 v20, v17;
	v20 =	vmul.f32 v21, v8  }
0x105: {  	v63 =	vadd.f32 v27, v18;
	v21 =	vmax.f32 v23, v62;
	v23 =	vmul.f32 $2.000000030e-01, v26  }
0x106: {  	v17 =	vadd.f32 v20, v17;
	v20 =	vmul.f32 v21, v9  }
0x107: {  	v21 =	vmax.f32 v26, v23;
	v23 =	vmul.f32 $2.000000030e-01, v63;
	v22 =	vadd.f32 v22, v28  }
0x108: {  	v17 =	vadd.f32 v20, v17;
	v20 =	vmul.f32 v21, v10  }
0x109: {  	v21 =	vmax.f32 v63, v23;
	v23 =	vmul.f32 $2.000000030e-01, v22  }
0x10a: {  	v17 =	vadd.f32 v20, v17;
	v20 =	vmul.f32 v21, v11  }
0x10b: {  	v21 =	vmax.f32 v22, v23  }
0x10c: {  	v17 =	vadd.f32 v20, v17;
	v20 =	vmul.f32 v21, v12;
	_ =	sdelay $0x1  }
0x10d: {  	v17 =	vadd.f32 v20, v17;
	_ =	sdelay $0x1  }
0x10e: {  	v20 =	vperm.xlane v17, v0;
	_ =	sdelay $0x1  }
0x10f: {  	v17 =	vadd.f32 v17, v20;
	_ =	sdelay $0x1  }
0x110: {  	v20 =	vperm.xlane v17, v1;
	_ =	sdelay $0x1  }
0x111: {  	v17 =	vadd.f32 v17, v20;
	_ =	sdelay $0x1  }
0x112: {  	v20 =	vperm.xlane v17, v2;
	_ =	sdelay $0x1  }
0x113: {  	v17 =	vadd.f32 v17, v20;
	_ =	sdelay $0x1  }
0x114: {  	v20 =	vperm.xlane v17, v3;
	_ =	sdelay $0x1  }
0x115: {  	v17 =	vadd.f32 v17, v20;
	_ =	sdelay $0x1  }
0x116: {  	v17 =	vmul.f32 $1.442695020e+00, v17;
	_ =	sdelay $0x1  }
0x117: {  	(erf) = vpow2.f32 v17;
	_ =	sdelay $0x7  }
0x118: {  	v21 =	vmov s24  }
0x119: {  	vm0 =	veq.s32 v21, v4;
	v20 =	vpop (erf)  }
0x11a: {  	s13 =	sshll.u32 s18, $0x4;
	s25 =	simm.s32 $0x1;
	v17 =	vimm.f32 $0.0e+00;
	v21 =	vmul.f32 v20, v16;
	v23 =	vmul.f32 v20, v28  }
0x11b: {  	s20 =	smov.u32 s30;
	s21 =	smov.u32 s10;
	v16 =	vld [tilespmem:s13+$0x2980];
	v17 =	vsel vm0, v20, v17;
	v19 =	vmul.f32 v20, v19;
	v22 =	vmul.f32 v20, v24;
	s13 =	smov.u32 s30  }
.LBB2_8:
0x11c: {  	p1 =	sne.s32 s25, $0xF;
	v13 =	vmul.f32 v20, v13;
	v18 =	vmul.f32 v20, v18;
	[tilespmem:s13+$0x30] =	vst v23;
	s20 =	sadd.s32 $0x80, s20;
	s21 =	sadd.s32 $0x80, s21  }
0x11d: {  	v14 =	vmul.f32 v20, v14;
	v15 =	vmul.f32 v20, v15;
	s17 =	smov.u32 s25;
	s25 =	sadd.s32 $0x1, s25;
	[tilespmem:s13+$0xFFFFFFC0] =	vst v21  }
0x11e: {  	[tilespmem:s13+$0x10] =	vst v22  }
0x11f: {  	[tilespmem:s13+$0xFFFFFFE0] =	vst v19  }
0x120: {  	[tilespmem:s13+$0xFFFFFFF0] =	vst v14  }
0x121: {  	[tilespmem:s13+$0x0] =	vst v15  }
0x122: {  	[tilespmem:s13+$0x20] =	vst v18  }
0x123: {  	v19 =	vld [tilespmem:s20+$0xFFFFFFC0];
	[tilespmem:s13+$0xFFFFFFD0] =	vst v13;
	s13 =	smov.u32 s20  }
0x124: {  	v15 =	vld [tilespmem:s21+$0xFFFFFFC0]  }
0x125: {  	v18 =	vld [tilespmem:s21+$0xFFFFFFD0]  }
0x126: {  	v13 =	vld [tilespmem:s20+$0xFFFFFFD0]  }
0x127: {  	v22 =	vld [tilespmem:s20+$0xFFFFFFE0]  }
0x128: {  	v20 =	vld [tilespmem:s21+$0xFFFFFFE0]  }
0x129: {  	v14 =	vld [tilespmem:s20+$0xFFFFFFF0];
	v21 =	vadd.f32 v15, v19  }
0x12a: {  	v23 =	vld [tilespmem:s21+$0xFFFFFFF0]  }
0x12b: {  	v15 =	vld [tilespmem:s20+$0x0];
	v24 =	vmul.f32 $2.000000030e-01, v21;
	v25 =	vadd.f32 v18, v13  }
0x12c: {  	v26 =	vld [tilespmem:s21+$0x0]  }
0x12d: {  	v27 =	vld [tilespmem:s20+$0x10];
	v18 =	vmax.f32 v21, v24;
	v21 =	vmul.f32 $2.000000030e-01, v25;
	v20 =	vadd.f32 v20, v22  }
0x12e: {  	v24 =	vmul.f32 v18, v5;
	v28 =	vld [tilespmem:s21+$0x10]  }
0x12f: {  	v18 =	vld [tilespmem:s20+$0x20];
	v21 =	vmax.f32 v25, v21;
	v25 =	vmul.f32 $2.000000030e-01, v20;
	v23 =	vadd.f32 v23, v14  }
0x130: {  	v24 =	vadd.f32 $0.0e+00, v24;
	v21 =	vmul.f32 v21, v6;
	v29 =	vld [tilespmem:s21+$0x20]  }
0x131: {  	v30 =	vld [tilespmem:s20+$0x30];
	v20 =	vmax.f32 v20, v25;
	v25 =	vmul.f32 $2.000000030e-01, v23;
	v26 =	vadd.f32 v26, v15  }
0x132: {  	v21 =	vadd.f32 v21, v24;
	v20 =	vmul.f32 v20, v7;
	v24 =	vld [tilespmem:s21+$0x30]  }
0x133: {  	v23 =	vmax.f32 v23, v25;
	v25 =	vmul.f32 $2.000000030e-01, v26;
	v28 =	vadd.f32 v28, v27  }
0x134: {  	v20 =	vadd.f32 v20, v21;
	v21 =	vmul.f32 v23, v8  }
0x135: {  	v23 =	vmax.f32 v26, v25;
	v25 =	vmul.f32 $2.000000030e-01, v28;
	v26 =	vadd.f32 v29, v18  }
0x136: {  	v20 =	vadd.f32 v21, v20;
	v21 =	vmul.f32 v23, v9  }
0x137: {  	v23 =	vmax.f32 v28, v25;
	v25 =	vmul.f32 $2.000000030e-01, v26;
	v24 =	vadd.f32 v24, v30  }
0x138: {  	v20 =	vadd.f32 v21, v20;
	v21 =	vmul.f32 v23, v10  }
0x139: {  	v23 =	vmax.f32 v26, v25;
	v25 =	vmul.f32 $2.000000030e-01, v24  }
0x13a: {  	v20 =	vadd.f32 v21, v20;
	v21 =	vmul.f32 v23, v11  }
0x13b: {  	v23 =	vmax.f32 v24, v25  }
0x13c: {  	v20 =	vadd.f32 v21, v20;
	v21 =	vmul.f32 v23, v12;
	_ =	sdelay $0x1  }
0x13d: {  	v20 =	vadd.f32 v21, v20;
	_ =	sdelay $0x1  }
0x13e: {  	v21 =	vperm.xlane v20, v0;
	_ =	sdelay $0x1  }
0x13f: {  	v20 =	vadd.f32 v20, v21;
	_ =	sdelay $0x1  }
0x140: {  	v21 =	vperm.xlane v20, v1;
	_ =	sdelay $0x1  }
0x141: {  	v20 =	vadd.f32 v20, v21;
	_ =	sdelay $0x1  }
0x142: {  	v21 =	vperm.xlane v20, v2;
	_ =	sdelay $0x1  }
0x143: {  	v20 =	vadd.f32 v20, v21;
	_ =	sdelay $0x1  }
0x144: {  	v21 =	vperm.xlane v20, v3;
	_ =	sdelay $0x1  }
0x145: {  	v20 =	vadd.f32 v20, v21;
	_ =	sdelay $0x1  }
0x146: {  	v20 =	vmul.f32 $1.442695020e+00, v20;
	_ =	sdelay $0x1  }
0x147: {  	(erf) = vpow2.f32 v20;
	_ =	sdelay $0x6  }
.Ltmp2:
0x148: {  	(pc) =	sbr.rel @p1 .LBB2_8-.Ltmp2, $4  }
0x149: {  	v21 =	vmov s17  }
0x14a: {  	vm0 =	veq.s32 v21, v4;
	v20 =	vpop (erf)  }
0x14b: {  	v17 =	vsel vm0, v20, v17;
	v21 =	vmul.f32 v20, v19;
	v23 =	vmul.f32 v20, v30  }
0x14c: {  	v19 =	vmul.f32 v20, v22;
	v22 =	vmul.f32 v20, v27  }
0x14d: {  	[tilespmem:s13+$0x30] =	vst v23  }
0x14e: {  	[tilespmem:s13+$0xFFFFFFC0] =	vst v21  }
0x14f: {  	v14 =	vmul.f32 v20, v14;
	s18 =	sadd.s32 $0x1, s18;
	[tilespmem:s13+$0x10] =	vst v22  }
0x150: {  	v15 =	vmul.f32 v20, v15;
	[tilespmem:s13+$0xFFFFFFE0] =	vst v19;
	p1 =	sne.s32 s18, $0x3  }
.Ltmp3:
0x151: {  	v18 =	vmul.f32 v20, v18;
	[tilespmem:s13+$0xFFFFFFF0] =	vst v14;
	(pc) =	sbr.rel @p1 .LBB2_7-.Ltmp3, $4  }
0x152: {  	v13 =	vmul.f32 v20, v13;
	[tilespmem:s13+$0x0] =	vst v15  }
0x153: {  	[tilespmem:s13+$0x20] =	vst v18  }
0x154: {  	[tilespmem:s13+$0xFFFFFFD0] =	vst v13  }
0x155: {  	s30 =	sadd.s32 $0x800, s30;
	s10 =	sadd.s32 $0x800, s10;
	[tilespmem:v16+s5+$0x0] =	vst.idx.add.f32.msk $0xffff, v17  }
0x156: {  	[spmem:s4] =	stream.indirect.scatter.add.f32 [tilespmem:s6], [sflag:$0x8], $0x80, s14, s16, $0xb8;
	[tilespmem:$0x1F380] =	vst v63  }
0x157: {  	_ =	swait.ge [sflag:s11], $0x1800  }
0x158: {  	[sflag:s11] =	ssyncset.done $0x0  }
0x159: {  	[sflag:s11] =	ssyncadd.s32 $0xFFFFE800  }
0x15a: {  	_ =	swait.ge [sflag:s15], $0x30  }
0x15b: {  	[sflag:s15] =	ssyncset.done $0x0  }
0x15c: {  	[sflag:s15] =	ssyncadd.s32 $0xFFFFFFD0  }
0x15d: {  	_ =	swait.ge [sflag:s15], $0x30  }
0x15e: {  	[sflag:s15] =	ssyncset.done $0x0  }
0x15f: {  	s10 =	simm.s32 $0x2B00;
	[sflag:s15] =	ssyncadd.s32 $0xFFFFFFD0  }
0x160: {  	[tilespmem:s10], [sflag:$0x4] =	stream.indirect.gather [hbm4b:s1+s16], $0x80, s23, s16, $0xb8;
	[tilespmem:$0x1F380] =	vst v63  }
0x161: {  	p1 =	seq.s32 s3, $0x44;
	s10 =	rddreg [dreg:$0x11]  }
0x162: {  	s30 =	simm.s32 $0x4300;
	s10 =	sadd.s32 @!p1 s19, s10  }
0x163: {  	[tilespmem:s30], [sflag:$0x4] =	stream.indirect.gather [hbm4b:s2+s16], $0x80, s12, s16, $0xb8;
	[tilespmem:$0x1F380] =	vst v63  }
0x164: {  	s10 =	sshrl.u32 @!p1 s10, $0x3  }
0x165: {  	s17 =	simm.s32 @!p1 $0x0;
	s18 =	simm.s32 @!p1 $0x2900;
	s13 =	sadd.s32 @!p1 s7, s10  }
0x166: {  	[tilespmem:s18], [sflag:$0x2] =	stream.linear.gather @!p1 [hbm4b:s13+s17], $0x30, $0x38;
	[tilespmem:$0x1F380] =	vst v63  }
0x167: {  	s10 =	sadd.s32 @!p1 s8, s10;
	s13 =	simm.s32 @!p1 $0x2980  }
0x168: {  	[tilespmem:s13], [sflag:$0x2] =	stream.linear.gather @!p1 [hbm4b:s10+s17], $0x30, $0x38;
	[tilespmem:$0x1F380] =	vst v63  }
0x169: {  	_ =	swait.ge [sflag:s9], $0x1800  }
0x16a: {  	[sflag:s9] =	ssyncset.done $0x0  }
0x16b: {  	[sflag:s9] =	ssyncadd.s32 $0xFFFFE800  }
0x16c: {  	_ =	swait.ge [sflag:s9], $0x1800  }
0x16d: {  	s24 =	simm.s32 $0x0;
	s21 =	simm.s32 $0xA340;
	[sflag:s9] =	ssyncset.done $0x0  }
0x16e: {  	s18 =	simm.s32 $0x0;
	s13 =	simm.s32 $0x8B40;
	[sflag:s9] =	ssyncadd.s32 $0xFFFFE800  }
.LBB2_11:
0x16f: {  	v16 =	vld [tilespmem:s13+$0xFFFFFFC0]  }
0x170: {  	v15 =	vld [tilespmem:s21+$0xFFFFFFC0]  }
0x171: {  	v17 =	vld [tilespmem:s21+$0xFFFFFFD0]  }
0x172: {  	v13 =	vld [tilespmem:s13+$0xFFFFFFD0]  }
0x173: {  	v19 =	vld [tilespmem:s13+$0xFFFFFFE0]  }
0x174: {  	v18 =	vld [tilespmem:s21+$0xFFFFFFE0]  }
0x175: {  	v14 =	vld [tilespmem:s13+$0xFFFFFFF0];
	v20 =	vadd.f32 v15, v16  }
0x176: {  	v21 =	vld [tilespmem:s21+$0xFFFFFFF0]  }
0x177: {  	v23 =	vld [tilespmem:s21+$0x0];
	v17 =	vadd.f32 v17, v13;
	v22 =	vmul.f32 $2.000000030e-01, v20  }
0x178: {  	v15 =	vld [tilespmem:s13+$0x0]  }
0x179: {  	v24 =	vld [tilespmem:s13+$0x10];
	v25 =	vadd.f32 v18, v19;
	v20 =	vmax.f32 v20, v22;
	v22 =	vmul.f32 $2.000000030e-01, v17  }
0x17a: {  	v26 =	vld [tilespmem:s21+$0x10];
	v20 =	vmul.f32 v20, v5  }
0x17b: {  	v27 =	vld [tilespmem:s21+$0x20];
	v21 =	vadd.f32 v21, v14;
	v17 =	vmax.f32 v17, v22;
	v22 =	vmul.f32 $2.000000030e-01, v25  }
0x17c: {  	v18 =	vld [tilespmem:s13+$0x20];
	v20 =	vadd.f32 $0.0e+00, v20;
	v17 =	vmul.f32 v17, v6  }
0x17d: {  	v28 =	vld [tilespmem:s13+$0x30];
	v61 =	vmul.f32 $2.000000030e-01, v21;
	v23 =	vadd.f32 v23, v15;
	v22 =	vmax.f32 v25, v22  }
0x17e: {  	v17 =	vadd.f32 v17, v20;
	v20 =	vmul.f32 v22, v7;
	v22 =	vld [tilespmem:s21+$0x30]  }
0x17f: {  	v26 =	vadd.f32 v26, v24;
	v21 =	vmax.f32 v21, v61;
	v62 =	vmul.f32 $2.000000030e-01, v23  }
0x180: {  	v17 =	vadd.f32 v20, v17;
	v20 =	vmul.f32 v21, v8  }
0x181: {  	v63 =	vadd.f32 v27, v18;
	v21 =	vmax.f32 v23, v62;
	v23 =	vmul.f32 $2.000000030e-01, v26  }
0x182: {  	v17 =	vadd.f32 v20, v17;
	v20 =	vmul.f32 v21, v9  }
0x183: {  	v21 =	vmax.f32 v26, v23;
	v23 =	vmul.f32 $2.000000030e-01, v63;
	v22 =	vadd.f32 v22, v28  }
0x184: {  	v17 =	vadd.f32 v20, v17;
	v20 =	vmul.f32 v21, v10  }
0x185: {  	v21 =	vmax.f32 v63, v23;
	v23 =	vmul.f32 $2.000000030e-01, v22  }
0x186: {  	v17 =	vadd.f32 v20, v17;
	v20 =	vmul.f32 v21, v11  }
0x187: {  	v21 =	vmax.f32 v22, v23  }
0x188: {  	v17 =	vadd.f32 v20, v17;
	v20 =	vmul.f32 v21, v12;
	_ =	sdelay $0x1  }
0x189: {  	v17 =	vadd.f32 v20, v17;
	_ =	sdelay $0x1  }
0x18a: {  	v20 =	vperm.xlane v17, v0;
	_ =	sdelay $0x1  }
0x18b: {  	v17 =	vadd.f32 v17, v20;
	_ =	sdelay $0x1  }
0x18c: {  	v20 =	vperm.xlane v17, v1;
	_ =	sdelay $0x1  }
0x18d: {  	v17 =	vadd.f32 v17, v20;
	_ =	sdelay $0x1  }
0x18e: {  	v20 =	vperm.xlane v17, v2;
	_ =	sdelay $0x1  }
0x18f: {  	v17 =	vadd.f32 v17, v20;
	_ =	sdelay $0x1  }
0x190: {  	v20 =	vperm.xlane v17, v3;
	_ =	sdelay $0x1  }
0x191: {  	v17 =	vadd.f32 v17, v20;
	_ =	sdelay $0x1  }
0x192: {  	v17 =	vmul.f32 $1.442695020e+00, v17;
	_ =	sdelay $0x1  }
0x193: {  	(erf) = vpow2.f32 v17;
	_ =	sdelay $0x7  }
0x194: {  	v21 =	vmov s24  }
0x195: {  	vm0 =	veq.s32 v21, v4;
	v20 =	vpop (erf)  }
0x196: {  	s10 =	sshll.u32 s18, $0x4;
	s25 =	simm.s32 $0x1;
	v17 =	vimm.f32 $0.0e+00;
	v21 =	vmul.f32 v20, v16;
	v23 =	vmul.f32 v20, v28  }
0x197: {  	s20 =	smov.u32 s13;
	s30 =	smov.u32 s13;
	v16 =	vld [tilespmem:s10+$0x2A80];
	v17 =	vsel vm0, v20, v17;
	v19 =	vmul.f32 v20, v19;
	v22 =	vmul.f32 v20, v24;
	s10 =	smov.u32 s21  }
.LBB2_12:
0x198: {  	p2 =	sne.s32 s25, $0xF;
	v13 =	vmul.f32 v20, v13;
	v18 =	vmul.f32 v20, v18;
	[tilespmem:s20+$0x30] =	vst v23;
	s30 =	sadd.s32 $0x80, s30;
	s10 =	sadd.s32 $0x80, s10  }
0x199: {  	v14 =	vmul.f32 v20, v14;
	v15 =	vmul.f32 v20, v15;
	s17 =	smov.u32 s25;
	s25 =	sadd.s32 $0x1, s25;
	[tilespmem:s20+$0xFFFFFFC0] =	vst v21  }
0x19a: {  	[tilespmem:s20+$0x10] =	vst v22  }
0x19b: {  	[tilespmem:s20+$0xFFFFFFE0] =	vst v19  }
0x19c: {  	[tilespmem:s20+$0xFFFFFFF0] =	vst v14  }
0x19d: {  	[tilespmem:s20+$0x0] =	vst v15  }
0x19e: {  	[tilespmem:s20+$0x20] =	vst v18  }
0x19f: {  	v19 =	vld [tilespmem:s30+$0xFFFFFFC0];
	[tilespmem:s20+$0xFFFFFFD0] =	vst v13;
	s20 =	smov.u32 s30  }
0x1a0: {  	v15 =	vld [tilespmem:s10+$0xFFFFFFC0]  }
0x1a1: {  	v18 =	vld [tilespmem:s10+$0xFFFFFFD0]  }
0x1a2: {  	v13 =	vld [tilespmem:s30+$0xFFFFFFD0]  }
0x1a3: {  	v22 =	vld [tilespmem:s30+$0xFFFFFFE0]  }
0x1a4: {  	v20 =	vld [tilespmem:s10+$0xFFFFFFE0]  }
0x1a5: {  	v14 =	vld [tilespmem:s30+$0xFFFFFFF0];
	v21 =	vadd.f32 v15, v19  }
0x1a6: {  	v23 =	vld [tilespmem:s10+$0xFFFFFFF0]  }
0x1a7: {  	v15 =	vld [tilespmem:s30+$0x0];
	v24 =	vmul.f32 $2.000000030e-01, v21;
	v25 =	vadd.f32 v18, v13  }
0x1a8: {  	v26 =	vld [tilespmem:s10+$0x0]  }
0x1a9: {  	v27 =	vld [tilespmem:s30+$0x10];
	v18 =	vmax.f32 v21, v24;
	v21 =	vmul.f32 $2.000000030e-01, v25;
	v20 =	vadd.f32 v20, v22  }
0x1aa: {  	v24 =	vmul.f32 v18, v5;
	v28 =	vld [tilespmem:s10+$0x10]  }
0x1ab: {  	v18 =	vld [tilespmem:s30+$0x20];
	v21 =	vmax.f32 v25, v21;
	v25 =	vmul.f32 $2.000000030e-01, v20;
	v23 =	vadd.f32 v23, v14  }
0x1ac: {  	v24 =	vadd.f32 $0.0e+00, v24;
	v21 =	vmul.f32 v21, v6;
	v29 =	vld [tilespmem:s10+$0x20]  }
0x1ad: {  	v30 =	vld [tilespmem:s30+$0x30];
	v20 =	vmax.f32 v20, v25;
	v25 =	vmul.f32 $2.000000030e-01, v23;
	v26 =	vadd.f32 v26, v15  }
0x1ae: {  	v21 =	vadd.f32 v21, v24;
	v20 =	vmul.f32 v20, v7;
	v24 =	vld [tilespmem:s10+$0x30]  }
0x1af: {  	v23 =	vmax.f32 v23, v25;
	v25 =	vmul.f32 $2.000000030e-01, v26;
	v28 =	vadd.f32 v28, v27  }
0x1b0: {  	v20 =	vadd.f32 v20, v21;
	v21 =	vmul.f32 v23, v8  }
0x1b1: {  	v23 =	vmax.f32 v26, v25;
	v25 =	vmul.f32 $2.000000030e-01, v28;
	v26 =	vadd.f32 v29, v18  }
0x1b2: {  	v20 =	vadd.f32 v21, v20;
	v21 =	vmul.f32 v23, v9  }
0x1b3: {  	v23 =	vmax.f32 v28, v25;
	v25 =	vmul.f32 $2.000000030e-01, v26;
	v24 =	vadd.f32 v24, v30  }
0x1b4: {  	v20 =	vadd.f32 v21, v20;
	v21 =	vmul.f32 v23, v10  }
0x1b5: {  	v23 =	vmax.f32 v26, v25;
	v25 =	vmul.f32 $2.000000030e-01, v24  }
0x1b6: {  	v20 =	vadd.f32 v21, v20;
	v21 =	vmul.f32 v23, v11  }
0x1b7: {  	v23 =	vmax.f32 v24, v25  }
0x1b8: {  	v20 =	vadd.f32 v21, v20;
	v21 =	vmul.f32 v23, v12;
	_ =	sdelay $0x1  }
0x1b9: {  	v20 =	vadd.f32 v21, v20;
	_ =	sdelay $0x1  }
0x1ba: {  	v21 =	vperm.xlane v20, v0;
	_ =	sdelay $0x1  }
0x1bb: {  	v20 =	vadd.f32 v20, v21;
	_ =	sdelay $0x1  }
0x1bc: {  	v21 =	vperm.xlane v20, v1;
	_ =	sdelay $0x1  }
0x1bd: {  	v20 =	vadd.f32 v20, v21;
	_ =	sdelay $0x1  }
0x1be: {  	v21 =	vperm.xlane v20, v2;
	_ =	sdelay $0x1  }
0x1bf: {  	v20 =	vadd.f32 v20, v21;
	_ =	sdelay $0x1  }
0x1c0: {  	v21 =	vperm.xlane v20, v3;
	_ =	sdelay $0x1  }
0x1c1: {  	v20 =	vadd.f32 v20, v21;
	_ =	sdelay $0x1  }
0x1c2: {  	v20 =	vmul.f32 $1.442695020e+00, v20;
	_ =	sdelay $0x1  }
0x1c3: {  	(erf) = vpow2.f32 v20;
	_ =	sdelay $0x6  }
.Ltmp4:
0x1c4: {  	(pc) =	sbr.rel @p2 .LBB2_12-.Ltmp4, $4  }
0x1c5: {  	v21 =	vmov s17  }
0x1c6: {  	vm0 =	veq.s32 v21, v4;
	v20 =	vpop (erf)  }
0x1c7: {  	v17 =	vsel vm0, v20, v17;
	v21 =	vmul.f32 v20, v19;
	v23 =	vmul.f32 v20, v30  }
0x1c8: {  	v19 =	vmul.f32 v20, v22;
	v22 =	vmul.f32 v20, v27  }
0x1c9: {  	[tilespmem:s20+$0x30] =	vst v23  }
0x1ca: {  	[tilespmem:s20+$0xFFFFFFC0] =	vst v21  }
0x1cb: {  	v14 =	vmul.f32 v20, v14;
	s18 =	sadd.s32 $0x1, s18;
	[tilespmem:s20+$0x10] =	vst v22  }
0x1cc: {  	v15 =	vmul.f32 v20, v15;
	[tilespmem:s20+$0xFFFFFFE0] =	vst v19;
	p2 =	sne.s32 s18, $0x3  }
.Ltmp5:
0x1cd: {  	v18 =	vmul.f32 v20, v18;
	[tilespmem:s20+$0xFFFFFFF0] =	vst v14;
	(pc) =	sbr.rel @p2 .LBB2_11-.Ltmp5, $4  }
0x1ce: {  	v13 =	vmul.f32 v20, v13;
	[tilespmem:s20+$0x0] =	vst v15  }
0x1cf: {  	[tilespmem:s20+$0x20] =	vst v18  }
0x1d0: {  	[tilespmem:s20+$0xFFFFFFD0] =	vst v13  }
0x1d1: {  	s13 =	sadd.s32 $0x800, s13;
	s21 =	sadd.s32 $0x800, s21;
	[tilespmem:v16+s5+$0x0] =	vst.idx.add.f32.msk $0xffff, v17  }
.Ltmp6:
0x1d2: {  	s6 =	simm.s32 $0x8B00;
	(pc) =	sbr.rel @p1 .LBB2_16-.Ltmp6, $4  }
0x1d3: {  	[spmem:s4] =	stream.indirect.scatter.add.f32 [tilespmem:s6], [sflag:$0x9], $0x80, s26, s16, $0xb8;
	[tilespmem:$0x1F380] =	vst v63  }
0x1d4: {  	_ =	swait.ge [sflag:s31], $0x1800  }
0x1d5: {  	[sflag:s31] =	ssyncset.done $0x0  }
0x1d6: {  	[sflag:s31] =	ssyncadd.s32 $0xFFFFE800  }
0x1d7: {  	_ =	swait.ge [sflag:s22], $0x30  }
0x1d8: {  	[sflag:s22] =	ssyncset.done $0x0  }
0x1d9: {  	[sflag:s22] =	ssyncadd.s32 $0xFFFFFFD0  }
0x1da: {  	_ =	swait.ge [sflag:s22], $0x30  }
0x1db: {  	s10 =	simm.s32 $0x2900;
	[sflag:s22] =	ssyncset.done $0x0  }
0x1dc: {  	s6 =	simm.s32 $0x5B00;
	s25 =	rddreg [dreg:$0x12];
	[sflag:s22] =	ssyncadd.s32 $0xFFFFFFD0  }
0x1dd: {  	[tilespmem:s6], [sflag:$0x5] =	stream.indirect.gather [hbm4b:s1+s16], $0x80, s10, s16, $0xb8;
	[tilespmem:$0x1F380] =	vst v63  }
0x1de: {  	s24 =	simm.s32 $0x7300;
	s10 =	sadd.s32 s19, s25  }
0x1df: {  	[tilespmem:s24], [sflag:$0x5] =	stream.indirect.gather [hbm4b:s2+s16], $0x80, s14, s16, $0xb8;
	[tilespmem:$0x1F380] =	vst v63  }
.Ltmp7:
0x1e0: {  	s10 =	sshrl.u32 s10, $0x3;
	(pc) =	sbr.rel .LBB2_2-.Ltmp7, $4  }
0x1e1: {  	s30 =	simm.s32 $0x0;
	s17 =	simm.s32 $0x2A00;
	s13 =	sadd.s32 s7, s10  }
0x1e2: {  	[tilespmem:s17], [sflag:$0x3] =	stream.linear.gather [hbm4b:s13+s30], $0x30, $0x38;
	[tilespmem:$0x1F380] =	vst v63  }
0x1e3: {  	s3 =	sadd.s32 $0x1, s3;
	s10 =	sadd.s32 s8, s10  }
0x1e4: {  	[tilespmem:s26], [sflag:$0x3] =	stream.linear.gather [hbm4b:s10+s30], $0x30, $0x38;
	[tilespmem:$0x1F380] =	vst v63  }
.LBB2_16:
0x1e5: {  	_ =	swait.ge [sflag:s28], $0x1800  }
0x1e6: {  	[sflag:s28] =	ssyncset.done $0x0  }
0x1e7: {  	[sflag:s28] =	ssyncadd.s32 $0xFFFFE800  }
0x1e8: {  	_ =	swait.ge [sflag:s28], $0x1800  }
0x1e9: {  	s3 =	simm.s32 $0x0;
	s13 =	simm.s32 $0x2B40;
	[sflag:s28] =	ssyncset.done $0x0  }
0x1ea: {  	s19 =	simm.s32 $0x4340;
	s18 =	simm.s32 $0x0;
	[sflag:s28] =	ssyncadd.s32 $0xFFFFE800  }
.LBB2_17:
0x1eb: {  	v16 =	vld [tilespmem:s13+$0xFFFFFFC0]  }
0x1ec: {  	v15 =	vld [tilespmem:s19+$0xFFFFFFC0]  }
0x1ed: {  	v17 =	vld [tilespmem:s19+$0xFFFFFFD0]  }
0x1ee: {  	v13 =	vld [tilespmem:s13+$0xFFFFFFD0]  }
0x1ef: {  	v19 =	vld [tilespmem:s13+$0xFFFFFFE0]  }
0x1f0: {  	v18 =	vld [tilespmem:s19+$0xFFFFFFE0]  }
0x1f1: {  	v14 =	vld [tilespmem:s13+$0xFFFFFFF0];
	v20 =	vadd.f32 v15, v16  }
0x1f2: {  	v21 =	vld [tilespmem:s19+$0xFFFFFFF0]  }
0x1f3: {  	v23 =	vld [tilespmem:s19+$0x0];
	v17 =	vadd.f32 v17, v13;
	v22 =	vmul.f32 $2.000000030e-01, v20  }
0x1f4: {  	v15 =	vld [tilespmem:s13+$0x0]  }
0x1f5: {  	v24 =	vld [tilespmem:s13+$0x10];
	v25 =	vadd.f32 v18, v19;
	v20 =	vmax.f32 v20, v22;
	v22 =	vmul.f32 $2.000000030e-01, v17  }
0x1f6: {  	v26 =	vld [tilespmem:s19+$0x10];
	v20 =	vmul.f32 v20, v5  }
0x1f7: {  	v27 =	vld [tilespmem:s19+$0x20];
	v21 =	vadd.f32 v21, v14;
	v17 =	vmax.f32 v17, v22;
	v22 =	vmul.f32 $2.000000030e-01, v25  }
0x1f8: {  	v18 =	vld [tilespmem:s13+$0x20];
	v20 =	vadd.f32 $0.0e+00, v20;
	v17 =	vmul.f32 v17, v6  }
0x1f9: {  	v28 =	vld [tilespmem:s13+$0x30];
	v61 =	vmul.f32 $2.000000030e-01, v21;
	v23 =	vadd.f32 v23, v15;
	v22 =	vmax.f32 v25, v22  }
0x1fa: {  	v17 =	vadd.f32 v17, v20;
	v20 =	vmul.f32 v22, v7;
	v22 =	vld [tilespmem:s19+$0x30]  }
0x1fb: {  	v26 =	vadd.f32 v26, v24;
	v21 =	vmax.f32 v21, v61;
	v62 =	vmul.f32 $2.000000030e-01, v23  }
0x1fc: {  	v17 =	vadd.f32 v20, v17;
	v20 =	vmul.f32 v21, v8  }
0x1fd: {  	v63 =	vadd.f32 v27, v18;
	v21 =	vmax.f32 v23, v62;
	v23 =	vmul.f32 $2.000000030e-01, v26  }
0x1fe: {  	v17 =	vadd.f32 v20, v17;
	v20 =	vmul.f32 v21, v9  }
0x1ff: {  	v21 =	vmax.f32 v26, v23;
	v23 =	vmul.f32 $2.000000030e-01, v63;
	v22 =	vadd.f32 v22, v28  }
0x200: {  	v17 =	vadd.f32 v20, v17;
	v20 =	vmul.f32 v21, v10  }
0x201: {  	v21 =	vmax.f32 v63, v23;
	v23 =	vmul.f32 $2.000000030e-01, v22  }
0x202: {  	v17 =	vadd.f32 v20, v17;
	v20 =	vmul.f32 v21, v11  }
0x203: {  	v21 =	vmax.f32 v22, v23  }
0x204: {  	v17 =	vadd.f32 v20, v17;
	v20 =	vmul.f32 v21, v12;
	_ =	sdelay $0x1  }
0x205: {  	v17 =	vadd.f32 v20, v17;
	_ =	sdelay $0x1  }
0x206: {  	v20 =	vperm.xlane v17, v0;
	_ =	sdelay $0x1  }
0x207: {  	v17 =	vadd.f32 v17, v20;
	_ =	sdelay $0x1  }
0x208: {  	v20 =	vperm.xlane v17, v1;
	_ =	sdelay $0x1  }
0x209: {  	v17 =	vadd.f32 v17, v20;
	_ =	sdelay $0x1  }
0x20a: {  	v20 =	vperm.xlane v17, v2;
	_ =	sdelay $0x1  }
0x20b: {  	v17 =	vadd.f32 v17, v20;
	_ =	sdelay $0x1  }
0x20c: {  	v20 =	vperm.xlane v17, v3;
	_ =	sdelay $0x1  }
0x20d: {  	v17 =	vadd.f32 v17, v20;
	_ =	sdelay $0x1  }
0x20e: {  	v17 =	vmul.f32 $1.442695020e+00, v17;
	_ =	sdelay $0x1  }
0x20f: {  	(erf) = vpow2.f32 v17;
	_ =	sdelay $0x7  }
0x210: {  	v21 =	vmov s3  }
0x211: {  	vm0 =	veq.s32 v21, v4;
	v20 =	vpop (erf)  }
0x212: {  	s10 =	sshll.u32 s18, $0x4;
	s21 =	simm.s32 $0x1;
	v17 =	vimm.f32 $0.0e+00;
	v21 =	vmul.f32 v20, v16;
	v23 =	vmul.f32 v20, v28  }
0x213: {  	s20 =	smov.u32 s13;
	s24 =	smov.u32 s13;
	v16 =	vld [tilespmem:s10+$0x2880];
	v17 =	vsel vm0, v20, v17;
	v19 =	vmul.f32 v20, v19;
	v22 =	vmul.f32 v20, v24;
	s10 =	smov.u32 s19  }
.LBB2_18:
0x214: {  	p1 =	sne.s32 s21, $0xF;
	v13 =	vmul.f32 v20, v13;
	v18 =	vmul.f32 v20, v18;
	[tilespmem:s20+$0x30] =	vst v23;
	s24 =	sadd.s32 $0x80, s24;
	s10 =	sadd.s32 $0x80, s10  }
0x215: {  	v14 =	vmul.f32 v20, v14;
	v15 =	vmul.f32 v20, v15;
	s17 =	smov.u32 s21;
	s21 =	sadd.s32 $0x1, s21;
	[tilespmem:s20+$0xFFFFFFC0] =	vst v21  }
0x216: {  	[tilespmem:s20+$0x10] =	vst v22  }
0x217: {  	[tilespmem:s20+$0xFFFFFFE0] =	vst v19  }
0x218: {  	[tilespmem:s20+$0xFFFFFFF0] =	vst v14  }
0x219: {  	[tilespmem:s20+$0x0] =	vst v15  }
0x21a: {  	[tilespmem:s20+$0x20] =	vst v18  }
0x21b: {  	v19 =	vld [tilespmem:s24+$0xFFFFFFC0];
	[tilespmem:s20+$0xFFFFFFD0] =	vst v13;
	s20 =	smov.u32 s24  }
0x21c: {  	v15 =	vld [tilespmem:s10+$0xFFFFFFC0]  }
0x21d: {  	v18 =	vld [tilespmem:s10+$0xFFFFFFD0]  }
0x21e: {  	v13 =	vld [tilespmem:s24+$0xFFFFFFD0]  }
0x21f: {  	v22 =	vld [tilespmem:s24+$0xFFFFFFE0]  }
0x220: {  	v20 =	vld [tilespmem:s10+$0xFFFFFFE0]  }
0x221: {  	v14 =	vld [tilespmem:s24+$0xFFFFFFF0];
	v21 =	vadd.f32 v15, v19  }
0x222: {  	v23 =	vld [tilespmem:s10+$0xFFFFFFF0]  }
0x223: {  	v15 =	vld [tilespmem:s24+$0x0];
	v24 =	vmul.f32 $2.000000030e-01, v21;
	v25 =	vadd.f32 v18, v13  }
0x224: {  	v26 =	vld [tilespmem:s10+$0x0]  }
0x225: {  	v27 =	vld [tilespmem:s24+$0x10];
	v18 =	vmax.f32 v21, v24;
	v21 =	vmul.f32 $2.000000030e-01, v25;
	v20 =	vadd.f32 v20, v22  }
0x226: {  	v24 =	vmul.f32 v18, v5;
	v28 =	vld [tilespmem:s10+$0x10]  }
0x227: {  	v18 =	vld [tilespmem:s24+$0x20];
	v21 =	vmax.f32 v25, v21;
	v25 =	vmul.f32 $2.000000030e-01, v20;
	v23 =	vadd.f32 v23, v14  }
0x228: {  	v24 =	vadd.f32 $0.0e+00, v24;
	v21 =	vmul.f32 v21, v6;
	v29 =	vld [tilespmem:s10+$0x20]  }
0x229: {  	v30 =	vld [tilespmem:s24+$0x30];
	v20 =	vmax.f32 v20, v25;
	v25 =	vmul.f32 $2.000000030e-01, v23;
	v26 =	vadd.f32 v26, v15  }
0x22a: {  	v21 =	vadd.f32 v21, v24;
	v20 =	vmul.f32 v20, v7;
	v24 =	vld [tilespmem:s10+$0x30]  }
0x22b: {  	v23 =	vmax.f32 v23, v25;
	v25 =	vmul.f32 $2.000000030e-01, v26;
	v28 =	vadd.f32 v28, v27  }
0x22c: {  	v20 =	vadd.f32 v20, v21;
	v21 =	vmul.f32 v23, v8  }
0x22d: {  	v23 =	vmax.f32 v26, v25;
	v25 =	vmul.f32 $2.000000030e-01, v28;
	v26 =	vadd.f32 v29, v18  }
0x22e: {  	v20 =	vadd.f32 v21, v20;
	v21 =	vmul.f32 v23, v9  }
0x22f: {  	v23 =	vmax.f32 v28, v25;
	v25 =	vmul.f32 $2.000000030e-01, v26;
	v24 =	vadd.f32 v24, v30  }
0x230: {  	v20 =	vadd.f32 v21, v20;
	v21 =	vmul.f32 v23, v10  }
0x231: {  	v23 =	vmax.f32 v26, v25;
	v25 =	vmul.f32 $2.000000030e-01, v24  }
0x232: {  	v20 =	vadd.f32 v21, v20;
	v21 =	vmul.f32 v23, v11  }
0x233: {  	v23 =	vmax.f32 v24, v25  }
0x234: {  	v20 =	vadd.f32 v21, v20;
	v21 =	vmul.f32 v23, v12;
	_ =	sdelay $0x1  }
0x235: {  	v20 =	vadd.f32 v21, v20;
	_ =	sdelay $0x1  }
0x236: {  	v21 =	vperm.xlane v20, v0;
	_ =	sdelay $0x1  }
0x237: {  	v20 =	vadd.f32 v20, v21;
	_ =	sdelay $0x1  }
0x238: {  	v21 =	vperm.xlane v20, v1;
	_ =	sdelay $0x1  }
0x239: {  	v20 =	vadd.f32 v20, v21;
	_ =	sdelay $0x1  }
0x23a: {  	v21 =	vperm.xlane v20, v2;
	_ =	sdelay $0x1  }
0x23b: {  	v20 =	vadd.f32 v20, v21;
	_ =	sdelay $0x1  }
0x23c: {  	v21 =	vperm.xlane v20, v3;
	_ =	sdelay $0x1  }
0x23d: {  	v20 =	vadd.f32 v20, v21;
	_ =	sdelay $0x1  }
0x23e: {  	v20 =	vmul.f32 $1.442695020e+00, v20;
	_ =	sdelay $0x1  }
0x23f: {  	(erf) = vpow2.f32 v20;
	_ =	sdelay $0x6  }
.Ltmp8:
0x240: {  	(pc) =	sbr.rel @p1 .LBB2_18-.Ltmp8, $4  }
0x241: {  	v21 =	vmov s17  }
0x242: {  	vm0 =	veq.s32 v21, v4;
	v20 =	vpop (erf)  }
0x243: {  	v17 =	vsel vm0, v20, v17;
	v21 =	vmul.f32 v20, v19;
	v23 =	vmul.f32 v20, v30  }
0x244: {  	v19 =	vmul.f32 v20, v22;
	v22 =	vmul.f32 v20, v27  }
0x245: {  	[tilespmem:s20+$0x30] =	vst v23  }
0x246: {  	[tilespmem:s20+$0xFFFFFFC0] =	vst v21  }
0x247: {  	v14 =	vmul.f32 v20, v14;
	s18 =	sadd.s32 $0x1, s18;
	[tilespmem:s20+$0x10] =	vst v22  }
0x248: {  	v15 =	vmul.f32 v20, v15;
	[tilespmem:s20+$0xFFFFFFE0] =	vst v19;
	p1 =	sne.s32 s18, $0x3  }
.Ltmp9:
0x249: {  	v18 =	vmul.f32 v20, v18;
	[tilespmem:s20+$0xFFFFFFF0] =	vst v14;
	(pc) =	sbr.rel @p1 .LBB2_17-.Ltmp9, $4  }
0x24a: {  	v13 =	vmul.f32 v20, v13;
	[tilespmem:s20+$0x0] =	vst v15  }
0x24b: {  	[tilespmem:s20+$0x20] =	vst v18  }
0x24c: {  	[tilespmem:s20+$0xFFFFFFD0] =	vst v13  }
0x24d: {  	s13 =	sadd.s32 $0x800, s13;
	s19 =	sadd.s32 $0x800, s19;
	[tilespmem:v16+s5+$0x0] =	vst.idx.add.f32.msk $0xffff, v17  }
0x24e: {  	s3 =	simm.s32 $0x2B00;
	s21 =	simm.s32 $0x9  }
0x24f: {  	[spmem:s4] =	stream.indirect.scatter.add.f32 [tilespmem:s3], [sflag:$0x7], $0x80, s12, s16, $0xb8;
	[tilespmem:$0x1F380] =	vst v63  }
0x250: {  	_ =	swait.ge [sflag:s21], $0x1800  }
0x251: {  	s10 =	simm.s32 $0x0;
	s13 =	simm.s32 $0x2900;
	[sflag:s21] =	ssyncset.done $0x0  }
0x252: {  	s19 =	simm.s32 $0xA;
	s24 =	rddreg [dreg:$0x13];
	[sflag:s21] =	ssyncadd.s32 $0xFFFFE800  }
0x253: {  	[tilespmem:s13], [sflag:$0xA] =	stream.linear.gather [hbm4b:s24+s10], $0x10, $0x38;
	[tilespmem:$0x1F380] =	vst v63  }
0x254: {  	_ =	swait.ge [sflag:s19], $0x10  }
0x255: {  	[sflag:s19] =	ssyncset.done $0x0  }
0x256: {  	s25 =	rddreg [dreg:$0x14];
	[sflag:s19] =	ssyncadd.s32 $0xFFFFFFF0  }
0x257: {  	[tilespmem:s14], [sflag:$0xA] =	stream.linear.gather [hbm4b:s25+s10], $0x10, $0x38;
	[tilespmem:$0x1F380] =	vst v63  }
0x258: {  	_ =	swait.ge [sflag:s19], $0x10  }
0x259: {  	[sflag:s19] =	ssyncset.done $0x0  }
0x25a: {  	s6 =	simm.s32 $0x5B00;
	s20 =	simm.s32 $0x10;
	[sflag:s19] =	ssyncadd.s32 $0xFFFFFFF0  }
0x25b: {  	[tilespmem:s6], [sflag:$0x5] =	stream.indirect.gather [hbm4b:s1+s20], $0x80, s13, s20, $0xb8;
	[tilespmem:$0x1F380] =	vst v63  }
0x25c: {  	s30 =	simm.s32 $0x7300  }
0x25d: {  	[tilespmem:s30], [sflag:$0x5] =	stream.indirect.gather [hbm4b:s2+s20], $0x80, s14, s20, $0xb8;
	[tilespmem:$0x1F380] =	vst v63  }
0x25e: {  	_ =	swait.ge [sflag:s0], $0x800  }
0x25f: {  	[sflag:s0] =	ssyncset.done $0x0  }
0x260: {  	[sflag:s0] =	ssyncadd.s32 $0xFFFFF800  }
0x261: {  	_ =	swait.ge [sflag:s0], $0x800  }
0x262: {  	[sflag:s0] =	ssyncset.done $0x0  }
0x263: {  	s3 =	simm.s32 $0x5B40;
	[sflag:s0] =	ssyncadd.s32 $0xFFFFF800  }
0x264: {  	s13 =	simm.s32 $0x7340;
	v16 =	vld [tilespmem:s3+$0xFFFFFFC0]  }
0x265: {  	v15 =	vld [tilespmem:s13+$0xFFFFFFC0]  }
0x266: {  	v17 =	vld [tilespmem:s13+$0xFFFFFFD0]  }
0x267: {  	v13 =	vld [tilespmem:s3+$0xFFFFFFD0]  }
0x268: {  	v19 =	vld [tilespmem:s3+$0xFFFFFFE0]  }
0x269: {  	v18 =	vld [tilespmem:s13+$0xFFFFFFE0]  }
0x26a: {  	v14 =	vld [tilespmem:s3+$0xFFFFFFF0];
	v20 =	vadd.f32 v15, v16  }
0x26b: {  	v21 =	vld [tilespmem:s13+$0xFFFFFFF0]  }
0x26c: {  	v23 =	vld [tilespmem:s13+$0x0];
	v17 =	vadd.f32 v17, v13;
	v22 =	vmul.f32 $2.000000030e-01, v20  }
0x26d: {  	v15 =	vld [tilespmem:s3+$0x0]  }
0x26e: {  	v24 =	vld [tilespmem:s3+$0x10];
	v25 =	vadd.f32 v18, v19;
	v20 =	vmax.f32 v20, v22;
	v22 =	vmul.f32 $2.000000030e-01, v17  }
0x26f: {  	v26 =	vld [tilespmem:s13+$0x10];
	v20 =	vmul.f32 v20, v5  }
0x270: {  	v27 =	vld [tilespmem:s13+$0x20];
	v21 =	vadd.f32 v21, v14;
	v17 =	vmax.f32 v17, v22;
	v22 =	vmul.f32 $2.000000030e-01, v25  }
0x271: {  	v18 =	vld [tilespmem:s3+$0x20];
	v20 =	vadd.f32 $0.0e+00, v20;
	v17 =	vmul.f32 v17, v6  }
0x272: {  	v28 =	vld [tilespmem:s3+$0x30];
	v61 =	vmul.f32 $2.000000030e-01, v21;
	v23 =	vadd.f32 v23, v15;
	v22 =	vmax.f32 v25, v22  }
0x273: {  	v17 =	vadd.f32 v17, v20;
	v20 =	vmul.f32 v22, v7;
	v22 =	vld [tilespmem:s13+$0x30]  }
0x274: {  	v26 =	vadd.f32 v26, v24;
	v21 =	vmax.f32 v21, v61;
	v62 =	vmul.f32 $2.000000030e-01, v23  }
0x275: {  	v17 =	vadd.f32 v20, v17;
	v20 =	vmul.f32 v21, v8  }
0x276: {  	v63 =	vadd.f32 v27, v18;
	v21 =	vmax.f32 v23, v62;
	v23 =	vmul.f32 $2.000000030e-01, v26  }
0x277: {  	v17 =	vadd.f32 v20, v17;
	v20 =	vmul.f32 v21, v9  }
0x278: {  	v21 =	vmax.f32 v26, v23;
	v23 =	vmul.f32 $2.000000030e-01, v63;
	v22 =	vadd.f32 v22, v28  }
0x279: {  	v17 =	vadd.f32 v20, v17;
	v20 =	vmul.f32 v21, v10  }
0x27a: {  	v21 =	vmax.f32 v63, v23;
	v23 =	vmul.f32 $2.000000030e-01, v22  }
0x27b: {  	v17 =	vadd.f32 v20, v17;
	v20 =	vmul.f32 v21, v11  }
0x27c: {  	v21 =	vmax.f32 v22, v23  }
0x27d: {  	v17 =	vadd.f32 v20, v17;
	v20 =	vmul.f32 v21, v12;
	_ =	sdelay $0x1  }
0x27e: {  	v17 =	vadd.f32 v20, v17;
	_ =	sdelay $0x1  }
0x27f: {  	v20 =	vperm.xlane v17, v0;
	_ =	sdelay $0x1  }
0x280: {  	v17 =	vadd.f32 v17, v20;
	_ =	sdelay $0x1  }
0x281: {  	v20 =	vperm.xlane v17, v1;
	_ =	sdelay $0x1  }
0x282: {  	v17 =	vadd.f32 v17, v20;
	_ =	sdelay $0x1  }
0x283: {  	v20 =	vperm.xlane v17, v2;
	_ =	sdelay $0x1  }
0x284: {  	v17 =	vadd.f32 v17, v20;
	_ =	sdelay $0x1  }
0x285: {  	v20 =	vperm.xlane v17, v3;
	_ =	sdelay $0x1  }
0x286: {  	v17 =	vadd.f32 v17, v20;
	_ =	sdelay $0x1  }
0x287: {  	v17 =	vmul.f32 $1.442695020e+00, v17;
	_ =	sdelay $0x1  }
0x288: {  	(erf) = vpow2.f32 v17;
	_ =	sdelay $0x7  }
0x289: {  	v21 =	vmov s10  }
0x28a: {  	vm0 =	veq.s32 v21, v4;
	v20 =	vpop (erf)  }
0x28b: {  	v17 =	vimm.f32 $0.0e+00;
	v21 =	vmul.f32 v20, v16;
	v23 =	vmul.f32 v20, v28  }
0x28c: {  	s18 =	simm.s32 $0x1;
	s10 =	simm.s32 $0x5B40;
	v16 =	vld [tilespmem:$0x2980];
	v17 =	vsel vm0, v20, v17;
	v19 =	vmul.f32 v20, v19;
	v22 =	vmul.f32 v20, v24  }
.LBB2_21:
0x28d: {  	p1 =	sne.s32 s18, $0xF;
	v13 =	vmul.f32 v20, v13;
	v18 =	vmul.f32 v20, v18;
	[tilespmem:s3+$0x30] =	vst v23;
	s10 =	sadd.s32 $0x80, s10;
	s13 =	sadd.s32 $0x80, s13  }
0x28e: {  	v14 =	vmul.f32 v20, v14;
	v15 =	vmul.f32 v20, v15;
	s17 =	smov.u32 s18;
	s18 =	sadd.s32 $0x1, s18;
	[tilespmem:s3+$0xFFFFFFC0] =	vst v21  }
0x28f: {  	[tilespmem:s3+$0x10] =	vst v22  }
0x290: {  	[tilespmem:s3+$0xFFFFFFE0] =	vst v19  }
0x291: {  	[tilespmem:s3+$0xFFFFFFF0] =	vst v14  }
0x292: {  	[tilespmem:s3+$0x0] =	vst v15  }
0x293: {  	[tilespmem:s3+$0x20] =	vst v18  }
0x294: {  	v19 =	vld [tilespmem:s10+$0xFFFFFFC0];
	[tilespmem:s3+$0xFFFFFFD0] =	vst v13;
	s3 =	smov.u32 s10  }
0x295: {  	v15 =	vld [tilespmem:s13+$0xFFFFFFC0]  }
0x296: {  	v18 =	vld [tilespmem:s13+$0xFFFFFFD0]  }
0x297: {  	v13 =	vld [tilespmem:s10+$0xFFFFFFD0]  }
0x298: {  	v22 =	vld [tilespmem:s10+$0xFFFFFFE0]  }
0x299: {  	v20 =	vld [tilespmem:s13+$0xFFFFFFE0]  }
0x29a: {  	v14 =	vld [tilespmem:s10+$0xFFFFFFF0];
	v21 =	vadd.f32 v15, v19  }
0x29b: {  	v23 =	vld [tilespmem:s13+$0xFFFFFFF0]  }
0x29c: {  	v15 =	vld [tilespmem:s10+$0x0];
	v24 =	vmul.f32 $2.000000030e-01, v21;
	v25 =	vadd.f32 v18, v13  }
0x29d: {  	v26 =	vld [tilespmem:s13+$0x0]  }
0x29e: {  	v27 =	vld [tilespmem:s10+$0x10];
	v18 =	vmax.f32 v21, v24;
	v21 =	vmul.f32 $2.000000030e-01, v25;
	v20 =	vadd.f32 v20, v22  }
0x29f: {  	v24 =	vmul.f32 v18, v5;
	v28 =	vld [tilespmem:s13+$0x10]  }
0x2a0: {  	v18 =	vld [tilespmem:s10+$0x20];
	v21 =	vmax.f32 v25, v21;
	v25 =	vmul.f32 $2.000000030e-01, v20;
	v23 =	vadd.f32 v23, v14  }
0x2a1: {  	v24 =	vadd.f32 $0.0e+00, v24;
	v21 =	vmul.f32 v21, v6;
	v29 =	vld [tilespmem:s13+$0x20]  }
0x2a2: {  	v30 =	vld [tilespmem:s10+$0x30];
	v20 =	vmax.f32 v20, v25;
	v25 =	vmul.f32 $2.000000030e-01, v23;
	v26 =	vadd.f32 v26, v15  }
0x2a3: {  	v21 =	vadd.f32 v21, v24;
	v20 =	vmul.f32 v20, v7;
	v24 =	vld [tilespmem:s13+$0x30]  }
0x2a4: {  	v23 =	vmax.f32 v23, v25;
	v25 =	vmul.f32 $2.000000030e-01, v26;
	v28 =	vadd.f32 v28, v27  }
0x2a5: {  	v20 =	vadd.f32 v20, v21;
	v21 =	vmul.f32 v23, v8  }
0x2a6: {  	v23 =	vmax.f32 v26, v25;
	v25 =	vmul.f32 $2.000000030e-01, v28;
	v26 =	vadd.f32 v29, v18  }
0x2a7: {  	v20 =	vadd.f32 v21, v20;
	v21 =	vmul.f32 v23, v9  }
0x2a8: {  	v23 =	vmax.f32 v28, v25;
	v25 =	vmul.f32 $2.000000030e-01, v26;
	v24 =	vadd.f32 v24, v30  }
0x2a9: {  	v20 =	vadd.f32 v21, v20;
	v21 =	vmul.f32 v23, v10  }
0x2aa: {  	v23 =	vmax.f32 v26, v25;
	v25 =	vmul.f32 $2.000000030e-01, v24  }
0x2ab: {  	v20 =	vadd.f32 v21, v20;
	v21 =	vmul.f32 v23, v11  }
0x2ac: {  	v23 =	vmax.f32 v24, v25  }
0x2ad: {  	v20 =	vadd.f32 v21, v20;
	v21 =	vmul.f32 v23, v12;
	_ =	sdelay $0x1  }
0x2ae: {  	v20 =	vadd.f32 v21, v20;
	_ =	sdelay $0x1  }
0x2af: {  	v21 =	vperm.xlane v20, v0;
	_ =	sdelay $0x1  }
0x2b0: {  	v20 =	vadd.f32 v20, v21;
	_ =	sdelay $0x1  }
0x2b1: {  	v21 =	vperm.xlane v20, v1;
	_ =	sdelay $0x1  }
0x2b2: {  	v20 =	vadd.f32 v20, v21;
	_ =	sdelay $0x1  }
0x2b3: {  	v21 =	vperm.xlane v20, v2;
	_ =	sdelay $0x1  }
0x2b4: {  	v20 =	vadd.f32 v20, v21;
	_ =	sdelay $0x1  }
0x2b5: {  	v21 =	vperm.xlane v20, v3;
	_ =	sdelay $0x1  }
0x2b6: {  	v20 =	vadd.f32 v20, v21;
	_ =	sdelay $0x1  }
0x2b7: {  	v20 =	vmul.f32 $1.442695020e+00, v20;
	_ =	sdelay $0x1  }
0x2b8: {  	(erf) = vpow2.f32 v20;
	_ =	sdelay $0x6  }
.Ltmp10:
0x2b9: {  	(pc) =	sbr.rel @p1 .LBB2_21-.Ltmp10, $4  }
0x2ba: {  	v21 =	vmov s17  }
0x2bb: {  	vm0 =	veq.s32 v21, v4;
	v20 =	vpop (erf)  }
0x2bc: {  	v17 =	vsel vm0, v20, v17;
	v21 =	vmul.f32 v20, v19;
	v23 =	vmul.f32 v20, v30  }
0x2bd: {  	v19 =	vmul.f32 v20, v22;
	v22 =	vmul.f32 v20, v27  }
0x2be: {  	[tilespmem:s3+$0x30] =	vst v23  }
0x2bf: {  	[tilespmem:s3+$0xFFFFFFC0] =	vst v21  }
0x2c0: {  	v5 =	vmul.f32 v20, v14;
	[tilespmem:s3+$0x10] =	vst v22  }
0x2c1: {  	v6 =	vmul.f32 v20, v15;
	[tilespmem:s3+$0xFFFFFFE0] =	vst v19  }
0x2c2: {  	v7 =	vmul.f32 v20, v18;
	[tilespmem:s3+$0xFFFFFFF0] =	vst v5  }
0x2c3: {  	v5 =	vmul.f32 v20, v13;
	[tilespmem:s3+$0x0] =	vst v6  }
0x2c4: {  	[tilespmem:s3+$0x20] =	vst v7  }
0x2c5: {  	[tilespmem:s3+$0xFFFFFFD0] =	vst v5  }
0x2c6: {  	[tilespmem:v16+s5+$0x0] =	vst.idx.add.f32.msk $0xffff, v17  }
0x2c7: {  	[spmem:s4] =	stream.indirect.scatter.add.f32 [tilespmem:s6], [sflag:$0x8], $0x80, s14, s20, $0xb8;
	[tilespmem:$0x1F380] =	vst v63  }
0x2c8: {  	_ =	swait.ge [sflag:s11], $0x1800  }
0x2c9: {  	[sflag:s11] =	ssyncset.done $0x0  }
0x2ca: {  	[sflag:s11] =	ssyncadd.s32 $0xFFFFE800  }
0x2cb: {  	_ =	swait.ge [sflag:s31], $0x800  }
0x2cc: {  	[sflag:s31] =	ssyncset.done $0x0  }
0x2cd: {  	[sflag:s31] =	ssyncadd.s32 $0xFFFFF800  }
0x2ce: {  	[bflag:$0x0] =	sbarrier.arrive $0xFFFF  }
0x2cf: {  	s20 =	rddreg [dreg:$0x10]  }
0x2d0: {  	s10 =	rddreg [dreg:$0x1e]  }
0x2d1: {  	s13 =	rddreg [dreg:$0x1f]  }
0x2d2: {  	[hbm:s20], [sflag:s10] =	dma.local [spmem:s13], $0x2700  }
0x2d3: {  	_ =	swait.ge [sflag:s19], $0x2700  }
0x2d4: {  	s13 =	sld [smem:$0x7FD]  }
0x2d5: {  	[sflag:s19] =	ssyncset.done $0x0  }
0x2d6: {  	s3 =	rddreg [dreg:$0x15];
	[sflag:s19] =	ssyncadd.s32 $0xFFFFD900  }
0x2d7: {  	[hbm:s3], [sflag:s10] =	dma.local @!p0 [spmem:s13], $0x100  }
0x2d8: {  	s3 =	simm.s32 @!p0 $0xA  }
0x2d9: {  	_ =	swait.ge @!p0 [sflag:s3], $0x100  }
0x2da: {  	[sflag:s3] =	ssyncset.done @!p0 $0x0  }
0x2db: {  	s24 =	simm.s32 $0x400;
	s21 =	rddreg [dreg:$0x16];
	[sflag:s3] =	ssyncadd.s32 @!p0 $0xFFFFFF00  }
0x2dc: {  	[hbm4b:s21+s5] =	stream.strided.scatter [tilespmem:s5], [sflag:$0xA], $0x2780, s24, s5, $0x38;
	[tilespmem:$0x1F380] =	vst v63  }
0x2dd: {  	_ =	swait.ge [sflag:s19], $0x2780  }
0x2de: {  	s25 =	rddreg [dreg:$0x1d]  }
0x2df: {  	s30 =	rddreg [dreg:$0x17];
	s10 =	sadd.s32 $0x1, s25  }
0x2e0: {  	p1 =	sne.s32 s10, s30  }
.Ltmp11:
0x2e1: {  	_ = 	snop;
	(pc) =	sbr.rel @p1 .LBB2_1-.Ltmp11, $3  }
0x2e2: {  	_ =	sdelay $0x1  }
0x2e3: {  	[sflag:s19] =	ssyncset.done $0x0  }
0x2e4: {  	[sflag:s19] =	ssyncadd.s32 $0xFFFFD880  }
0x2e5: {  	_ =	sfence.sel $0x180000  }
0x2e6: {  	[bflag:$0x0] =	sbarrier.arrive $0xFFFF  }
0x2e7: {  	_ =	strace $0x90000047  }
0x2e8: {  	s0 =	stileid.u32;
	[bflag:$0x2] =	sbarrier.arrive $0xFFFF  }
0x2e9: {  	p0 =	sne.s32 s0, $0x0;
	s0 =	rddreg [dreg:$0x5]  }
0x2ea: {  	s0 =	sadd.s32 @!p0 $0x100000, s0  }
0x2eb: {  	[sflag:s0] =	ssyncadd.tile.s32 @!p0 $0x1;
	_ =	shalt  }
.Lfunc_end2:
_tile_overlayer_lowered:
.L_overlay_start_2:
0x2ec: {  	(tag) =	ssettag $0x2  }
0x2ed: {  	s0 =	rddreg [dreg:$0x0];
	s2 =	stileid.u32  }
0x2ee: {  	s1 =	rddreg [dreg:$0x1];
	p0 =	sne.s32 s2, $0x0  }
0x2ef: {  	s3 =	rddreg [dreg:$0x2];
	[bflag:$0x3] =	sbarrier.arrive $0xFFFF;
	s2 =	simm.s32 @!p0 $0x1C0A  }
0x2f0: {  	[timem:s3], [sflag:s2] =	dma.local @!p0 [hbm:s0], s1  }
0x2f1: {  	s0 =	simm.s32 @!p0 $0xA  }
0x2f2: {  	_ =	swait.ge @!p0 [sflag:s0], s1  }
0x2f3: {  	s1 =	ssub.s32 @!p0 $0x0, s1;
	[sflag:s0] =	ssyncset.done @!p0 $0x0  }
0x2f4: {  	[sflag:s0] =	ssyncadd.s32 @!p0 s1  }
0x2f5: {  	[bflag:$0x3] =	sbarrier.arrive $0xFFFF  }
0x2f6: {  	_ =	shalt  }

</sc_bundles>
